<compile_context>
chip_gen: v7x
topology: tpu7x:2x2x1
jax: 0.10.2.dev20260603
libtpu: 0.0.44.dev20260713+nightly
codegen_flags: <defaults>
</compile_context>

<pallas_src>
import functools

import jax
import jax.numpy as jnp
from jax import lax
from jax.experimental import pallas as pl
from jax.experimental.pallas import tpu as pltpu
from jax.experimental.pallas import tpu_sc as plsc

_SMOOTHING = 0.1
_CONFIDENCE = 1.0 - _SMOOTHING
_PAD = 0
_VOCAB = 32000
_SMOOTH_VAL = _SMOOTHING / (_VOCAB - 2)

_ROW_BLK = 1024
_COL_BLK = 3200

_NC = 2
_NS = 16
_NW = _NC * _NS
_LANES = 16
_SEG = 128


def _fill_kernel(ids_ref, out_ref):
    tgt = ids_ref[:, 0][:, None]
    row_val = jnp.where(tgt == _PAD, 0.0, _SMOOTH_VAL).astype(jnp.float32)
    out_ref[...] = jnp.broadcast_to(row_val, (_ROW_BLK, _COL_BLK))

    @pl.when(pl.program_id(1) == 0)
    def _zero_pad_col():
        out_ref[:, pl.ds(0, 1)] = jnp.zeros((_ROW_BLK, 1), jnp.float32)


def _sc_scatter_body(rows_per_w, ids_hbm, out_ref, ids_v, seg_buf, sem):
    wid = lax.axis_index("s") * _NC + lax.axis_index("c")
    base_row = wid * rows_per_w
    pltpu.sync_copy(ids_hbm.at[pl.ds(base_row, rows_per_w)], ids_v)
    lane = lax.iota(jnp.int32, _LANES)

    @pl.loop(0, rows_per_w // _LANES)
    def _scatter(g):
        off = pl.multiple_of(g * _LANES, _LANES)
        chunk = ids_v[pl.ds(off, _LANES)]
        for l in range(_LANES):
            col = jnp.max(jnp.where(lane == l, chunk, 0))
            i = g * _LANES + l
            pad = col == _PAD
            base_val = jnp.where(pad, 0.0, _SMOOTH_VAL).astype(jnp.float32)
            val = jnp.where(pad, 0.0, _CONFIDENCE).astype(jnp.float32)
            seg = pl.multiple_of((col // _SEG) * _SEG, _SEG)
            within = col % _SEG
            zero_lane = jnp.where(seg == 0, 0, -1)
            for c in range(_SEG // _LANES):
                piece = jnp.where(lane == within - c * _LANES, val, base_val)
                if c == 0:
                    piece = jnp.where(lane == zero_lane, 0.0, piece)
                seg_buf[i, pl.ds(c * _LANES, _LANES)] = piece
            pltpu.make_async_copy(
                seg_buf.at[i], out_ref.at[base_row + i, pl.ds(seg, _SEG)], sem
            ).start()

    pltpu.make_async_copy(
        out_ref.at[pl.ds(base_row, rows_per_w), pl.ds(0, _SEG)], seg_buf, sem
    ).wait()


def kernel(trg_token_ids_batch):
    batch = trg_token_ids_batch.shape[0]
    rows_per_w = batch // _NW
    base = pl.pallas_call(
        _fill_kernel,
        grid=(batch // _ROW_BLK, _VOCAB // _COL_BLK),
        in_specs=[pl.BlockSpec((_ROW_BLK, 1), lambda i, j: (i, 0))],
        out_specs=pl.BlockSpec((_ROW_BLK, _COL_BLK), lambda i, j: (i, j)),
        out_shape=jax.ShapeDtypeStruct((batch, _VOCAB), jnp.float32),
    )(trg_token_ids_batch)

    sc_scatter = functools.partial(
        pl.kernel,
        mesh=plsc.VectorSubcoreMesh(
            core_axis_name="c",
            subcore_axis_name="s",
            num_cores=_NC,
            num_subcores=_NS,
        ),
        scratch_types=[
            pltpu.VMEM((rows_per_w,), jnp.int32),
            pltpu.VMEM((rows_per_w, _SEG), jnp.float32),
            pltpu.SemaphoreType.DMA,
        ],
        compiler_params=pltpu.CompilerParams(
            use_tc_tiling_on_sc=True, needs_layout_passes=False
        ),
    )(functools.partial(_sc_scatter_body, rows_per_w))

    out_ref = jax.new_ref(base)
    sc_scatter(trg_token_ids_batch.reshape(batch), out_ref)
    return jax.freeze(out_ref)

# --- scband reference (transcript-rebuilt; emitter-appended) ---
"""Pipeline reference for scband-label-smoothing-distribution-1090921693624 (READ-ONLY COPY).

The authoritative reference and input builder live on the scoring server;
editing this copy changes nothing except your own understanding.
"""

import jax, jax.numpy as jnp
import numpy as np

SMOOTHING_VALUE = 0.1
CONFIDENCE_VALUE = 1.0 - SMOOTHING_VALUE
PAD_TOKEN_ID = 0
TRG_VOCAB_SIZE = 32000


def setup_inputs(seed: int = 0) -> dict:
    key = jax.random.key(seed)
    trg_token_ids_batch = jax.random.randint(key, (4096, 1), 0, TRG_VOCAB_SIZE, dtype=jnp.int64 if jax.config.jax_enable_x64 else jnp.int32).astype(jnp.int32)
    return {"trg_token_ids_batch": trg_token_ids_batch}


def reference(trg_token_ids_batch):
    batch_size = trg_token_ids_batch.shape[0]
    # fill with smoothing mass distributed over vocab minus 2 (target + pad)
    smooth = jnp.full((batch_size, TRG_VOCAB_SIZE), SMOOTHING_VALUE / (TRG_VOCAB_SIZE - 2), dtype=jnp.float32)
    # scatter_(1, trg_token_ids_batch, confidence): set target column per row
    rows = jnp.arange(batch_size)
    cols = trg_token_ids_batch[:, 0]
    smooth = smooth.at[rows, cols].set(CONFIDENCE_VALUE)
    # zero out pad column everywhere
    smooth = smooth.at[:, PAD_TOKEN_ID].set(0.0)
    # masked_fill_: rows whose target is pad get fully zeroed (mask [B,1] broadcasts over vocab dim)
    pad_mask = (trg_token_ids_batch == PAD_TOKEN_ID)  # [B, 1]
    smooth = jnp.where(pad_mask, 0.0, smooth)
    return smooth

if __name__ == "__main__":
    import jax
    _d = setup_inputs()
    print(jax.jit(kernel)(*tuple(_d.values())))

</pallas_src>

<mosaic_0001>
#map = affine_map<(d0, d1) -> (0)>
#map1 = affine_map<(d0, d1) -> (0, 0)>
module attributes {stable_mosaic.version = 14 : i64} {
  func.func @new_body(%arg0: i32, %arg1: i32, %arg2: memref<4096xi32, #tpu.memory_space<hbm>>, %arg3: memref<4096x32000xf32, #tpu.memory_space<hbm>>, %arg4: memref<4096x32000xf32, #tpu.memory_space<hbm>>, %arg5: memref<128xi32, #tpu.memory_space<vmem>>, %arg6: memref<128x128xf32, #tpu.memory_space<vmem>>, %arg7: memref<!tpu.dma_semaphore, #tpu.memory_space<semaphore_mem>>) attributes {dimension_semantics = [#tpu.dimension_semantics<core_parallel>, #tpu.dimension_semantics<subcore_parallel>], iteration_bounds = array<i64: 2, 16>, scalar_prefetch = 0 : i64, scratch_operands = 3 : i64, tpu.core_type = #tpu.core_type<sc_vector_subcore>, window_params = [{transform_indices = #map}, {transform_indices = #map1}, {transform_indices = #map1}]} {
    %mul3A = arith.constant 2 : i32
    %mul3A_0 = arith.muli %arg1, %mul3A : i32
    %add3A = arith.addi %mul3A_0, %arg0 : i32
    %mul3A_1 = arith.constant 128 : i32
    %mul3A_2 = arith.muli %add3A, %mul3A_1 : i32
    "tpu.region"() ({
      %run_scoped3A = tpu.sem_alloc : memref<!tpu.dma_semaphore, #tpu.memory_space<semaphore_mem>>
      %dma_start3A = tpu.memref_slice %arg2[%mul3A_2] : memref<4096xi32, #tpu.memory_space<hbm>> -> memref<128xi32, #tpu.memory_space<hbm>>
      %dma_start3A_10 = tpu.memref_slice %arg2[%mul3A_2] : memref<4096xi32, #tpu.memory_space<hbm>> -> memref<128xi32, #tpu.memory_space<hbm>>
      tpu.enqueue_dma source(%dma_start3A_10 : memref<128xi32, #tpu.memory_space<hbm>>) target(%arg5 : memref<128xi32, #tpu.memory_space<vmem>>) target_semaphore(%run_scoped3A : memref<!tpu.dma_semaphore, #tpu.memory_space<semaphore_mem>>)
      %dma_wait3A_11 = tpu.memref_slice %arg2[%mul3A_2] : memref<4096xi32, #tpu.memory_space<hbm>> -> memref<128xi32, #tpu.memory_space<hbm>>
      %dma_wait3A_12 = tpu.memref_slice %arg2[%mul3A_2] : memref<4096xi32, #tpu.memory_space<hbm>> -> memref<128xi32, #tpu.memory_space<hbm>>
      tpu.wait_dma2 semaphore(%run_scoped3A : memref<!tpu.dma_semaphore, #tpu.memory_space<semaphore_mem>>) src(%dma_wait3A_12 : memref<128xi32, #tpu.memory_space<hbm>>) dst(%arg5 : memref<128xi32, #tpu.memory_space<vmem>>)
      tpu.yield
    }) : () -> ()
    %iota3A = tpu.iota {dimensions = array<i32: 0>} : vector<16xi32>
    %scan3A = arith.constant 0 : i32
    %scan3A_3 = arith.constant 8 : i32
    %scan3A_4 = arith.addi %scan3A, %scan3A_3 : i32
    %scan3A_5 = arith.constant 1 : i32
    scf.for %scan3A_10 = %scan3A to %scan3A_4 step %scan3A_5  : i32 {
      %mul3A_11 = arith.constant 1 : i32
      %mul3A_12 = arith.muli %scan3A_10, %mul3A_11 : i32
      %add3A_13 = arith.constant 0 : i32
      %add3A_14 = arith.addi %add3A_13, %mul3A_12 : i32
      %mul3A_15 = arith.constant 16 : i32
      %mul3A_16 = arith.muli %add3A_14, %mul3A_15 : i32
      %multiple_of3A = tpu.assume_multiple %mul3A_16, 16 : i32
      %get3A = arith.index_cast %multiple_of3A : i32 to index
      %get3A_17 = tpu.vector_load %arg5[%get3A] {strides = array<i32>} : memref<128xi32, #tpu.memory_space<vmem>>, vector<16xi32>,
      %eq3A = arith.constant 0 : i32
      %eq3A_18 = vector.broadcast %eq3A : i32 to vector<16xi32>
      %eq3A_19 = arith.cmpi eq, %iota3A, %eq3A_18 : vector<16xi32>
      %jit3A = arith.constant 0 : i32
      %broadcast_in_dim3A = vector.broadcast %jit3A : i32 to vector<16xi32>
      %select_n3A = arith.select %eq3A_19, %get3A_17, %broadcast_in_dim3A : vector<16xi1>, vector<16xi32>
      %reduce_max3A = arith.constant true
      %reduce_max3A_20 = vector.broadcast %reduce_max3A : i1 to vector<16xi1>
      %reduce_max3A_21 = arith.constant -2147483648 : i32
      %reduce_max3A_22 = vector.broadcast %reduce_max3A_21 : i32 to vector<16xi32>
      %reduce_max3A_23 = arith.xori %select_n3A, %reduce_max3A_22 : vector<16xi32>
      %reduce_max3A_24 = tpu.scan <max>, %reduce_max3A_23 masked %reduce_max3A_20 : vector<16xi32>, vector<16xi1> -> vector<16xi32>
      %reduce_max3A_25 = arith.xori %reduce_max3A_24, %reduce_max3A_22 : vector<16xi32>
      %reduce_max3A_26 = vector.extract %reduce_max3A_25[15] : i32 from vector<16xi32>
      %mul3A_27 = arith.constant 16 : i32
      %mul3A_28 = arith.muli %add3A_14, %mul3A_27 : i32
      %add3A_29 = arith.constant 0 : i32
      %add3A_30 = arith.addi %mul3A_28, %add3A_29 : i32
      %eq3A_31 = arith.constant 0 : i32
      %eq3A_32 = arith.cmpi eq, %reduce_max3A_26, %eq3A_31 : i32
      %jit3A_33 = arith.constant 0.000000e+00 : f32
      %jit3A_34 = arith.constant 3.12519524E-6 : f32
      %select_n3A_35 = arith.select %eq3A_32, %jit3A_33, %jit3A_34 : f32
      %jit3A_36 = arith.constant 0.000000e+00 : f32
      %jit3A_37 = arith.constant 0.899999976 : f32
      %select_n3A_38 = arith.select %eq3A_32, %jit3A_36, %jit3A_37 : f32
      %jit3A_39 = arith.constant 128 : i32
      %div3A = arith.divsi %reduce_max3A_26, %jit3A_39 : i32
      %sign3A = arith.constant 0 : i32
      %sign3A_40 = arith.cmpi sgt, %reduce_max3A_26, %sign3A : i32
      %sign3A_41 = arith.extui %sign3A_40 : i1 to i32
      %sign3A_42 = arith.constant 0 : i32
      %sign3A_43 = arith.cmpi slt, %reduce_max3A_26, %sign3A_42 : i32
      %sign3A_44 = arith.extui %sign3A_43 : i1 to i32
      %sign3A_45 = arith.subi %sign3A_41, %sign3A_44 : i32
      %sign3A_46 = arith.constant 0 : i32
      %sign3A_47 = arith.cmpi sgt, %jit3A_39, %sign3A_46 : i32
      %sign3A_48 = arith.extui %sign3A_47 : i1 to i32
      %sign3A_49 = arith.constant 0 : i32
      %sign3A_50 = arith.cmpi slt, %jit3A_39, %sign3A_49 : i32
      %sign3A_51 = arith.extui %sign3A_50 : i1 to i32
      %sign3A_52 = arith.subi %sign3A_48, %sign3A_51 : i32
      %ne3A = arith.cmpi ne, %sign3A_45, %sign3A_52 : i32
      %rem3A = arith.remsi %reduce_max3A_26, %jit3A_39 : i32
      %ne3A_53 = arith.constant 0 : i32
      %ne3A_54 = arith.cmpi ne, %rem3A, %ne3A_53 : i32
      %and3A = arith.andi %ne3A, %ne3A_54 : i1
      %sub3A = arith.constant 1 : i32
      %sub3A_55 = arith.subi %div3A, %sub3A : i32
      %select_n3A_56 = arith.select %and3A, %sub3A_55, %div3A : i32
      %mul3A_57 = arith.constant 128 : i32
      %mul3A_58 = arith.muli %select_n3A_56, %mul3A_57 : i32
      %multiple_of3A_59 = tpu.assume_multiple %mul3A_58, 128 : i32
      %jit3A_60 = arith.constant 128 : i32
      %eq3A_61 = arith.constant 0 : i32
      %eq3A_62 = arith.cmpi eq, %jit3A_60, %eq3A_61 : i32
      %jit3A_63 = arith.constant 1 : i32
      %select_n3A_64 = arith.select %eq3A_62, %jit3A_63, %jit3A_60 : i32
      %rem3A_65 = arith.remsi %reduce_max3A_26, %select_n3A_64 : i32
      %ne3A_66 = arith.constant 0 : i32
      %ne3A_67 = arith.cmpi ne, %rem3A_65, %ne3A_66 : i32
      %lt3A = arith.constant 0 : i32
      %lt3A_68 = arith.cmpi slt, %rem3A_65, %lt3A : i32
      %lt3A_69 = arith.constant 0 : i32
      %lt3A_70 = arith.cmpi slt, %select_n3A_64, %lt3A_69 : i32
      %ne3A_71 = arith.xori %lt3A_68, %lt3A_70 : i1
      %and3A_72 = arith.andi %ne3A_71, %ne3A_67 : i1
      %add3A_73 = arith.addi %rem3A_65, %select_n3A_64 : i32
      %select_n3A_74 = arith.select %and3A_72, %add3A_73, %rem3A_65 : i32
      %eq3A_75 = arith.constant 0 : i32
      %eq3A_76 = arith.cmpi eq, %multiple_of3A_59, %eq3A_75 : i32
      %jit3A_77 = arith.constant 0 : i32
      %jit3A_78 = arith.constant -1 : i32
      %select_n3A_79 = arith.select %eq3A_76, %jit3A_77, %jit3A_78 : i32
      %sub3A_80 = arith.constant 0 : i32
      %sub3A_81 = arith.subi %select_n3A_74, %sub3A_80 : i32
      %eq3A_82 = vector.broadcast %sub3A_81 : i32 to vector<16xi32>
      %eq3A_83 = arith.cmpi eq, %iota3A, %eq3A_82 : vector<16xi32>
      %broadcast_in_dim3A_84 = vector.broadcast %select_n3A_38 : f32 to vector<16xf32>
      %broadcast_in_dim3A_85 = vector.broadcast %select_n3A_35 : f32 to vector<16xf32>
      %select_n3A_86 = arith.select %eq3A_83, %broadcast_in_dim3A_84, %broadcast_in_dim3A_85 : vector<16xi1>, vector<16xf32>
      %eq3A_87 = vector.broadcast %select_n3A_79 : i32 to vector<16xi32>
      %eq3A_88 = arith.cmpi eq, %iota3A, %eq3A_87 : vector<16xi32>
      %jit3A_89 = arith.constant 0.000000e+00 : f32
      %broadcast_in_dim3A_90 = vector.broadcast %jit3A_89 : f32 to vector<16xf32>
      %select_n3A_91 = arith.select %eq3A_88, %broadcast_in_dim3A_90, %select_n3A_86 : vector<16xi1>, vector<16xf32>
      %swap3A = arith.index_cast %add3A_30 : i32 to index
      %swap3A_92 = arith.constant 0 : index
      %swap3A_93 = tpu.vector_load %arg6[%swap3A, %swap3A_92] {strides = array<i32>} : memref<128x128xf32, #tpu.memory_space<vmem>>, vector<16xf32>,
      tpu.vector_store %arg6[%swap3A, %swap3A_92], %select_n3A_91 {strides = array<i32>} : memref<128x128xf32, #tpu.memory_space<vmem>>, vector<16xf32>,
      %sub3A_94 = arith.constant 16 : i32
      %sub3A_95 = arith.subi %select_n3A_74, %sub3A_94 : i32
      %eq3A_96 = vector.broadcast %sub3A_95 : i32 to vector<16xi32>
      %eq3A_97 = arith.cmpi eq, %iota3A, %eq3A_96 : vector<16xi32>
      %broadcast_in_dim3A_98 = vector.broadcast %select_n3A_38 : f32 to vector<16xf32>
      %broadcast_in_dim3A_99 = vector.broadcast %select_n3A_35 : f32 to vector<16xf32>
      %select_n3A_100 = arith.select %eq3A_97, %broadcast_in_dim3A_98, %broadcast_in_dim3A_99 : vector<16xi1>, vector<16xf32>
      %swap3A_101 = arith.index_cast %add3A_30 : i32 to index
      %swap3A_102 = arith.constant 16 : index
      %swap3A_103 = tpu.vector_load %arg6[%swap3A_101, %swap3A_102] {strides = array<i32>} : memref<128x128xf32, #tpu.memory_space<vmem>>, vector<16xf32>,
      tpu.vector_store %arg6[%swap3A_101, %swap3A_102], %select_n3A_100 {strides = array<i32>} : memref<128x128xf32, #tpu.memory_space<vmem>>, vector<16xf32>,
      %sub3A_104 = arith.constant 32 : i32
      %sub3A_105 = arith.subi %select_n3A_74, %sub3A_104 : i32
      %eq3A_106 = vector.broadcast %sub3A_105 : i32 to vector<16xi32>
      %eq3A_107 = arith.cmpi eq, %iota3A, %eq3A_106 : vector<16xi32>
      %broadcast_in_dim3A_108 = vector.broadcast %select_n3A_38 : f32 to vector<16xf32>
      %broadcast_in_dim3A_109 = vector.broadcast %select_n3A_35 : f32 to vector<16xf32>
      %select_n3A_110 = arith.select %eq3A_107, %broadcast_in_dim3A_108, %broadcast_in_dim3A_109 : vector<16xi1>, vector<16xf32>
      %swap3A_111 = arith.index_cast %add3A_30 : i32 to index
      %swap3A_112 = arith.constant 32 : index
      %swap3A_113 = tpu.vector_load %arg6[%swap3A_111, %swap3A_112] {strides = array<i32>} : memref<128x128xf32, #tpu.memory_space<vmem>>, vector<16xf32>,
      tpu.vector_store %arg6[%swap3A_111, %swap3A_112], %select_n3A_110 {strides = array<i32>} : memref<128x128xf32, #tpu.memory_space<vmem>>, vector<16xf32>,
      %sub3A_114 = arith.constant 48 : i32
      %sub3A_115 = arith.subi %select_n3A_74, %sub3A_114 : i32
      %eq3A_116 = vector.broadcast %sub3A_115 : i32 to vector<16xi32>
      %eq3A_117 = arith.cmpi eq, %iota3A, %eq3A_116 : vector<16xi32>
      %broadcast_in_dim3A_118 = vector.broadcast %select_n3A_38 : f32 to vector<16xf32>
      %broadcast_in_dim3A_119 = vector.broadcast %select_n3A_35 : f32 to vector<16xf32>
      %select_n3A_120 = arith.select %eq3A_117, %broadcast_in_dim3A_118, %broadcast_in_dim3A_119 : vector<16xi1>, vector<16xf32>
      %swap3A_121 = arith.index_cast %add3A_30 : i32 to index
      %swap3A_122 = arith.constant 48 : index
      %swap3A_123 = tpu.vector_load %arg6[%swap3A_121, %swap3A_122] {strides = array<i32>} : memref<128x128xf32, #tpu.memory_space<vmem>>, vector<16xf32>,
      tpu.vector_store %arg6[%swap3A_121, %swap3A_122], %select_n3A_120 {strides = array<i32>} : memref<128x128xf32, #tpu.memory_space<vmem>>, vector<16xf32>,
      %sub3A_124 = arith.constant 64 : i32
      %sub3A_125 = arith.subi %select_n3A_74, %sub3A_124 : i32
      %eq3A_126 = vector.broadcast %sub3A_125 : i32 to vector<16xi32>
      %eq3A_127 = arith.cmpi eq, %iota3A, %eq3A_126 : vector<16xi32>
      %broadcast_in_dim3A_128 = vector.broadcast %select_n3A_38 : f32 to vector<16xf32>
      %broadcast_in_dim3A_129 = vector.broadcast %select_n3A_35 : f32 to vector<16xf32>
      %select_n3A_130 = arith.select %eq3A_127, %broadcast_in_dim3A_128, %broadcast_in_dim3A_129 : vector<16xi1>, vector<16xf32>
      %swap3A_131 = arith.index_cast %add3A_30 : i32 to index
      %swap3A_132 = arith.constant 64 : index
      %swap3A_133 = tpu.vector_load %arg6[%swap3A_131, %swap3A_132] {strides = array<i32>} : memref<128x128xf32, #tpu.memory_space<vmem>>, vector<16xf32>,
      tpu.vector_store %arg6[%swap3A_131, %swap3A_132], %select_n3A_130 {strides = array<i32>} : memref<128x128xf32, #tpu.memory_space<vmem>>, vector<16xf32>,
      %sub3A_134 = arith.constant 80 : i32
      %sub3A_135 = arith.subi %select_n3A_74, %sub3A_134 : i32
      %eq3A_136 = vector.broadcast %sub3A_135 : i32 to vector<16xi32>
      %eq3A_137 = arith.cmpi eq, %iota3A, %eq3A_136 : vector<16xi32>
      %broadcast_in_dim3A_138 = vector.broadcast %select_n3A_38 : f32 to vector<16xf32>
      %broadcast_in_dim3A_139 = vector.broadcast %select_n3A_35 : f32 to vector<16xf32>
      %select_n3A_140 = arith.select %eq3A_137, %broadcast_in_dim3A_138, %broadcast_in_dim3A_139 : vector<16xi1>, vector<16xf32>
      %swap3A_141 = arith.index_cast %add3A_30 : i32 to index
      %swap3A_142 = arith.constant 80 : index
      %swap3A_143 = tpu.vector_load %arg6[%swap3A_141, %swap3A_142] {strides = array<i32>} : memref<128x128xf32, #tpu.memory_space<vmem>>, vector<16xf32>,
      tpu.vector_store %arg6[%swap3A_141, %swap3A_142], %select_n3A_140 {strides = array<i32>} : memref<128x128xf32, #tpu.memory_space<vmem>>, vector<16xf32>,
      %sub3A_144 = arith.constant 96 : i32
      %sub3A_145 = arith.subi %select_n3A_74, %sub3A_144 : i32
      %eq3A_146 = vector.broadcast %sub3A_145 : i32 to vector<16xi32>
      %eq3A_147 = arith.cmpi eq, %iota3A, %eq3A_146 : vector<16xi32>
      %broadcast_in_dim3A_148 = vector.broadcast %select_n3A_38 : f32 to vector<16xf32>
      %broadcast_in_dim3A_149 = vector.broadcast %select_n3A_35 : f32 to vector<16xf32>
      %select_n3A_150 = arith.select %eq3A_147, %broadcast_in_dim3A_148, %broadcast_in_dim3A_149 : vector<16xi1>, vector<16xf32>
      %swap3A_151 = arith.index_cast %add3A_30 : i32 to index
      %swap3A_152 = arith.constant 96 : index
      %swap3A_153 = tpu.vector_load %arg6[%swap3A_151, %swap3A_152] {strides = array<i32>} : memref<128x128xf32, #tpu.memory_space<vmem>>, vector<16xf32>,
      tpu.vector_store %arg6[%swap3A_151, %swap3A_152], %select_n3A_150 {strides = array<i32>} : memref<128x128xf32, #tpu.memory_space<vmem>>, vector<16xf32>,
      %sub3A_154 = arith.constant 112 : i32
      %sub3A_155 = arith.subi %select_n3A_74, %sub3A_154 : i32
      %eq3A_156 = vector.broadcast %sub3A_155 : i32 to vector<16xi32>
      %eq3A_157 = arith.cmpi eq, %iota3A, %eq3A_156 : vector<16xi32>
      %broadcast_in_dim3A_158 = vector.broadcast %select_n3A_38 : f32 to vector<16xf32>
      %broadcast_in_dim3A_159 = vector.broadcast %select_n3A_35 : f32 to vector<16xf32>
      %select_n3A_160 = arith.select %eq3A_157, %broadcast_in_dim3A_158, %broadcast_in_dim3A_159 : vector<16xi1>, vector<16xf32>
      %swap3A_161 = arith.index_cast %add3A_30 : i32 to index
      %swap3A_162 = arith.constant 112 : index
      %swap3A_163 = tpu.vector_load %arg6[%swap3A_161, %swap3A_162] {strides = array<i32>} : memref<128x128xf32, #tpu.memory_space<vmem>>, vector<16xf32>,
      tpu.vector_store %arg6[%swap3A_161, %swap3A_162], %select_n3A_160 {strides = array<i32>} : memref<128x128xf32, #tpu.memory_space<vmem>>, vector<16xf32>,
      %add3A_164 = arith.addi %mul3A_2, %add3A_30 : i32
      %dma_start3A = arith.constant 0 : i32
      %dma_start3A_165 = tpu.memref_slice %arg6[%add3A_30, %dma_start3A] : memref<128x128xf32, #tpu.memory_space<vmem>> -> memref<1x128xf32, #tpu.memory_space<vmem>>
      %dma_start3A_166 = tpu.memref_squeeze %dma_start3A_165 : memref<1x128xf32, #tpu.memory_space<vmem>> -> memref<128xf32, #tpu.memory_space<vmem>>
      %dma_start3A_167 = tpu.memref_slice %arg3[%add3A_164, %multiple_of3A_59] : memref<4096x32000xf32, #tpu.memory_space<hbm>> -> memref<1x128xf32, #tpu.memory_space<hbm>>
      %dma_start3A_168 = tpu.memref_squeeze %dma_start3A_167 : memref<1x128xf32, #tpu.memory_space<hbm>> -> memref<128xf32, #tpu.memory_space<hbm>>
      %dma_start3A_169 = tpu.memref_slice %arg3[%add3A_164, %multiple_of3A_59] : memref<4096x32000xf32, #tpu.memory_space<hbm>> -> memref<1x128xf32, #tpu.memory_space<hbm>>
      %dma_start3A_170 = tpu.memref_squeeze %dma_start3A_169 : memref<1x128xf32, #tpu.memory_space<hbm>> -> memref<128xf32, #tpu.memory_space<hbm>>
      %dma_start3A_171 = arith.constant 0 : i32
      %dma_start3A_172 = tpu.memref_slice %arg6[%add3A_30, %dma_start3A_171] : memref<128x128xf32, #tpu.memory_space<vmem>> -> memref<1x128xf32, #tpu.memory_space<vmem>>
      %dma_start3A_173 = tpu.memref_squeeze %dma_start3A_172 : memref<1x128xf32, #tpu.memory_space<vmem>> -> memref<128xf32, #tpu.memory_space<vmem>>
      tpu.enqueue_dma source(%dma_start3A_173 : memref<128xf32, #tpu.memory_space<vmem>>) target(%dma_start3A_170 : memref<128xf32, #tpu.memory_space<hbm>>) target_semaphore(%arg7 : memref<!tpu.dma_semaphore, #tpu.memory_space<semaphore_mem>>)
      %eq3A_174 = arith.constant 1 : i32
      %eq3A_175 = vector.broadcast %eq3A_174 : i32 to vector<16xi32>
      %eq3A_176 = arith.cmpi eq, %iota3A, %eq3A_175 : vector<16xi32>
      %jit3A_177 = arith.constant 0 : i32
      %broadcast_in_dim3A_178 = vector.broadcast %jit3A_177 : i32 to vector<16xi32>
      %select_n3A_179 = arith.select %eq3A_176, %get3A_17, %broadcast_in_dim3A_178 : vector<16xi1>, vector<16xi32>
      %reduce_max3A_180 = arith.constant true
      %reduce_max3A_181 = vector.broadcast %reduce_max3A_180 : i1 to vector<16xi1>
      %reduce_max3A_182 = arith.constant -2147483648 : i32
      %reduce_max3A_183 = vector.broadcast %reduce_max3A_182 : i32 to vector<16xi32>
      %reduce_max3A_184 = arith.xori %select_n3A_179, %reduce_max3A_183 : vector<16xi32>
      %reduce_max3A_185 = tpu.scan <max>, %reduce_max3A_184 masked %reduce_max3A_181 : vector<16xi32>, vector<16xi1> -> vector<16xi32>
      %reduce_max3A_186 = arith.xori %reduce_max3A_185, %reduce_max3A_183 : vector<16xi32>
      %reduce_max3A_187 = vector.extract %reduce_max3A_186[15] : i32 from vector<16xi32>
      %mul3A_188 = arith.constant 16 : i32
      %mul3A_189 = arith.muli %add3A_14, %mul3A_188 : i32
      %add3A_190 = arith.constant 1 : i32
      %add3A_191 = arith.addi %mul3A_189, %add3A_190 : i32
      %eq3A_192 = arith.constant 0 : i32
      %eq3A_193 = arith.cmpi eq, %reduce_max3A_187, %eq3A_192 : i32
      %jit3A_194 = arith.constant 0.000000e+00 : f32
      %jit3A_195 = arith.constant 3.12519524E-6 : f32
      %select_n3A_196 = arith.select %eq3A_193, %jit3A_194, %jit3A_195 : f32
      %jit3A_197 = arith.constant 0.000000e+00 : f32
      %jit3A_198 = arith.constant 0.899999976 : f32
      %select_n3A_199 = arith.select %eq3A_193, %jit3A_197, %jit3A_198 : f32
      %jit3A_200 = arith.constant 128 : i32
      %div3A_201 = arith.divsi %reduce_max3A_187, %jit3A_200 : i32
      %sign3A_202 = arith.constant 0 : i32
      %sign3A_203 = arith.cmpi sgt, %reduce_max3A_187, %sign3A_202 : i32
      %sign3A_204 = arith.extui %sign3A_203 : i1 to i32
      %sign3A_205 = arith.constant 0 : i32
      %sign3A_206 = arith.cmpi slt, %reduce_max3A_187, %sign3A_205 : i32
      %sign3A_207 = arith.extui %sign3A_206 : i1 to i32
      %sign3A_208 = arith.subi %sign3A_204, %sign3A_207 : i32
      %sign3A_209 = arith.constant 0 : i32
      %sign3A_210 = arith.cmpi sgt, %jit3A_200, %sign3A_209 : i32
      %sign3A_211 = arith.extui %sign3A_210 : i1 to i32
      %sign3A_212 = arith.constant 0 : i32
      %sign3A_213 = arith.cmpi slt, %jit3A_200, %sign3A_212 : i32
      %sign3A_214 = arith.extui %sign3A_213 : i1 to i32
      %sign3A_215 = arith.subi %sign3A_211, %sign3A_214 : i32
      %ne3A_216 = arith.cmpi ne, %sign3A_208, %sign3A_215 : i32
      %rem3A_217 = arith.remsi %reduce_max3A_187, %jit3A_200 : i32
      %ne3A_218 = arith.constant 0 : i32
      %ne3A_219 = arith.cmpi ne, %rem3A_217, %ne3A_218 : i32
      %and3A_220 = arith.andi %ne3A_216, %ne3A_219 : i1
      %sub3A_221 = arith.constant 1 : i32
      %sub3A_222 = arith.subi %div3A_201, %sub3A_221 : i32
      %select_n3A_223 = arith.select %and3A_220, %sub3A_222, %div3A_201 : i32
      %mul3A_224 = arith.constant 128 : i32
      %mul3A_225 = arith.muli %select_n3A_223, %mul3A_224 : i32
      %multiple_of3A_226 = tpu.assume_multiple %mul3A_225, 128 : i32
      %jit3A_227 = arith.constant 128 : i32
      %eq3A_228 = arith.constant 0 : i32
      %eq3A_229 = arith.cmpi eq, %jit3A_227, %eq3A_228 : i32
      %jit3A_230 = arith.constant 1 : i32
      %select_n3A_231 = arith.select %eq3A_229, %jit3A_230, %jit3A_227 : i32
      %rem3A_232 = arith.remsi %reduce_max3A_187, %select_n3A_231 : i32
      %ne3A_233 = arith.constant 0 : i32
      %ne3A_234 = arith.cmpi ne, %rem3A_232, %ne3A_233 : i32
      %lt3A_235 = arith.constant 0 : i32
      %lt3A_236 = arith.cmpi slt, %rem3A_232, %lt3A_235 : i32
      %lt3A_237 = arith.constant 0 : i32
      %lt3A_238 = arith.cmpi slt, %select_n3A_231, %lt3A_237 : i32
      %ne3A_239 = arith.xori %lt3A_236, %lt3A_238 : i1
      %and3A_240 = arith.andi %ne3A_239, %ne3A_234 : i1
      %add3A_241 = arith.addi %rem3A_232, %select_n3A_231 : i32
      %select_n3A_242 = arith.select %and3A_240, %add3A_241, %rem3A_232 : i32
      %eq3A_243 = arith.constant 0 : i32
      %eq3A_244 = arith.cmpi eq, %multiple_of3A_226, %eq3A_243 : i32
      %jit3A_245 = arith.constant 0 : i32
      %jit3A_246 = arith.constant -1 : i32
      %select_n3A_247 = arith.select %eq3A_244, %jit3A_245, %jit3A_246 : i32
      %sub3A_248 = arith.constant 0 : i32
      %sub3A_249 = arith.subi %select_n3A_242, %sub3A_248 : i32
      %eq3A_250 = vector.broadcast %sub3A_249 : i32 to vector<16xi32>
      %eq3A_251 = arith.cmpi eq, %iota3A, %eq3A_250 : vector<16xi32>
      %broadcast_in_dim3A_252 = vector.broadcast %select_n3A_199 : f32 to vector<16xf32>
      %broadcast_in_dim3A_253 = vector.broadcast %select_n3A_196 : f32 to vector<16xf32>
      %select_n3A_254 = arith.select %eq3A_251, %broadcast_in_dim3A_252, %broadcast_in_dim3A_253 : vector<16xi1>, vector<16xf32>
      %eq3A_255 = vector.broadcast %select_n3A_247 : i32 to vector<16xi32>
      %eq3A_256 = arith.cmpi eq, %iota3A, %eq3A_255 : vector<16xi32>
      %jit3A_257 = arith.constant 0.000000e+00 : f32
      %broadcast_in_dim3A_258 = vector.broadcast %jit3A_257 : f32 to vector<16xf32>
      %select_n3A_259 = arith.select %eq3A_256, %broadcast_in_dim3A_258, %select_n3A_254 : vector<16xi1>, vector<16xf32>
      %swap3A_260 = arith.index_cast %add3A_191 : i32 to index
      %swap3A_261 = arith.constant 0 : index
      %swap3A_262 = tpu.vector_load %arg6[%swap3A_260, %swap3A_261] {strides = array<i32>} : memref<128x128xf32, #tpu.memory_space<vmem>>, vector<16xf32>,
      tpu.vector_store %arg6[%swap3A_260, %swap3A_261], %select_n3A_259 {strides = array<i32>} : memref<128x128xf32, #tpu.memory_space<vmem>>, vector<16xf32>,
      %sub3A_263 = arith.constant 16 : i32
      %sub3A_264 = arith.subi %select_n3A_242, %sub3A_263 : i32
      %eq3A_265 = vector.broadcast %sub3A_264 : i32 to vector<16xi32>
      %eq3A_266 = arith.cmpi eq, %iota3A, %eq3A_265 : vector<16xi32>
      %broadcast_in_dim3A_267 = vector.broadcast %select_n3A_199 : f32 to vector<16xf32>
      %broadcast_in_dim3A_268 = vector.broadcast %select_n3A_196 : f32 to vector<16xf32>
      %select_n3A_269 = arith.select %eq3A_266, %broadcast_in_dim3A_267, %broadcast_in_dim3A_268 : vector<16xi1>, vector<16xf32>
      %swap3A_270 = arith.index_cast %add3A_191 : i32 to index
      %swap3A_271 = arith.constant 16 : index
      %swap3A_272 = tpu.vector_load %arg6[%swap3A_270, %swap3A_271] {strides = array<i32>} : memref<128x128xf32, #tpu.memory_space<vmem>>, vector<16xf32>,
      tpu.vector_store %arg6[%swap3A_270, %swap3A_271], %select_n3A_269 {strides = array<i32>} : memref<128x128xf32, #tpu.memory_space<vmem>>, vector<16xf32>,
      %sub3A_273 = arith.constant 32 : i32
      %sub3A_274 = arith.subi %select_n3A_242, %sub3A_273 : i32
      %eq3A_275 = vector.broadcast %sub3A_274 : i32 to vector<16xi32>
      %eq3A_276 = arith.cmpi eq, %iota3A, %eq3A_275 : vector<16xi32>
      %broadcast_in_dim3A_277 = vector.broadcast %select_n3A_199 : f32 to vector<16xf32>
      %broadcast_in_dim3A_278 = vector.broadcast %select_n3A_196 : f32 to vector<16xf32>
      %select_n3A_279 = arith.select %eq3A_276, %broadcast_in_dim3A_277, %broadcast_in_dim3A_278 : vector<16xi1>, vector<16xf32>
      %swap3A_280 = arith.index_cast %add3A_191 : i32 to index
      %swap3A_281 = arith.constant 32 : index
      %swap3A_282 = tpu.vector_load %arg6[%swap3A_280, %swap3A_281] {strides = array<i32>} : memref<128x128xf32, #tpu.memory_space<vmem>>, vector<16xf32>,
      tpu.vector_store %arg6[%swap3A_280, %swap3A_281], %select_n3A_279 {strides = array<i32>} : memref<128x128xf32, #tpu.memory_space<vmem>>, vector<16xf32>,
      %sub3A_283 = arith.constant 48 : i32
      %sub3A_284 = arith.subi %select_n3A_242, %sub3A_283 : i32
      %eq3A_285 = vector.broadcast %sub3A_284 : i32 to vector<16xi32>
      %eq3A_286 = arith.cmpi eq, %iota3A, %eq3A_285 : vector<16xi32>
      %broadcast_in_dim3A_287 = vector.broadcast %select_n3A_199 : f32 to vector<16xf32>
      %broadcast_in_dim3A_288 = vector.broadcast %select_n3A_196 : f32 to vector<16xf32>
      %select_n3A_289 = arith.select %eq3A_286, %broadcast_in_dim3A_287, %broadcast_in_dim3A_288 : vector<16xi1>, vector<16xf32>
      %swap3A_290 = arith.index_cast %add3A_191 : i32 to index
      %swap3A_291 = arith.constant 48 : index
      %swap3A_292 = tpu.vector_load %arg6[%swap3A_290, %swap3A_291] {strides = array<i32>} : memref<128x128xf32, #tpu.memory_space<vmem>>, vector<16xf32>,
      tpu.vector_store %arg6[%swap3A_290, %swap3A_291], %select_n3A_289 {strides = array<i32>} : memref<128x128xf32, #tpu.memory_space<vmem>>, vector<16xf32>,
      %sub3A_293 = arith.constant 64 : i32
      %sub3A_294 = arith.subi %select_n3A_242, %sub3A_293 : i32
      %eq3A_295 = vector.broadcast %sub3A_294 : i32 to vector<16xi32>
      %eq3A_296 = arith.cmpi eq, %iota3A, %eq3A_295 : vector<16xi32>
      %broadcast_in_dim3A_297 = vector.broadcast %select_n3A_199 : f32 to vector<16xf32>
      %broadcast_in_dim3A_298 = vector.broadcast %select_n3A_196 : f32 to vector<16xf32>
      %select_n3A_299 = arith.select %eq3A_296, %broadcast_in_dim3A_297, %broadcast_in_dim3A_298 : vector<16xi1>, vector<16xf32>
      %swap3A_300 = arith.index_cast %add3A_191 : i32 to index
      %swap3A_301 = arith.constant 64 : index
      %swap3A_302 = tpu.vector_load %arg6[%swap3A_300, %swap3A_301] {strides = array<i32>} : memref<128x128xf32, #tpu.memory_space<vmem>>, vector<16xf32>,
      tpu.vector_store %arg6[%swap3A_300, %swap3A_301], %select_n3A_299 {strides = array<i32>} : memref<128x128xf32, #tpu.memory_space<vmem>>, vector<16xf32>,
      %sub3A_303 = arith.constant 80 : i32
      %sub3A_304 = arith.subi %select_n3A_242, %sub3A_303 : i32
      %eq3A_305 = vector.broadcast %sub3A_304 : i32 to vector<16xi32>
      %eq3A_306 = arith.cmpi eq, %iota3A, %eq3A_305 : vector<16xi32>
      %broadcast_in_dim3A_307 = vector.broadcast %select_n3A_199 : f32 to vector<16xf32>
      %broadcast_in_dim3A_308 = vector.broadcast %select_n3A_196 : f32 to vector<16xf32>
      %select_n3A_309 = arith.select %eq3A_306, %broadcast_in_dim3A_307, %broadcast_in_dim3A_308 : vector<16xi1>, vector<16xf32>
      %swap3A_310 = arith.index_cast %add3A_191 : i32 to index
      %swap3A_311 = arith.constant 80 : index
      %swap3A_312 = tpu.vector_load %arg6[%swap3A_310, %swap3A_311] {strides = array<i32>} : memref<128x128xf32, #tpu.memory_space<vmem>>, vector<16xf32>,
      tpu.vector_store %arg6[%swap3A_310, %swap3A_311], %select_n3A_309 {strides = array<i32>} : memref<128x128xf32, #tpu.memory_space<vmem>>, vector<16xf32>,
      %sub3A_313 = arith.constant 96 : i32
      %sub3A_314 = arith.subi %select_n3A_242, %sub3A_313 : i32
      %eq3A_315 = vector.broadcast %sub3A_314 : i32 to vector<16xi32>
      %eq3A_316 = arith.cmpi eq, %iota3A, %eq3A_315 : vector<16xi32>
      %broadcast_in_dim3A_317 = vector.broadcast %select_n3A_199 : f32 to vector<16xf32>
      %broadcast_in_dim3A_318 = vector.broadcast %select_n3A_196 : f32 to vector<16xf32>
      %select_n3A_319 = arith.select %eq3A_316, %broadcast_in_dim3A_317, %broadcast_in_dim3A_318 : vector<16xi1>, vector<16xf32>
      %swap3A_320 = arith.index_cast %add3A_191 : i32 to index
      %swap3A_321 = arith.constant 96 : index
      %swap3A_322 = tpu.vector_load %arg6[%swap3A_320, %swap3A_321] {strides = array<i32>} : memref<128x128xf32, #tpu.memory_space<vmem>>, vector<16xf32>,
      tpu.vector_store %arg6[%swap3A_320, %swap3A_321], %select_n3A_319 {strides = array<i32>} : memref<128x128xf32, #tpu.memory_space<vmem>>, vector<16xf32>,
      %sub3A_323 = arith.constant 112 : i32
      %sub3A_324 = arith.subi %select_n3A_242, %sub3A_323 : i32
      %eq3A_325 = vector.broadcast %sub3A_324 : i32 to vector<16xi32>
      %eq3A_326 = arith.cmpi eq, %iota3A, %eq3A_325 : vector<16xi32>
      %broadcast_in_dim3A_327 = vector.broadcast %select_n3A_199 : f32 to vector<16xf32>
      %broadcast_in_dim3A_328 = vector.broadcast %select_n3A_196 : f32 to vector<16xf32>
      %select_n3A_329 = arith.select %eq3A_326, %broadcast_in_dim3A_327, %broadcast_in_dim3A_328 : vector<16xi1>, vector<16xf32>
      %swap3A_330 = arith.index_cast %add3A_191 : i32 to index
      %swap3A_331 = arith.constant 112 : index
      %swap3A_332 = tpu.vector_load %arg6[%swap3A_330, %swap3A_331] {strides = array<i32>} : memref<128x128xf32, #tpu.memory_space<vmem>>, vector<16xf32>,
      tpu.vector_store %arg6[%swap3A_330, %swap3A_331], %select_n3A_329 {strides = array<i32>} : memref<128x128xf32, #tpu.memory_space<vmem>>, vector<16xf32>,
      %add3A_333 = arith.addi %mul3A_2, %add3A_191 : i32
      %dma_start3A_334 = arith.constant 0 : i32
      %dma_start3A_335 = tpu.memref_slice %arg6[%add3A_191, %dma_start3A_334] : memref<128x128xf32, #tpu.memory_space<vmem>> -> memref<1x128xf32, #tpu.memory_space<vmem>>
      %dma_start3A_336 = tpu.memref_squeeze %dma_start3A_335 : memref<1x128xf32, #tpu.memory_space<vmem>> -> memref<128xf32, #tpu.memory_space<vmem>>
      %dma_start3A_337 = tpu.memref_slice %arg3[%add3A_333, %multiple_of3A_226] : memref<4096x32000xf32, #tpu.memory_space<hbm>> -> memref<1x128xf32, #tpu.memory_space<hbm>>
      %dma_start3A_338 = tpu.memref_squeeze %dma_start3A_337 : memref<1x128xf32, #tpu.memory_space<hbm>> -> memref<128xf32, #tpu.memory_space<hbm>>
      %dma_start3A_339 = tpu.memref_slice %arg3[%add3A_333, %multiple_of3A_226] : memref<4096x32000xf32, #tpu.memory_space<hbm>> -> memref<1x128xf32, #tpu.memory_space<hbm>>
      %dma_start3A_340 = tpu.memref_squeeze %dma_start3A_339 : memref<1x128xf32, #tpu.memory_space<hbm>> -> memref<128xf32, #tpu.memory_space<hbm>>
      %dma_start3A_341 = arith.constant 0 : i32
      %dma_start3A_342 = tpu.memref_slice %arg6[%add3A_191, %dma_start3A_341] : memref<128x128xf32, #tpu.memory_space<vmem>> -> memref<1x128xf32, #tpu.memory_space<vmem>>
      %dma_start3A_343 = tpu.memref_squeeze %dma_start3A_342 : memref<1x128xf32, #tpu.memory_space<vmem>> -> memref<128xf32, #tpu.memory_space<vmem>>
      tpu.enqueue_dma source(%dma_start3A_343 : memref<128xf32, #tpu.memory_space<vmem>>) target(%dma_start3A_340 : memref<128xf32, #tpu.memory_space<hbm>>) target_semaphore(%arg7 : memref<!tpu.dma_semaphore, #tpu.memory_space<semaphore_mem>>)
      %eq3A_344 = arith.constant 2 : i32
      %eq3A_345 = vector.broadcast %eq3A_344 : i32 to vector<16xi32>
      %eq3A_346 = arith.cmpi eq, %iota3A, %eq3A_345 : vector<16xi32>
      %jit3A_347 = arith.constant 0 : i32
      %broadcast_in_dim3A_348 = vector.broadcast %jit3A_347 : i32 to vector<16xi32>
      %select_n3A_349 = arith.select %eq3A_346, %get3A_17, %broadcast_in_dim3A_348 : vector<16xi1>, vector<16xi32>
      %reduce_max3A_350 = arith.constant true
      %reduce_max3A_351 = vector.broadcast %reduce_max3A_350 : i1 to vector<16xi1>
      %reduce_max3A_352 = arith.constant -2147483648 : i32
      %reduce_max3A_353 = vector.broadcast %reduce_max3A_352 : i32 to vector<16xi32>
      %reduce_max3A_354 = arith.xori %select_n3A_349, %reduce_max3A_353 : vector<16xi32>
      %reduce_max3A_355 = tpu.scan <max>, %reduce_max3A_354 masked %reduce_max3A_351 : vector<16xi32>, vector<16xi1> -> vector<16xi32>
      %reduce_max3A_356 = arith.xori %reduce_max3A_355, %reduce_max3A_353 : vector<16xi32>
      %reduce_max3A_357 = vector.extract %reduce_max3A_356[15] : i32 from vector<16xi32>
      %mul3A_358 = arith.constant 16 : i32
      %mul3A_359 = arith.muli %add3A_14, %mul3A_358 : i32
      %add3A_360 = arith.constant 2 : i32
      %add3A_361 = arith.addi %mul3A_359, %add3A_360 : i32
      %eq3A_362 = arith.constant 0 : i32
      %eq3A_363 = arith.cmpi eq, %reduce_max3A_357, %eq3A_362 : i32
      %jit3A_364 = arith.constant 0.000000e+00 : f32
      %jit3A_365 = arith.constant 3.12519524E-6 : f32
      %select_n3A_366 = arith.select %eq3A_363, %jit3A_364, %jit3A_365 : f32
      %jit3A_367 = arith.constant 0.000000e+00 : f32
      %jit3A_368 = arith.constant 0.899999976 : f32
      %select_n3A_369 = arith.select %eq3A_363, %jit3A_367, %jit3A_368 : f32
      %jit3A_370 = arith.constant 128 : i32
      %div3A_371 = arith.divsi %reduce_max3A_357, %jit3A_370 : i32
      %sign3A_372 = arith.constant 0 : i32
      %sign3A_373 = arith.cmpi sgt, %reduce_max3A_357, %sign3A_372 : i32
      %sign3A_374 = arith.extui %sign3A_373 : i1 to i32
      %sign3A_375 = arith.constant 0 : i32
      %sign3A_376 = arith.cmpi slt, %reduce_max3A_357, %sign3A_375 : i32
      %sign3A_377 = arith.extui %sign3A_376 : i1 to i32
      %sign3A_378 = arith.subi %sign3A_374, %sign3A_377 : i32
      %sign3A_379 = arith.constant 0 : i32
      %sign3A_380 = arith.cmpi sgt, %jit3A_370, %sign3A_379 : i32
      %sign3A_381 = arith.extui %sign3A_380 : i1 to i32
      %sign3A_382 = arith.constant 0 : i32
      %sign3A_383 = arith.cmpi slt, %jit3A_370, %sign3A_382 : i32
      %sign3A_384 = arith.extui %sign3A_383 : i1 to i32
      %sign3A_385 = arith.subi %sign3A_381, %sign3A_384 : i32
      %ne3A_386 = arith.cmpi ne, %sign3A_378, %sign3A_385 : i32
      %rem3A_387 = arith.remsi %reduce_max3A_357, %jit3A_370 : i32
      %ne3A_388 = arith.constant 0 : i32
      %ne3A_389 = arith.cmpi ne, %rem3A_387, %ne3A_388 : i32
      %and3A_390 = arith.andi %ne3A_386, %ne3A_389 : i1
      %sub3A_391 = arith.constant 1 : i32
      %sub3A_392 = arith.subi %div3A_371, %sub3A_391 : i32
      %select_n3A_393 = arith.select %and3A_390, %sub3A_392, %div3A_371 : i32
      %mul3A_394 = arith.constant 128 : i32
      %mul3A_395 = arith.muli %select_n3A_393, %mul3A_394 : i32
      %multiple_of3A_396 = tpu.assume_multiple %mul3A_395, 128 : i32
      %jit3A_397 = arith.constant 128 : i32
      %eq3A_398 = arith.constant 0 : i32
      %eq3A_399 = arith.cmpi eq, %jit3A_397, %eq3A_398 : i32
      %jit3A_400 = arith.constant 1 : i32
      %select_n3A_401 = arith.select %eq3A_399, %jit3A_400, %jit3A_397 : i32
      %rem3A_402 = arith.remsi %reduce_max3A_357, %select_n3A_401 : i32
      %ne3A_403 = arith.constant 0 : i32
      %ne3A_404 = arith.cmpi ne, %rem3A_402, %ne3A_403 : i32
      %lt3A_405 = arith.constant 0 : i32
      %lt3A_406 = arith.cmpi slt, %rem3A_402, %lt3A_405 : i32
      %lt3A_407 = arith.constant 0 : i32
      %lt3A_408 = arith.cmpi slt, %select_n3A_401, %lt3A_407 : i32
      %ne3A_409 = arith.xori %lt3A_406, %lt3A_408 : i1
      %and3A_410 = arith.andi %ne3A_409, %ne3A_404 : i1
      %add3A_411 = arith.addi %rem3A_402, %select_n3A_401 : i32
      %select_n3A_412 = arith.select %and3A_410, %add3A_411, %rem3A_402 : i32
      %eq3A_413 = arith.constant 0 : i32
      %eq3A_414 = arith.cmpi eq, %multiple_of3A_396, %eq3A_413 : i32
      %jit3A_415 = arith.constant 0 : i32
      %jit3A_416 = arith.constant -1 : i32
      %select_n3A_417 = arith.select %eq3A_414, %jit3A_415, %jit3A_416 : i32
      %sub3A_418 = arith.constant 0 : i32
      %sub3A_419 = arith.subi %select_n3A_412, %sub3A_418 : i32
      %eq3A_420 = vector.broadcast %sub3A_419 : i32 to vector<16xi32>
      %eq3A_421 = arith.cmpi eq, %iota3A, %eq3A_420 : vector<16xi32>
      %broadcast_in_dim3A_422 = vector.broadcast %select_n3A_369 : f32 to vector<16xf32>
      %broadcast_in_dim3A_423 = vector.broadcast %select_n3A_366 : f32 to vector<16xf32>
      %select_n3A_424 = arith.select %eq3A_421, %broadcast_in_dim3A_422, %broadcast_in_dim3A_423 : vector<16xi1>, vector<16xf32>
      %eq3A_425 = vector.broadcast %select_n3A_417 : i32 to vector<16xi32>
      %eq3A_426 = arith.cmpi eq, %iota3A, %eq3A_425 : vector<16xi32>
      %jit3A_427 = arith.constant 0.000000e+00 : f32
      %broadcast_in_dim3A_428 = vector.broadcast %jit3A_427 : f32 to vector<16xf32>
      %select_n3A_429 = arith.select %eq3A_426, %broadcast_in_dim3A_428, %select_n3A_424 : vector<16xi1>, vector<16xf32>
      %swap3A_430 = arith.index_cast %add3A_361 : i32 to index
      %swap3A_431 = arith.constant 0 : index
      %swap3A_432 = tpu.vector_load %arg6[%swap3A_430, %swap3A_431] {strides = array<i32>} : memref<128x128xf32, #tpu.memory_space<vmem>>, vector<16xf32>,
      tpu.vector_store %arg6[%swap3A_430, %swap3A_431], %select_n3A_429 {strides = array<i32>} : memref<128x128xf32, #tpu.memory_space<vmem>>, vector<16xf32>,
      %sub3A_433 = arith.constant 16 : i32
      %sub3A_434 = arith.subi %select_n3A_412, %sub3A_433 : i32
      %eq3A_435 = vector.broadcast %sub3A_434 : i32 to vector<16xi32>
      %eq3A_436 = arith.cmpi eq, %iota3A, %eq3A_435 : vector<16xi32>
      %broadcast_in_dim3A_437 = vector.broadcast %select_n3A_369 : f32 to vector<16xf32>
      %broadcast_in_dim3A_438 = vector.broadcast %select_n3A_366 : f32 to vector<16xf32>
      %select_n3A_439 = arith.select %eq3A_436, %broadcast_in_dim3A_437, %broadcast_in_dim3A_438 : vector<16xi1>, vector<16xf32>
      %swap3A_440 = arith.index_cast %add3A_361 : i32 to index
      %swap3A_441 = arith.constant 16 : index
      %swap3A_442 = tpu.vector_load %arg6[%swap3A_440, %swap3A_441] {strides = array<i32>} : memref<128x128xf32, #tpu.memory_space<vmem>>, vector<16xf32>,
      tpu.vector_store %arg6[%swap3A_440, %swap3A_441], %select_n3A_439 {strides = array<i32>} : memref<128x128xf32, #tpu.memory_space<vmem>>, vector<16xf32>,
      %sub3A_443 = arith.constant 32 : i32
      %sub3A_444 = arith.subi %select_n3A_412, %sub3A_443 : i32
      %eq3A_445 = vector.broadcast %sub3A_444 : i32 to vector<16xi32>
      %eq3A_446 = arith.cmpi eq, %iota3A, %eq3A_445 : vector<16xi32>
      %broadcast_in_dim3A_447 = vector.broadcast %select_n3A_369 : f32 to vector<16xf32>
      %broadcast_in_dim3A_448 = vector.broadcast %select_n3A_366 : f32 to vector<16xf32>
      %select_n3A_449 = arith.select %eq3A_446, %broadcast_in_dim3A_447, %broadcast_in_dim3A_448 : vector<16xi1>, vector<16xf32>
      %swap3A_450 = arith.index_cast %add3A_361 : i32 to index
      %swap3A_451 = arith.constant 32 : index
      %swap3A_452 = tpu.vector_load %arg6[%swap3A_450, %swap3A_451] {strides = array<i32>} : memref<128x128xf32, #tpu.memory_space<vmem>>, vector<16xf32>,
      tpu.vector_store %arg6[%swap3A_450, %swap3A_451], %select_n3A_449 {strides = array<i32>} : memref<128x128xf32, #tpu.memory_space<vmem>>, vector<16xf32>,
      %sub3A_453 = arith.constant 48 : i32
      %sub3A_454 = arith.subi %select_n3A_412, %sub3A_453 : i32
      %eq3A_455 = vector.broadcast %sub3A_454 : i32 to vector<16xi32>
      %eq3A_456 = arith.cmpi eq, %iota3A, %eq3A_455 : vector<16xi32>
      %broadcast_in_dim3A_457 = vector.broadcast %select_n3A_369 : f32 to vector<16xf32>
      %broadcast_in_dim3A_458 = vector.broadcast %select_n3A_366 : f32 to vector<16xf32>
      %select_n3A_459 = arith.select %eq3A_456, %broadcast_in_dim3A_457, %broadcast_in_dim3A_458 : vector<16xi1>, vector<16xf32>
      %swap3A_460 = arith.index_cast %add3A_361 : i32 to index
      %swap3A_461 = arith.constant 48 : index
      %swap3A_462 = tpu.vector_load %arg6[%swap3A_460, %swap3A_461] {strides = array<i32>} : memref<128x128xf32, #tpu.memory_space<vmem>>, vector<16xf32>,
      tpu.vector_store %arg6[%swap3A_460, %swap3A_461], %select_n3A_459 {strides = array<i32>} : memref<128x128xf32, #tpu.memory_space<vmem>>, vector<16xf32>,
      %sub3A_463 = arith.constant 64 : i32
      %sub3A_464 = arith.subi %select_n3A_412, %sub3A_463 : i32
      %eq3A_465 = vector.broadcast %sub3A_464 : i32 to vector<16xi32>
      %eq3A_466 = arith.cmpi eq, %iota3A, %eq3A_465 : vector<16xi32>
      %broadcast_in_dim3A_467 = vector.broadcast %select_n3A_369 : f32 to vector<16xf32>
      %broadcast_in_dim3A_468 = vector.broadcast %select_n3A_366 : f32 to vector<16xf32>
      %select_n3A_469 = arith.select %eq3A_466, %broadcast_in_dim3A_467, %broadcast_in_dim3A_468 : vector<16xi1>, vector<16xf32>
      %swap3A_470 = arith.index_cast %add3A_361 : i32 to index
      %swap3A_471 = arith.constant 64 : index
      %swap3A_472 = tpu.vector_load %arg6[%swap3A_470, %swap3A_471] {strides = array<i32>} : memref<128x128xf32, #tpu.memory_space<vmem>>, vector<16xf32>,
      tpu.vector_store %arg6[%swap3A_470, %swap3A_471], %select_n3A_469 {strides = array<i32>} : memref<128x128xf32, #tpu.memory_space<vmem>>, vector<16xf32>,
      %sub3A_473 = arith.constant 80 : i32
      %sub3A_474 = arith.subi %select_n3A_412, %sub3A_473 : i32
      %eq3A_475 = vector.broadcast %sub3A_474 : i32 to vector<16xi32>
      %eq3A_476 = arith.cmpi eq, %iota3A, %eq3A_475 : vector<16xi32>
      %broadcast_in_dim3A_477 = vector.broadcast %select_n3A_369 : f32 to vector<16xf32>
      %broadcast_in_dim3A_478 = vector.broadcast %select_n3A_366 : f32 to vector<16xf32>
      %select_n3A_479 = arith.select %eq3A_476, %broadcast_in_dim3A_477, %broadcast_in_dim3A_478 : vector<16xi1>, vector<16xf32>
      %swap3A_480 = arith.index_cast %add3A_361 : i32 to index
      %swap3A_481 = arith.constant 80 : index
      %swap3A_482 = tpu.vector_load %arg6[%swap3A_480, %swap3A_481] {strides = array<i32>} : memref<128x128xf32, #tpu.memory_space<vmem>>, vector<16xf32>,
      tpu.vector_store %arg6[%swap3A_480, %swap3A_481], %select_n3A_479 {strides = array<i32>} : memref<128x128xf32, #tpu.memory_space<vmem>>, vector<16xf32>,
      %sub3A_483 = arith.constant 96 : i32
      %sub3A_484 = arith.subi %select_n3A_412, %sub3A_483 : i32
      %eq3A_485 = vector.broadcast %sub3A_484 : i32 to vector<16xi32>
      %eq3A_486 = arith.cmpi eq, %iota3A, %eq3A_485 : vector<16xi32>
      %broadcast_in_dim3A_487 = vector.broadcast %select_n3A_369 : f32 to vector<16xf32>
      %broadcast_in_dim3A_488 = vector.broadcast %select_n3A_366 : f32 to vector<16xf32>
      %select_n3A_489 = arith.select %eq3A_486, %broadcast_in_dim3A_487, %broadcast_in_dim3A_488 : vector<16xi1>, vector<16xf32>
      %swap3A_490 = arith.index_cast %add3A_361 : i32 to index
      %swap3A_491 = arith.constant 96 : index
      %swap3A_492 = tpu.vector_load %arg6[%swap3A_490, %swap3A_491] {strides = array<i32>} : memref<128x128xf32, #tpu.memory_space<vmem>>, vector<16xf32>,
      tpu.vector_store %arg6[%swap3A_490, %swap3A_491], %select_n3A_489 {strides = array<i32>} : memref<128x128xf32, #tpu.memory_space<vmem>>, vector<16xf32>,
      %sub3A_493 = arith.constant 112 : i32
      %sub3A_494 = arith.subi %select_n3A_412, %sub3A_493 : i32
      %eq3A_495 = vector.broadcast %sub3A_494 : i32 to vector<16xi32>
      %eq3A_496 = arith.cmpi eq, %iota3A, %eq3A_495 : vector<16xi32>
      %broadcast_in_dim3A_497 = vector.broadcast %select_n3A_369 : f32 to vector<16xf32>
      %broadcast_in_dim3A_498 = vector.broadcast %select_n3A_366 : f32 to vector<16xf32>
      %select_n3A_499 = arith.select %eq3A_496, %broadcast_in_dim3A_497, %broadcast_in_dim3A_498 : vector<16xi1>, vector<16xf32>
      %swap3A_500 = arith.index_cast %add3A_361 : i32 to index
      %swap3A_501 = arith.constant 112 : index
      %swap3A_502 = tpu.vector_load %arg6[%swap3A_500, %swap3A_501] {strides = array<i32>} : memref<128x128xf32, #tpu.memory_space<vmem>>, vector<16xf32>,
      tpu.vector_store %arg6[%swap3A_500, %swap3A_501], %select_n3A_499 {strides = array<i32>} : memref<128x128xf32, #tpu.memory_space<vmem>>, vector<16xf32>,
      %add3A_503 = arith.addi %mul3A_2, %add3A_361 : i32
      %dma_start3A_504 = arith.constant 0 : i32
      %dma_start3A_505 = tpu.memref_slice %arg6[%add3A_361, %dma_start3A_504] : memref<128x128xf32, #tpu.memory_space<vmem>> -> memref<1x128xf32, #tpu.memory_space<vmem>>
      %dma_start3A_506 = tpu.memref_squeeze %dma_start3A_505 : memref<1x128xf32, #tpu.memory_space<vmem>> -> memref<128xf32, #tpu.memory_space<vmem>>
      %dma_start3A_507 = tpu.memref_slice %arg3[%add3A_503, %multiple_of3A_396] : memref<4096x32000xf32, #tpu.memory_space<hbm>> -> memref<1x128xf32, #tpu.memory_space<hbm>>
      %dma_start3A_508 = tpu.memref_squeeze %dma_start3A_507 : memref<1x128xf32, #tpu.memory_space<hbm>> -> memref<128xf32, #tpu.memory_space<hbm>>
      %dma_start3A_509 = tpu.memref_slice %arg3[%add3A_503, %multiple_of3A_396] : memref<4096x32000xf32, #tpu.memory_space<hbm>> -> memref<1x128xf32, #tpu.memory_space<hbm>>
      %dma_start3A_510 = tpu.memref_squeeze %dma_start3A_509 : memref<1x128xf32, #tpu.memory_space<hbm>> -> memref<128xf32, #tpu.memory_space<hbm>>
      %dma_start3A_511 = arith.constant 0 : i32
      %dma_start3A_512 = tpu.memref_slice %arg6[%add3A_361, %dma_start3A_511] : memref<128x128xf32, #tpu.memory_space<vmem>> -> memref<1x128xf32, #tpu.memory_space<vmem>>
      %dma_start3A_513 = tpu.memref_squeeze %dma_start3A_512 : memref<1x128xf32, #tpu.memory_space<vmem>> -> memref<128xf32, #tpu.memory_space<vmem>>
      tpu.enqueue_dma source(%dma_start3A_513 : memref<128xf32, #tpu.memory_space<vmem>>) target(%dma_start3A_510 : memref<128xf32, #tpu.memory_space<hbm>>) target_semaphore(%arg7 : memref<!tpu.dma_semaphore, #tpu.memory_space<semaphore_mem>>)
      %eq3A_514 = arith.constant 3 : i32
      %eq3A_515 = vector.broadcast %eq3A_514 : i32 to vector<16xi32>
      %eq3A_516 = arith.cmpi eq, %iota3A, %eq3A_515 : vector<16xi32>
      %jit3A_517 = arith.constant 0 : i32
      %broadcast_in_dim3A_518 = vector.broadcast %jit3A_517 : i32 to vector<16xi32>
      %select_n3A_519 = arith.select %eq3A_516, %get3A_17, %broadcast_in_dim3A_518 : vector<16xi1>, vector<16xi32>
      %reduce_max3A_520 = arith.constant true
      %reduce_max3A_521 = vector.broadcast %reduce_max3A_520 : i1 to vector<16xi1>
      %reduce_max3A_522 = arith.constant -2147483648 : i32
      %reduce_max3A_523 = vector.broadcast %reduce_max3A_522 : i32 to vector<16xi32>
      %reduce_max3A_524 = arith.xori %select_n3A_519, %reduce_max3A_523 : vector<16xi32>
      %reduce_max3A_525 = tpu.scan <max>, %reduce_max3A_524 masked %reduce_max3A_521 : vector<16xi32>, vector<16xi1> -> vector<16xi32>
      %reduce_max3A_526 = arith.xori %reduce_max3A_525, %reduce_max3A_523 : vector<16xi32>
      %reduce_max3A_527 = vector.extract %reduce_max3A_526[15] : i32 from vector<16xi32>
      %mul3A_528 = arith.constant 16 : i32
      %mul3A_529 = arith.muli %add3A_14, %mul3A_528 : i32
      %add3A_530 = arith.constant 3 : i32
      %add3A_531 = arith.addi %mul3A_529, %add3A_530 : i32
      %eq3A_532 = arith.constant 0 : i32
      %eq3A_533 = arith.cmpi eq, %reduce_max3A_527, %eq3A_532 : i32
      %jit3A_534 = arith.constant 0.000000e+00 : f32
      %jit3A_535 = arith.constant 3.12519524E-6 : f32
      %select_n3A_536 = arith.select %eq3A_533, %jit3A_534, %jit3A_535 : f32
      %jit3A_537 = arith.constant 0.000000e+00 : f32
      %jit3A_538 = arith.constant 0.899999976 : f32
      %select_n3A_539 = arith.select %eq3A_533, %jit3A_537, %jit3A_538 : f32
      %jit3A_540 = arith.constant 128 : i32
      %div3A_541 = arith.divsi %reduce_max3A_527, %jit3A_540 : i32
      %sign3A_542 = arith.constant 0 : i32
      %sign3A_543 = arith.cmpi sgt, %reduce_max3A_527, %sign3A_542 : i32
      %sign3A_544 = arith.extui %sign3A_543 : i1 to i32
      %sign3A_545 = arith.constant 0 : i32
      %sign3A_546 = arith.cmpi slt, %reduce_max3A_527, %sign3A_545 : i32
      %sign3A_547 = arith.extui %sign3A_546 : i1 to i32
      %sign3A_548 = arith.subi %sign3A_544, %sign3A_547 : i32
      %sign3A_549 = arith.constant 0 : i32
      %sign3A_550 = arith.cmpi sgt, %jit3A_540, %sign3A_549 : i32
      %sign3A_551 = arith.extui %sign3A_550 : i1 to i32
      %sign3A_552 = arith.constant 0 : i32
      %sign3A_553 = arith.cmpi slt, %jit3A_540, %sign3A_552 : i32
      %sign3A_554 = arith.extui %sign3A_553 : i1 to i32
      %sign3A_555 = arith.subi %sign3A_551, %sign3A_554 : i32
      %ne3A_556 = arith.cmpi ne, %sign3A_548, %sign3A_555 : i32
      %rem3A_557 = arith.remsi %reduce_max3A_527, %jit3A_540 : i32
      %ne3A_558 = arith.constant 0 : i32
      %ne3A_559 = arith.cmpi ne, %rem3A_557, %ne3A_558 : i32
      %and3A_560 = arith.andi %ne3A_556, %ne3A_559 : i1
      %sub3A_561 = arith.constant 1 : i32
      %sub3A_562 = arith.subi %div3A_541, %sub3A_561 : i32
      %select_n3A_563 = arith.select %and3A_560, %sub3A_562, %div3A_541 : i32
      %mul3A_564 = arith.constant 128 : i32
      %mul3A_565 = arith.muli %select_n3A_563, %mul3A_564 : i32
      %multiple_of3A_566 = tpu.assume_multiple %mul3A_565, 128 : i32
      %jit3A_567 = arith.constant 128 : i32
      %eq3A_568 = arith.constant 0 : i32
      %eq3A_569 = arith.cmpi eq, %jit3A_567, %eq3A_568 : i32
      %jit3A_570 = arith.constant 1 : i32
      %select_n3A_571 = arith.select %eq3A_569, %jit3A_570, %jit3A_567 : i32
      %rem3A_572 = arith.remsi %reduce_max3A_527, %select_n3A_571 : i32
      %ne3A_573 = arith.constant 0 : i32
      %ne3A_574 = arith.cmpi ne, %rem3A_572, %ne3A_573 : i32
      %lt3A_575 = arith.constant 0 : i32
      %lt3A_576 = arith.cmpi slt, %rem3A_572, %lt3A_575 : i32
      %lt3A_577 = arith.constant 0 : i32
      %lt3A_578 = arith.cmpi slt, %select_n3A_571, %lt3A_577 : i32
      %ne3A_579 = arith.xori %lt3A_576, %lt3A_578 : i1
      %and3A_580 = arith.andi %ne3A_579, %ne3A_574 : i1
      %add3A_581 = arith.addi %rem3A_572, %select_n3A_571 : i32
      %select_n3A_582 = arith.select %and3A_580, %add3A_581, %rem3A_572 : i32
      %eq3A_583 = arith.constant 0 : i32
      %eq3A_584 = arith.cmpi eq, %multiple_of3A_566, %eq3A_583 : i32
      %jit3A_585 = arith.constant 0 : i32
      %jit3A_586 = arith.constant -1 : i32
      %select_n3A_587 = arith.select %eq3A_584, %jit3A_585, %jit3A_586 : i32
      %sub3A_588 = arith.constant 0 : i32
      %sub3A_589 = arith.subi %select_n3A_582, %sub3A_588 : i32
      %eq3A_590 = vector.broadcast %sub3A_589 : i32 to vector<16xi32>
      %eq3A_591 = arith.cmpi eq, %iota3A, %eq3A_590 : vector<16xi32>
      %broadcast_in_dim3A_592 = vector.broadcast %select_n3A_539 : f32 to vector<16xf32>
      %broadcast_in_dim3A_593 = vector.broadcast %select_n3A_536 : f32 to vector<16xf32>
      %select_n3A_594 = arith.select %eq3A_591, %broadcast_in_dim3A_592, %broadcast_in_dim3A_593 : vector<16xi1>, vector<16xf32>
      %eq3A_595 = vector.broadcast %select_n3A_587 : i32 to vector<16xi32>
      %eq3A_596 = arith.cmpi eq, %iota3A, %eq3A_595 : vector<16xi32>
      %jit3A_597 = arith.constant 0.000000e+00 : f32
      %broadcast_in_dim3A_598 = vector.broadcast %jit3A_597 : f32 to vector<16xf32>
      %select_n3A_599 = arith.select %eq3A_596, %broadcast_in_dim3A_598, %select_n3A_594 : vector<16xi1>, vector<16xf32>
      %swap3A_600 = arith.index_cast %add3A_531 : i32 to index
      %swap3A_601 = arith.constant 0 : index
      %swap3A_602 = tpu.vector_load %arg6[%swap3A_600, %swap3A_601] {strides = array<i32>} : memref<128x128xf32, #tpu.memory_space<vmem>>, vector<16xf32>,
      tpu.vector_store %arg6[%swap3A_600, %swap3A_601], %select_n3A_599 {strides = array<i32>} : memref<128x128xf32, #tpu.memory_space<vmem>>, vector<16xf32>,
      %sub3A_603 = arith.constant 16 : i32
      %sub3A_604 = arith.subi %select_n3A_582, %sub3A_603 : i32
      %eq3A_605 = vector.broadcast %sub3A_604 : i32 to vector<16xi32>
      %eq3A_606 = arith.cmpi eq, %iota3A, %eq3A_605 : vector<16xi32>
      %broadcast_in_dim3A_607 = vector.broadcast %select_n3A_539 : f32 to vector<16xf32>
      %broadcast_in_dim3A_608 = vector.broadcast %select_n3A_536 : f32 to vector<16xf32>
      %select_n3A_609 = arith.select %eq3A_606, %broadcast_in_dim3A_607, %broadcast_in_dim3A_608 : vector<16xi1>, vector<16xf32>
      %swap3A_610 = arith.index_cast %add3A_531 : i32 to index
      %swap3A_611 = arith.constant 16 : index
      %swap3A_612 = tpu.vector_load %arg6[%swap3A_610, %swap3A_611] {strides = array<i32>} : memref<128x128xf32, #tpu.memory_space<vmem>>, vector<16xf32>,
      tpu.vector_store %arg6[%swap3A_610, %swap3A_611], %select_n3A_609 {strides = array<i32>} : memref<128x128xf32, #tpu.memory_space<vmem>>, vector<16xf32>,
      %sub3A_613 = arith.constant 32 : i32
      %sub3A_614 = arith.subi %select_n3A_582, %sub3A_613 : i32
      %eq3A_615 = vector.broadcast %sub3A_614 : i32 to vector<16xi32>
      %eq3A_616 = arith.cmpi eq, %iota3A, %eq3A_615 : vector<16xi32>
      %broadcast_in_dim3A_617 = vector.broadcast %select_n3A_539 : f32 to vector<16xf32>
      %broadcast_in_dim3A_618 = vector.broadcast %select_n3A_536 : f32 to vector<16xf32>
      %select_n3A_619 = arith.select %eq3A_616, %broadcast_in_dim3A_617, %broadcast_in_dim3A_618 : vector<16xi1>, vector<16xf32>
      %swap3A_620 = arith.index_cast %add3A_531 : i32 to index
      %swap3A_621 = arith.constant 32 : index
      %swap3A_622 = tpu.vector_load %arg6[%swap3A_620, %swap3A_621] {strides = array<i32>} : memref<128x128xf32, #tpu.memory_space<vmem>>, vector<16xf32>,
      tpu.vector_store %arg6[%swap3A_620, %swap3A_621], %select_n3A_619 {strides = array<i32>} : memref<128x128xf32, #tpu.memory_space<vmem>>, vector<16xf32>,
      %sub3A_623 = arith.constant 48 : i32
      %sub3A_624 = arith.subi %select_n3A_582, %sub3A_623 : i32
      %eq3A_625 = vector.broadcast %sub3A_624 : i32 to vector<16xi32>
      %eq3A_626 = arith.cmpi eq, %iota3A, %eq3A_625 : vector<16xi32>
      %broadcast_in_dim3A_627 = vector.broadcast %select_n3A_539 : f32 to vector<16xf32>
      %broadcast_in_dim3A_628 = vector.broadcast %select_n3A_536 : f32 to vector<16xf32>
      %select_n3A_629 = arith.select %eq3A_626, %broadcast_in_dim3A_627, %broadcast_in_dim3A_628 : vector<16xi1>, vector<16xf32>
      %swap3A_630 = arith.index_cast %add3A_531 : i32 to index
      %swap3A_631 = arith.constant 48 : index
      %swap3A_632 = tpu.vector_load %arg6[%swap3A_630, %swap3A_631] {strides = array<i32>} : memref<128x128xf32, #tpu.memory_space<vmem>>, vector<16xf32>,
      tpu.vector_store %arg6[%swap3A_630, %swap3A_631], %select_n3A_629 {strides = array<i32>} : memref<128x128xf32, #tpu.memory_space<vmem>>, vector<16xf32>,
      %sub3A_633 = arith.constant 64 : i32
      %sub3A_634 = arith.subi %select_n3A_582, %sub3A_633 : i32
      %eq3A_635 = vector.broadcast %sub3A_634 : i32 to vector<16xi32>
      %eq3A_636 = arith.cmpi eq, %iota3A, %eq3A_635 : vector<16xi32>
      %broadcast_in_dim3A_637 = vector.broadcast %select_n3A_539 : f32 to vector<16xf32>
      %broadcast_in_dim3A_638 = vector.broadcast %select_n3A_536 : f32 to vector<16xf32>
      %select_n3A_639 = arith.select %eq3A_636, %broadcast_in_dim3A_637, %broadcast_in_dim3A_638 : vector<16xi1>, vector<16xf32>
      %swap3A_640 = arith.index_cast %add3A_531 : i32 to index
      %swap3A_641 = arith.constant 64 : index
      %swap3A_642 = tpu.vector_load %arg6[%swap3A_640, %swap3A_641] {strides = array<i32>} : memref<128x128xf32, #tpu.memory_space<vmem>>, vector<16xf32>,
      tpu.vector_store %arg6[%swap3A_640, %swap3A_641], %select_n3A_639 {strides = array<i32>} : memref<128x128xf32, #tpu.memory_space<vmem>>, vector<16xf32>,
      %sub3A_643 = arith.constant 80 : i32
      %sub3A_644 = arith.subi %select_n3A_582, %sub3A_643 : i32
      %eq3A_645 = vector.broadcast %sub3A_644 : i32 to vector<16xi32>
      %eq3A_646 = arith.cmpi eq, %iota3A, %eq3A_645 : vector<16xi32>
      %broadcast_in_dim3A_647 = vector.broadcast %select_n3A_539 : f32 to vector<16xf32>
      %broadcast_in_dim3A_648 = vector.broadcast %select_n3A_536 : f32 to vector<16xf32>
      %select_n3A_649 = arith.select %eq3A_646, %broadcast_in_dim3A_647, %broadcast_in_dim3A_648 : vector<16xi1>, vector<16xf32>
      %swap3A_650 = arith.index_cast %add3A_531 : i32 to index
      %swap3A_651 = arith.constant 80 : index
      %swap3A_652 = tpu.vector_load %arg6[%swap3A_650, %swap3A_651] {strides = array<i32>} : memref<128x128xf32, #tpu.memory_space<vmem>>, vector<16xf32>,
      tpu.vector_store %arg6[%swap3A_650, %swap3A_651], %select_n3A_649 {strides = array<i32>} : memref<128x128xf32, #tpu.memory_space<vmem>>, vector<16xf32>,
      %sub3A_653 = arith.constant 96 : i32
      %sub3A_654 = arith.subi %select_n3A_582, %sub3A_653 : i32
      %eq3A_655 = vector.broadcast %sub3A_654 : i32 to vector<16xi32>
      %eq3A_656 = arith.cmpi eq, %iota3A, %eq3A_655 : vector<16xi32>
      %broadcast_in_dim3A_657 = vector.broadcast %select_n3A_539 : f32 to vector<16xf32>
      %broadcast_in_dim3A_658 = vector.broadcast %select_n3A_536 : f32 to vector<16xf32>
      %select_n3A_659 = arith.select %eq3A_656, %broadcast_in_dim3A_657, %broadcast_in_dim3A_658 : vector<16xi1>, vector<16xf32>
      %swap3A_660 = arith.index_cast %add3A_531 : i32 to index
      %swap3A_661 = arith.constant 96 : index
      %swap3A_662 = tpu.vector_load %arg6[%swap3A_660, %swap3A_661] {strides = array<i32>} : memref<128x128xf32, #tpu.memory_space<vmem>>, vector<16xf32>,
      tpu.vector_store %arg6[%swap3A_660, %swap3A_661], %select_n3A_659 {strides = array<i32>} : memref<128x128xf32, #tpu.memory_space<vmem>>, vector<16xf32>,
      %sub3A_663 = arith.constant 112 : i32
      %sub3A_664 = arith.subi %select_n3A_582, %sub3A_663 : i32
      %eq3A_665 = vector.broadcast %sub3A_664 : i32 to vector<16xi32>
      %eq3A_666 = arith.cmpi eq, %iota3A, %eq3A_665 : vector<16xi32>
      %broadcast_in_dim3A_667 = vector.broadcast %select_n3A_539 : f32 to vector<16xf32>
      %broadcast_in_dim3A_668 = vector.broadcast %select_n3A_536 : f32 to vector<16xf32>
      %select_n3A_669 = arith.select %eq3A_666, %broadcast_in_dim3A_667, %broadcast_in_dim3A_668 : vector<16xi1>, vector<16xf32>
      %swap3A_670 = arith.index_cast %add3A_531 : i32 to index
      %swap3A_671 = arith.constant 112 : index
      %swap3A_672 = tpu.vector_load %arg6[%swap3A_670, %swap3A_671] {strides = array<i32>} : memref<128x128xf32, #tpu.memory_space<vmem>>, vector<16xf32>,
      tpu.vector_store %arg6[%swap3A_670, %swap3A_671], %select_n3A_669 {strides = array<i32>} : memref<128x128xf32, #tpu.memory_space<vmem>>, vector<16xf32>,
      %add3A_673 = arith.addi %mul3A_2, %add3A_531 : i32
      %dma_start3A_674 = arith.constant 0 : i32
      %dma_start3A_675 = tpu.memref_slice %arg6[%add3A_531, %dma_start3A_674] : memref<128x128xf32, #tpu.memory_space<vmem>> -> memref<1x128xf32, #tpu.memory_space<vmem>>
      %dma_start3A_676 = tpu.memref_squeeze %dma_start3A_675 : memref<1x128xf32, #tpu.memory_space<vmem>> -> memref<128xf32, #tpu.memory_space<vmem>>
      %dma_start3A_677 = tpu.memref_slice %arg3[%add3A_673, %multiple_of3A_566] : memref<4096x32000xf32, #tpu.memory_space<hbm>> -> memref<1x128xf32, #tpu.memory_space<hbm>>
      %dma_start3A_678 = tpu.memref_squeeze %dma_start3A_677 : memref<1x128xf32, #tpu.memory_space<hbm>> -> memref<128xf32, #tpu.memory_space<hbm>>
      %dma_start3A_679 = tpu.memref_slice %arg3[%add3A_673, %multiple_of3A_566] : memref<4096x32000xf32, #tpu.memory_space<hbm>> -> memref<1x128xf32, #tpu.memory_space<hbm>>
      %dma_start3A_680 = tpu.memref_squeeze %dma_start3A_679 : memref<1x128xf32, #tpu.memory_space<hbm>> -> memref<128xf32, #tpu.memory_space<hbm>>
      %dma_start3A_681 = arith.constant 0 : i32
      %dma_start3A_682 = tpu.memref_slice %arg6[%add3A_531, %dma_start3A_681] : memref<128x128xf32, #tpu.memory_space<vmem>> -> memref<1x128xf32, #tpu.memory_space<vmem>>
      %dma_start3A_683 = tpu.memref_squeeze %dma_start3A_682 : memref<1x128xf32, #tpu.memory_space<vmem>> -> memref<128xf32, #tpu.memory_space<vmem>>
      tpu.enqueue_dma source(%dma_start3A_683 : memref<128xf32, #tpu.memory_space<vmem>>) target(%dma_start3A_680 : memref<128xf32, #tpu.memory_space<hbm>>) target_semaphore(%arg7 : memref<!tpu.dma_semaphore, #tpu.memory_space<semaphore_mem>>)
      %eq3A_684 = arith.constant 4 : i32
      %eq3A_685 = vector.broadcast %eq3A_684 : i32 to vector<16xi32>
      %eq3A_686 = arith.cmpi eq, %iota3A, %eq3A_685 : vector<16xi32>
      %jit3A_687 = arith.constant 0 : i32
      %broadcast_in_dim3A_688 = vector.broadcast %jit3A_687 : i32 to vector<16xi32>
      %select_n3A_689 = arith.select %eq3A_686, %get3A_17, %broadcast_in_dim3A_688 : vector<16xi1>, vector<16xi32>
      %reduce_max3A_690 = arith.constant true
      %reduce_max3A_691 = vector.broadcast %reduce_max3A_690 : i1 to vector<16xi1>
      %reduce_max3A_692 = arith.constant -2147483648 : i32
      %reduce_max3A_693 = vector.broadcast %reduce_max3A_692 : i32 to vector<16xi32>
      %reduce_max3A_694 = arith.xori %select_n3A_689, %reduce_max3A_693 : vector<16xi32>
      %reduce_max3A_695 = tpu.scan <max>, %reduce_max3A_694 masked %reduce_max3A_691 : vector<16xi32>, vector<16xi1> -> vector<16xi32>
      %reduce_max3A_696 = arith.xori %reduce_max3A_695, %reduce_max3A_693 : vector<16xi32>
      %reduce_max3A_697 = vector.extract %reduce_max3A_696[15] : i32 from vector<16xi32>
      %mul3A_698 = arith.constant 16 : i32
      %mul3A_699 = arith.muli %add3A_14, %mul3A_698 : i32
      %add3A_700 = arith.constant 4 : i32
      %add3A_701 = arith.addi %mul3A_699, %add3A_700 : i32
      %eq3A_702 = arith.constant 0 : i32
      %eq3A_703 = arith.cmpi eq, %reduce_max3A_697, %eq3A_702 : i32
      %jit3A_704 = arith.constant 0.000000e+00 : f32
      %jit3A_705 = arith.constant 3.12519524E-6 : f32
      %select_n3A_706 = arith.select %eq3A_703, %jit3A_704, %jit3A_705 : f32
      %jit3A_707 = arith.constant 0.000000e+00 : f32
      %jit3A_708 = arith.constant 0.899999976 : f32
      %select_n3A_709 = arith.select %eq3A_703, %jit3A_707, %jit3A_708 : f32
      %jit3A_710 = arith.constant 128 : i32
      %div3A_711 = arith.divsi %reduce_max3A_697, %jit3A_710 : i32
      %sign3A_712 = arith.constant 0 : i32
      %sign3A_713 = arith.cmpi sgt, %reduce_max3A_697, %sign3A_712 : i32
      %sign3A_714 = arith.extui %sign3A_713 : i1 to i32
      %sign3A_715 = arith.constant 0 : i32
      %sign3A_716 = arith.cmpi slt, %reduce_max3A_697, %sign3A_715 : i32
      %sign3A_717 = arith.extui %sign3A_716 : i1 to i32
      %sign3A_718 = arith.subi %sign3A_714, %sign3A_717 : i32
      %sign3A_719 = arith.constant 0 : i32
      %sign3A_720 = arith.cmpi sgt, %jit3A_710, %sign3A_719 : i32
      %sign3A_721 = arith.extui %sign3A_720 : i1 to i32
      %sign3A_722 = arith.constant 0 : i32
      %sign3A_723 = arith.cmpi slt, %jit3A_710, %sign3A_722 : i32
      %sign3A_724 = arith.extui %sign3A_723 : i1 to i32
      %sign3A_725 = arith.subi %sign3A_721, %sign3A_724 : i32
      %ne3A_726 = arith.cmpi ne, %sign3A_718, %sign3A_725 : i32
      %rem3A_727 = arith.remsi %reduce_max3A_697, %jit3A_710 : i32
      %ne3A_728 = arith.constant 0 : i32
      %ne3A_729 = arith.cmpi ne, %rem3A_727, %ne3A_728 : i32
      %and3A_730 = arith.andi %ne3A_726, %ne3A_729 : i1
      %sub3A_731 = arith.constant 1 : i32
      %sub3A_732 = arith.subi %div3A_711, %sub3A_731 : i32
      %select_n3A_733 = arith.select %and3A_730, %sub3A_732, %div3A_711 : i32
      %mul3A_734 = arith.constant 128 : i32
      %mul3A_735 = arith.muli %select_n3A_733, %mul3A_734 : i32
      %multiple_of3A_736 = tpu.assume_multiple %mul3A_735, 128 : i32
      %jit3A_737 = arith.constant 128 : i32
      %eq3A_738 = arith.constant 0 : i32
      %eq3A_739 = arith.cmpi eq, %jit3A_737, %eq3A_738 : i32
      %jit3A_740 = arith.constant 1 : i32
      %select_n3A_741 = arith.select %eq3A_739, %jit3A_740, %jit3A_737 : i32
      %rem3A_742 = arith.remsi %reduce_max3A_697, %select_n3A_741 : i32
      %ne3A_743 = arith.constant 0 : i32
      %ne3A_744 = arith.cmpi ne, %rem3A_742, %ne3A_743 : i32
      %lt3A_745 = arith.constant 0 : i32
      %lt3A_746 = arith.cmpi slt, %rem3A_742, %lt3A_745 : i32
      %lt3A_747 = arith.constant 0 : i32
      %lt3A_748 = arith.cmpi slt, %select_n3A_741, %lt3A_747 : i32
      %ne3A_749 = arith.xori %lt3A_746, %lt3A_748 : i1
      %and3A_750 = arith.andi %ne3A_749, %ne3A_744 : i1
      %add3A_751 = arith.addi %rem3A_742, %select_n3A_741 : i32
      %select_n3A_752 = arith.select %and3A_750, %add3A_751, %rem3A_742 : i32
      %eq3A_753 = arith.constant 0 : i32
      %eq3A_754 = arith.cmpi eq, %multiple_of3A_736, %eq3A_753 : i32
      %jit3A_755 = arith.constant 0 : i32
      %jit3A_756 = arith.constant -1 : i32
      %select_n3A_757 = arith.select %eq3A_754, %jit3A_755, %jit3A_756 : i32
      %sub3A_758 = arith.constant 0 : i32
      %sub3A_759 = arith.subi %select_n3A_752, %sub3A_758 : i32
      %eq3A_760 = vector.broadcast %sub3A_759 : i32 to vector<16xi32>
      %eq3A_761 = arith.cmpi eq, %iota3A, %eq3A_760 : vector<16xi32>
      %broadcast_in_dim3A_762 = vector.broadcast %select_n3A_709 : f32 to vector<16xf32>
      %broadcast_in_dim3A_763 = vector.broadcast %select_n3A_706 : f32 to vector<16xf32>
      %select_n3A_764 = arith.select %eq3A_761, %broadcast_in_dim3A_762, %broadcast_in_dim3A_763 : vector<16xi1>, vector<16xf32>
      %eq3A_765 = vector.broadcast %select_n3A_757 : i32 to vector<16xi32>
      %eq3A_766 = arith.cmpi eq, %iota3A, %eq3A_765 : vector<16xi32>
      %jit3A_767 = arith.constant 0.000000e+00 : f32
      %broadcast_in_dim3A_768 = vector.broadcast %jit3A_767 : f32 to vector<16xf32>
      %select_n3A_769 = arith.select %eq3A_766, %broadcast_in_dim3A_768, %select_n3A_764 : vector<16xi1>, vector<16xf32>
      %swap3A_770 = arith.index_cast %add3A_701 : i32 to index
      %swap3A_771 = arith.constant 0 : index
      %swap3A_772 = tpu.vector_load %arg6[%swap3A_770, %swap3A_771] {strides = array<i32>} : memref<128x128xf32, #tpu.memory_space<vmem>>, vector<16xf32>,
      tpu.vector_store %arg6[%swap3A_770, %swap3A_771], %select_n3A_769 {strides = array<i32>} : memref<128x128xf32, #tpu.memory_space<vmem>>, vector<16xf32>,
      %sub3A_773 = arith.constant 16 : i32
      %sub3A_774 = arith.subi %select_n3A_752, %sub3A_773 : i32
      %eq3A_775 = vector.broadcast %sub3A_774 : i32 to vector<16xi32>
      %eq3A_776 = arith.cmpi eq, %iota3A, %eq3A_775 : vector<16xi32>
      %broadcast_in_dim3A_777 = vector.broadcast %select_n3A_709 : f32 to vector<16xf32>
      %broadcast_in_dim3A_778 = vector.broadcast %select_n3A_706 : f32 to vector<16xf32>
      %select_n3A_779 = arith.select %eq3A_776, %broadcast_in_dim3A_777, %broadcast_in_dim3A_778 : vector<16xi1>, vector<16xf32>
      %swap3A_780 = arith.index_cast %add3A_701 : i32 to index
      %swap3A_781 = arith.constant 16 : index
      %swap3A_782 = tpu.vector_load %arg6[%swap3A_780, %swap3A_781] {strides = array<i32>} : memref<128x128xf32, #tpu.memory_space<vmem>>, vector<16xf32>,
      tpu.vector_store %arg6[%swap3A_780, %swap3A_781], %select_n3A_779 {strides = array<i32>} : memref<128x128xf32, #tpu.memory_space<vmem>>, vector<16xf32>,
      %sub3A_783 = arith.constant 32 : i32
      %sub3A_784 = arith.subi %select_n3A_752, %sub3A_783 : i32
      %eq3A_785 = vector.broadcast %sub3A_784 : i32 to vector<16xi32>
      %eq3A_786 = arith.cmpi eq, %iota3A, %eq3A_785 : vector<16xi32>
      %broadcast_in_dim3A_787 = vector.broadcast %select_n3A_709 : f32 to vector<16xf32>
      %broadcast_in_dim3A_788 = vector.broadcast %select_n3A_706 : f32 to vector<16xf32>
      %select_n3A_789 = arith.select %eq3A_786, %broadcast_in_dim3A_787, %broadcast_in_dim3A_788 : vector<16xi1>, vector<16xf32>
      %swap3A_790 = arith.index_cast %add3A_701 : i32 to index
      %swap3A_791 = arith.constant 32 : index
      %swap3A_792 = tpu.vector_load %arg6[%swap3A_790, %swap3A_791] {strides = array<i32>} : memref<128x128xf32, #tpu.memory_space<vmem>>, vector<16xf32>,
      tpu.vector_store %arg6[%swap3A_790, %swap3A_791], %select_n3A_789 {strides = array<i32>} : memref<128x128xf32, #tpu.memory_space<vmem>>, vector<16xf32>,
      %sub3A_793 = arith.constant 48 : i32
      %sub3A_794 = arith.subi %select_n3A_752, %sub3A_793 : i32
      %eq3A_795 = vector.broadcast %sub3A_794 : i32 to vector<16xi32>
      %eq3A_796 = arith.cmpi eq, %iota3A, %eq3A_795 : vector<16xi32>
      %broadcast_in_dim3A_797 = vector.broadcast %select_n3A_709 : f32 to vector<16xf32>
      %broadcast_in_dim3A_798 = vector.broadcast %select_n3A_706 : f32 to vector<16xf32>
      %select_n3A_799 = arith.select %eq3A_796, %broadcast_in_dim3A_797, %broadcast_in_dim3A_798 : vector<16xi1>, vector<16xf32>
      %swap3A_800 = arith.index_cast %add3A_701 : i32 to index
      %swap3A_801 = arith.constant 48 : index
      %swap3A_802 = tpu.vector_load %arg6[%swap3A_800, %swap3A_801] {strides = array<i32>} : memref<128x128xf32, #tpu.memory_space<vmem>>, vector<16xf32>,
      tpu.vector_store %arg6[%swap3A_800, %swap3A_801], %select_n3A_799 {strides = array<i32>} : memref<128x128xf32, #tpu.memory_space<vmem>>, vector<16xf32>,
      %sub3A_803 = arith.constant 64 : i32
      %sub3A_804 = arith.subi %select_n3A_752, %sub3A_803 : i32
      %eq3A_805 = vector.broadcast %sub3A_804 : i32 to vector<16xi32>
      %eq3A_806 = arith.cmpi eq, %iota3A, %eq3A_805 : vector<16xi32>
      %broadcast_in_dim3A_807 = vector.broadcast %select_n3A_709 : f32 to vector<16xf32>
      %broadcast_in_dim3A_808 = vector.broadcast %select_n3A_706 : f32 to vector<16xf32>
      %select_n3A_809 = arith.select %eq3A_806, %broadcast_in_dim3A_807, %broadcast_in_dim3A_808 : vector<16xi1>, vector<16xf32>
      %swap3A_810 = arith.index_cast %add3A_701 : i32 to index
      %swap3A_811 = arith.constant 64 : index
      %swap3A_812 = tpu.vector_load %arg6[%swap3A_810, %swap3A_811] {strides = array<i32>} : memref<128x128xf32, #tpu.memory_space<vmem>>, vector<16xf32>,
      tpu.vector_store %arg6[%swap3A_810, %swap3A_811], %select_n3A_809 {strides = array<i32>} : memref<128x128xf32, #tpu.memory_space<vmem>>, vector<16xf32>,
      %sub3A_813 = arith.constant 80 : i32
      %sub3A_814 = arith.subi %select_n3A_752, %sub3A_813 : i32
      %eq3A_815 = vector.broadcast %sub3A_814 : i32 to vector<16xi32>
      %eq3A_816 = arith.cmpi eq, %iota3A, %eq3A_815 : vector<16xi32>
      %broadcast_in_dim3A_817 = vector.broadcast %select_n3A_709 : f32 to vector<16xf32>
      %broadcast_in_dim3A_818 = vector.broadcast %select_n3A_706 : f32 to vector<16xf32>
      %select_n3A_819 = arith.select %eq3A_816, %broadcast_in_dim3A_817, %broadcast_in_dim3A_818 : vector<16xi1>, vector<16xf32>
      %swap3A_820 = arith.index_cast %add3A_701 : i32 to index
      %swap3A_821 = arith.constant 80 : index
      %swap3A_822 = tpu.vector_load %arg6[%swap3A_820, %swap3A_821] {strides = array<i32>} : memref<128x128xf32, #tpu.memory_space<vmem>>, vector<16xf32>,
      tpu.vector_store %arg6[%swap3A_820, %swap3A_821], %select_n3A_819 {strides = array<i32>} : memref<128x128xf32, #tpu.memory_space<vmem>>, vector<16xf32>,
      %sub3A_823 = arith.constant 96 : i32
      %sub3A_824 = arith.subi %select_n3A_752, %sub3A_823 : i32
      %eq3A_825 = vector.broadcast %sub3A_824 : i32 to vector<16xi32>
      %eq3A_826 = arith.cmpi eq, %iota3A, %eq3A_825 : vector<16xi32>
      %broadcast_in_dim3A_827 = vector.broadcast %select_n3A_709 : f32 to vector<16xf32>
      %broadcast_in_dim3A_828 = vector.broadcast %select_n3A_706 : f32 to vector<16xf32>
      %select_n3A_829 = arith.select %eq3A_826, %broadcast_in_dim3A_827, %broadcast_in_dim3A_828 : vector<16xi1>, vector<16xf32>
      %swap3A_830 = arith.index_cast %add3A_701 : i32 to index
      %swap3A_831 = arith.constant 96 : index
      %swap3A_832 = tpu.vector_load %arg6[%swap3A_830, %swap3A_831] {strides = array<i32>} : memref<128x128xf32, #tpu.memory_space<vmem>>, vector<16xf32>,
      tpu.vector_store %arg6[%swap3A_830, %swap3A_831], %select_n3A_829 {strides = array<i32>} : memref<128x128xf32, #tpu.memory_space<vmem>>, vector<16xf32>,
      %sub3A_833 = arith.constant 112 : i32
      %sub3A_834 = arith.subi %select_n3A_752, %sub3A_833 : i32
      %eq3A_835 = vector.broadcast %sub3A_834 : i32 to vector<16xi32>
      %eq3A_836 = arith.cmpi eq, %iota3A, %eq3A_835 : vector<16xi32>
      %broadcast_in_dim3A_837 = vector.broadcast %select_n3A_709 : f32 to vector<16xf32>
      %broadcast_in_dim3A_838 = vector.broadcast %select_n3A_706 : f32 to vector<16xf32>
      %select_n3A_839 = arith.select %eq3A_836, %broadcast_in_dim3A_837, %broadcast_in_dim3A_838 : vector<16xi1>, vector<16xf32>
      %swap3A_840 = arith.index_cast %add3A_701 : i32 to index
      %swap3A_841 = arith.constant 112 : index
      %swap3A_842 = tpu.vector_load %arg6[%swap3A_840, %swap3A_841] {strides = array<i32>} : memref<128x128xf32, #tpu.memory_space<vmem>>, vector<16xf32>,
      tpu.vector_store %arg6[%swap3A_840, %swap3A_841], %select_n3A_839 {strides = array<i32>} : memref<128x128xf32, #tpu.memory_space<vmem>>, vector<16xf32>,
      %add3A_843 = arith.addi %mul3A_2, %add3A_701 : i32
      %dma_start3A_844 = arith.constant 0 : i32
      %dma_start3A_845 = tpu.memref_slice %arg6[%add3A_701, %dma_start3A_844] : memref<128x128xf32, #tpu.memory_space<vmem>> -> memref<1x128xf32, #tpu.memory_space<vmem>>
      %dma_start3A_846 = tpu.memref_squeeze %dma_start3A_845 : memref<1x128xf32, #tpu.memory_space<vmem>> -> memref<128xf32, #tpu.memory_space<vmem>>
      %dma_start3A_847 = tpu.memref_slice %arg3[%add3A_843, %multiple_of3A_736] : memref<4096x32000xf32, #tpu.memory_space<hbm>> -> memref<1x128xf32, #tpu.memory_space<hbm>>
      %dma_start3A_848 = tpu.memref_squeeze %dma_start3A_847 : memref<1x128xf32, #tpu.memory_space<hbm>> -> memref<128xf32, #tpu.memory_space<hbm>>
      %dma_start3A_849 = tpu.memref_slice %arg3[%add3A_843, %multiple_of3A_736] : memref<4096x32000xf32, #tpu.memory_space<hbm>> -> memref<1x128xf32, #tpu.memory_space<hbm>>
      %dma_start3A_850 = tpu.memref_squeeze %dma_start3A_849 : memref<1x128xf32, #tpu.memory_space<hbm>> -> memref<128xf32, #tpu.memory_space<hbm>>
      %dma_start3A_851 = arith.constant 0 : i32
      %dma_start3A_852 = tpu.memref_slice %arg6[%add3A_701, %dma_start3A_851] : memref<128x128xf32, #tpu.memory_space<vmem>> -> memref<1x128xf32, #tpu.memory_space<vmem>>
      %dma_start3A_853 = tpu.memref_squeeze %dma_start3A_852 : memref<1x128xf32, #tpu.memory_space<vmem>> -> memref<128xf32, #tpu.memory_space<vmem>>
      tpu.enqueue_dma source(%dma_start3A_853 : memref<128xf32, #tpu.memory_space<vmem>>) target(%dma_start3A_850 : memref<128xf32, #tpu.memory_space<hbm>>) target_semaphore(%arg7 : memref<!tpu.dma_semaphore, #tpu.memory_space<semaphore_mem>>)
      %eq3A_854 = arith.constant 5 : i32
      %eq3A_855 = vector.broadcast %eq3A_854 : i32 to vector<16xi32>
      %eq3A_856 = arith.cmpi eq, %iota3A, %eq3A_855 : vector<16xi32>
      %jit3A_857 = arith.constant 0 : i32
      %broadcast_in_dim3A_858 = vector.broadcast %jit3A_857 : i32 to vector<16xi32>
      %select_n3A_859 = arith.select %eq3A_856, %get3A_17, %broadcast_in_dim3A_858 : vector<16xi1>, vector<16xi32>
      %reduce_max3A_860 = arith.constant true
      %reduce_max3A_861 = vector.broadcast %reduce_max3A_860 : i1 to vector<16xi1>
      %reduce_max3A_862 = arith.constant -2147483648 : i32
      %reduce_max3A_863 = vector.broadcast %reduce_max3A_862 : i32 to vector<16xi32>
      %reduce_max3A_864 = arith.xori %select_n3A_859, %reduce_max3A_863 : vector<16xi32>
      %reduce_max3A_865 = tpu.scan <max>, %reduce_max3A_864 masked %reduce_max3A_861 : vector<16xi32>, vector<16xi1> -> vector<16xi32>
      %reduce_max3A_866 = arith.xori %reduce_max3A_865, %reduce_max3A_863 : vector<16xi32>
      %reduce_max3A_867 = vector.extract %reduce_max3A_866[15] : i32 from vector<16xi32>
      %mul3A_868 = arith.constant 16 : i32
      %mul3A_869 = arith.muli %add3A_14, %mul3A_868 : i32
      %add3A_870 = arith.constant 5 : i32
      %add3A_871 = arith.addi %mul3A_869, %add3A_870 : i32
      %eq3A_872 = arith.constant 0 : i32
      %eq3A_873 = arith.cmpi eq, %reduce_max3A_867, %eq3A_872 : i32
      %jit3A_874 = arith.constant 0.000000e+00 : f32
      %jit3A_875 = arith.constant 3.12519524E-6 : f32
      %select_n3A_876 = arith.select %eq3A_873, %jit3A_874, %jit3A_875 : f32
      %jit3A_877 = arith.constant 0.000000e+00 : f32
      %jit3A_878 = arith.constant 0.899999976 : f32
      %select_n3A_879 = arith.select %eq3A_873, %jit3A_877, %jit3A_878 : f32
      %jit3A_880 = arith.constant 128 : i32
      %div3A_881 = arith.divsi %reduce_max3A_867, %jit3A_880 : i32
      %sign3A_882 = arith.constant 0 : i32
      %sign3A_883 = arith.cmpi sgt, %reduce_max3A_867, %sign3A_882 : i32
      %sign3A_884 = arith.extui %sign3A_883 : i1 to i32
      %sign3A_885 = arith.constant 0 : i32
      %sign3A_886 = arith.cmpi slt, %reduce_max3A_867, %sign3A_885 : i32
      %sign3A_887 = arith.extui %sign3A_886 : i1 to i32
      %sign3A_888 = arith.subi %sign3A_884, %sign3A_887 : i32
      %sign3A_889 = arith.constant 0 : i32
      %sign3A_890 = arith.cmpi sgt, %jit3A_880, %sign3A_889 : i32
      %sign3A_891 = arith.extui %sign3A_890 : i1 to i32
      %sign3A_892 = arith.constant 0 : i32
      %sign3A_893 = arith.cmpi slt, %jit3A_880, %sign3A_892 : i32
      %sign3A_894 = arith.extui %sign3A_893 : i1 to i32
      %sign3A_895 = arith.subi %sign3A_891, %sign3A_894 : i32
      %ne3A_896 = arith.cmpi ne, %sign3A_888, %sign3A_895 : i32
      %rem3A_897 = arith.remsi %reduce_max3A_867, %jit3A_880 : i32
      %ne3A_898 = arith.constant 0 : i32
      %ne3A_899 = arith.cmpi ne, %rem3A_897, %ne3A_898 : i32
      %and3A_900 = arith.andi %ne3A_896, %ne3A_899 : i1
      %sub3A_901 = arith.constant 1 : i32
      %sub3A_902 = arith.subi %div3A_881, %sub3A_901 : i32
      %select_n3A_903 = arith.select %and3A_900, %sub3A_902, %div3A_881 : i32
      %mul3A_904 = arith.constant 128 : i32
      %mul3A_905 = arith.muli %select_n3A_903, %mul3A_904 : i32
      %multiple_of3A_906 = tpu.assume_multiple %mul3A_905, 128 : i32
      %jit3A_907 = arith.constant 128 : i32
      %eq3A_908 = arith.constant 0 : i32
      %eq3A_909 = arith.cmpi eq, %jit3A_907, %eq3A_908 : i32
      %jit3A_910 = arith.constant 1 : i32
      %select_n3A_911 = arith.select %eq3A_909, %jit3A_910, %jit3A_907 : i32
      %rem3A_912 = arith.remsi %reduce_max3A_867, %select_n3A_911 : i32
      %ne3A_913 = arith.constant 0 : i32
      %ne3A_914 = arith.cmpi ne, %rem3A_912, %ne3A_913 : i32
      %lt3A_915 = arith.constant 0 : i32
      %lt3A_916 = arith.cmpi slt, %rem3A_912, %lt3A_915 : i32
      %lt3A_917 = arith.constant 0 : i32
      %lt3A_918 = arith.cmpi slt, %select_n3A_911, %lt3A_917 : i32
      %ne3A_919 = arith.xori %lt3A_916, %lt3A_918 : i1
      %and3A_920 = arith.andi %ne3A_919, %ne3A_914 : i1
      %add3A_921 = arith.addi %rem3A_912, %select_n3A_911 : i32
      %select_n3A_922 = arith.select %and3A_920, %add3A_921, %rem3A_912 : i32
      %eq3A_923 = arith.constant 0 : i32
      %eq3A_924 = arith.cmpi eq, %multiple_of3A_906, %eq3A_923 : i32
      %jit3A_925 = arith.constant 0 : i32
      %jit3A_926 = arith.constant -1 : i32
      %select_n3A_927 = arith.select %eq3A_924, %jit3A_925, %jit3A_926 : i32
      %sub3A_928 = arith.constant 0 : i32
      %sub3A_929 = arith.subi %select_n3A_922, %sub3A_928 : i32
      %eq3A_930 = vector.broadcast %sub3A_929 : i32 to vector<16xi32>
      %eq3A_931 = arith.cmpi eq, %iota3A, %eq3A_930 : vector<16xi32>
      %broadcast_in_dim3A_932 = vector.broadcast %select_n3A_879 : f32 to vector<16xf32>
      %broadcast_in_dim3A_933 = vector.broadcast %select_n3A_876 : f32 to vector<16xf32>
      %select_n3A_934 = arith.select %eq3A_931, %broadcast_in_dim3A_932, %broadcast_in_dim3A_933 : vector<16xi1>, vector<16xf32>
      %eq3A_935 = vector.broadcast %select_n3A_927 : i32 to vector<16xi32>
      %eq3A_936 = arith.cmpi eq, %iota3A, %eq3A_935 : vector<16xi32>
      %jit3A_937 = arith.constant 0.000000e+00 : f32
      %broadcast_in_dim3A_938 = vector.broadcast %jit3A_937 : f32 to vector<16xf32>
      %select_n3A_939 = arith.select %eq3A_936, %broadcast_in_dim3A_938, %select_n3A_934 : vector<16xi1>, vector<16xf32>
      %swap3A_940 = arith.index_cast %add3A_871 : i32 to index
      %swap3A_941 = arith.constant 0 : index
      %swap3A_942 = tpu.vector_load %arg6[%swap3A_940, %swap3A_941] {strides = array<i32>} : memref<128x128xf32, #tpu.memory_space<vmem>>, vector<16xf32>,
      tpu.vector_store %arg6[%swap3A_940, %swap3A_941], %select_n3A_939 {strides = array<i32>} : memref<128x128xf32, #tpu.memory_space<vmem>>, vector<16xf32>,
      %sub3A_943 = arith.constant 16 : i32
      %sub3A_944 = arith.subi %select_n3A_922, %sub3A_943 : i32
      %eq3A_945 = vector.broadcast %sub3A_944 : i32 to vector<16xi32>
      %eq3A_946 = arith.cmpi eq, %iota3A, %eq3A_945 : vector<16xi32>
      %broadcast_in_dim3A_947 = vector.broadcast %select_n3A_879 : f32 to vector<16xf32>
      %broadcast_in_dim3A_948 = vector.broadcast %select_n3A_876 : f32 to vector<16xf32>
      %select_n3A_949 = arith.select %eq3A_946, %broadcast_in_dim3A_947, %broadcast_in_dim3A_948 : vector<16xi1>, vector<16xf32>
      %swap3A_950 = arith.index_cast %add3A_871 : i32 to index
      %swap3A_951 = arith.constant 16 : index
      %swap3A_952 = tpu.vector_load %arg6[%swap3A_950, %swap3A_951] {strides = array<i32>} : memref<128x128xf32, #tpu.memory_space<vmem>>, vector<16xf32>,
      tpu.vector_store %arg6[%swap3A_950, %swap3A_951], %select_n3A_949 {strides = array<i32>} : memref<128x128xf32, #tpu.memory_space<vmem>>, vector<16xf32>,
      %sub3A_953 = arith.constant 32 : i32
      %sub3A_954 = arith.subi %select_n3A_922, %sub3A_953 : i32
      %eq3A_955 = vector.broadcast %sub3A_954 : i32 to vector<16xi32>
      %eq3A_956 = arith.cmpi eq, %iota3A, %eq3A_955 : vector<16xi32>
      %broadcast_in_dim3A_957 = vector.broadcast %select_n3A_879 : f32 to vector<16xf32>
      %broadcast_in_dim3A_958 = vector.broadcast %select_n3A_876 : f32 to vector<16xf32>
      %select_n3A_959 = arith.select %eq3A_956, %broadcast_in_dim3A_957, %broadcast_in_dim3A_958 : vector<16xi1>, vector<16xf32>
      %swap3A_960 = arith.index_cast %add3A_871 : i32 to index
      %swap3A_961 = arith.constant 32 : index
      %swap3A_962 = tpu.vector_load %arg6[%swap3A_960, %swap3A_961] {strides = array<i32>} : memref<128x128xf32, #tpu.memory_space<vmem>>, vector<16xf32>,
      tpu.vector_store %arg6[%swap3A_960, %swap3A_961], %select_n3A_959 {strides = array<i32>} : memref<128x128xf32, #tpu.memory_space<vmem>>, vector<16xf32>,
      %sub3A_963 = arith.constant 48 : i32
      %sub3A_964 = arith.subi %select_n3A_922, %sub3A_963 : i32
      %eq3A_965 = vector.broadcast %sub3A_964 : i32 to vector<16xi32>
      %eq3A_966 = arith.cmpi eq, %iota3A, %eq3A_965 : vector<16xi32>
      %broadcast_in_dim3A_967 = vector.broadcast %select_n3A_879 : f32 to vector<16xf32>
      %broadcast_in_dim3A_968 = vector.broadcast %select_n3A_876 : f32 to vector<16xf32>
      %select_n3A_969 = arith.select %eq3A_966, %broadcast_in_dim3A_967, %broadcast_in_dim3A_968 : vector<16xi1>, vector<16xf32>
      %swap3A_970 = arith.index_cast %add3A_871 : i32 to index
      %swap3A_971 = arith.constant 48 : index
      %swap3A_972 = tpu.vector_load %arg6[%swap3A_970, %swap3A_971] {strides = array<i32>} : memref<128x128xf32, #tpu.memory_space<vmem>>, vector<16xf32>,
      tpu.vector_store %arg6[%swap3A_970, %swap3A_971], %select_n3A_969 {strides = array<i32>} : memref<128x128xf32, #tpu.memory_space<vmem>>, vector<16xf32>,
      %sub3A_973 = arith.constant 64 : i32
      %sub3A_974 = arith.subi %select_n3A_922, %sub3A_973 : i32
      %eq3A_975 = vector.broadcast %sub3A_974 : i32 to vector<16xi32>
      %eq3A_976 = arith.cmpi eq, %iota3A, %eq3A_975 : vector<16xi32>
      %broadcast_in_dim3A_977 = vector.broadcast %select_n3A_879 : f32 to vector<16xf32>
      %broadcast_in_dim3A_978 = vector.broadcast %select_n3A_876 : f32 to vector<16xf32>
      %select_n3A_979 = arith.select %eq3A_976, %broadcast_in_dim3A_977, %broadcast_in_dim3A_978 : vector<16xi1>, vector<16xf32>
      %swap3A_980 = arith.index_cast %add3A_871 : i32 to index
      %swap3A_981 = arith.constant 64 : index
      %swap3A_982 = tpu.vector_load %arg6[%swap3A_980, %swap3A_981] {strides = array<i32>} : memref<128x128xf32, #tpu.memory_space<vmem>>, vector<16xf32>,
      tpu.vector_store %arg6[%swap3A_980, %swap3A_981], %select_n3A_979 {strides = array<i32>} : memref<128x128xf32, #tpu.memory_space<vmem>>, vector<16xf32>,
      %sub3A_983 = arith.constant 80 : i32
      %sub3A_984 = arith.subi %select_n3A_922, %sub3A_983 : i32
      %eq3A_985 = vector.broadcast %sub3A_984 : i32 to vector<16xi32>
      %eq3A_986 = arith.cmpi eq, %iota3A, %eq3A_985 : vector<16xi32>
      %broadcast_in_dim3A_987 = vector.broadcast %select_n3A_879 : f32 to vector<16xf32>
      %broadcast_in_dim3A_988 = vector.broadcast %select_n3A_876 : f32 to vector<16xf32>
      %select_n3A_989 = arith.select %eq3A_986, %broadcast_in_dim3A_987, %broadcast_in_dim3A_988 : vector<16xi1>, vector<16xf32>
      %swap3A_990 = arith.index_cast %add3A_871 : i32 to index
      %swap3A_991 = arith.constant 80 : index
      %swap3A_992 = tpu.vector_load %arg6[%swap3A_990, %swap3A_991] {strides = array<i32>} : memref<128x128xf32, #tpu.memory_space<vmem>>, vector<16xf32>,
      tpu.vector_store %arg6[%swap3A_990, %swap3A_991], %select_n3A_989 {strides = array<i32>} : memref<128x128xf32, #tpu.memory_space<vmem>>, vector<16xf32>,
      %sub3A_993 = arith.constant 96 : i32
      %sub3A_994 = arith.subi %select_n3A_922, %sub3A_993 : i32
      %eq3A_995 = vector.broadcast %sub3A_994 : i32 to vector<16xi32>
      %eq3A_996 = arith.cmpi eq, %iota3A, %eq3A_995 : vector<16xi32>
      %broadcast_in_dim3A_997 = vector.broadcast %select_n3A_879 : f32 to vector<16xf32>
      %broadcast_in_dim3A_998 = vector.broadcast %select_n3A_876 : f32 to vector<16xf32>
      %select_n3A_999 = arith.select %eq3A_996, %broadcast_in_dim3A_997, %broadcast_in_dim3A_998 : vector<16xi1>, vector<16xf32>
      %swap3A_1000 = arith.index_cast %add3A_871 : i32 to index
      %swap3A_1001 = arith.constant 96 : index
      %swap3A_1002 = tpu.vector_load %arg6[%swap3A_1000, %swap3A_1001] {strides = array<i32>} : memref<128x128xf32, #tpu.memory_space<vmem>>, vector<16xf32>,
      tpu.vector_store %arg6[%swap3A_1000, %swap3A_1001], %select_n3A_999 {strides = array<i32>} : memref<128x128xf32, #tpu.memory_space<vmem>>, vector<16xf32>,
      %sub3A_1003 = arith.constant 112 : i32
      %sub3A_1004 = arith.subi %select_n3A_922, %sub3A_1003 : i32
      %eq3A_1005 = vector.broadcast %sub3A_1004 : i32 to vector<16xi32>
      %eq3A_1006 = arith.cmpi eq, %iota3A, %eq3A_1005 : vector<16xi32>
      %broadcast_in_dim3A_1007 = vector.broadcast %select_n3A_879 : f32 to vector<16xf32>
      %broadcast_in_dim3A_1008 = vector.broadcast %select_n3A_876 : f32 to vector<16xf32>
      %select_n3A_1009 = arith.select %eq3A_1006, %broadcast_in_dim3A_1007, %broadcast_in_dim3A_1008 : vector<16xi1>, vector<16xf32>
      %swap3A_1010 = arith.index_cast %add3A_871 : i32 to index
      %swap3A_1011 = arith.constant 112 : index
      %swap3A_1012 = tpu.vector_load %arg6[%swap3A_1010, %swap3A_1011] {strides = array<i32>} : memref<128x128xf32, #tpu.memory_space<vmem>>, vector<16xf32>,
      tpu.vector_store %arg6[%swap3A_1010, %swap3A_1011], %select_n3A_1009 {strides = array<i32>} : memref<128x128xf32, #tpu.memory_space<vmem>>, vector<16xf32>,
      %add3A_1013 = arith.addi %mul3A_2, %add3A_871 : i32
      %dma_start3A_1014 = arith.constant 0 : i32
      %dma_start3A_1015 = tpu.memref_slice %arg6[%add3A_871, %dma_start3A_1014] : memref<128x128xf32, #tpu.memory_space<vmem>> -> memref<1x128xf32, #tpu.memory_space<vmem>>
      %dma_start3A_1016 = tpu.memref_squeeze %dma_start3A_1015 : memref<1x128xf32, #tpu.memory_space<vmem>> -> memref<128xf32, #tpu.memory_space<vmem>>
      %dma_start3A_1017 = tpu.memref_slice %arg3[%add3A_1013, %multiple_of3A_906] : memref<4096x32000xf32, #tpu.memory_space<hbm>> -> memref<1x128xf32, #tpu.memory_space<hbm>>
      %dma_start3A_1018 = tpu.memref_squeeze %dma_start3A_1017 : memref<1x128xf32, #tpu.memory_space<hbm>> -> memref<128xf32, #tpu.memory_space<hbm>>
      %dma_start3A_1019 = tpu.memref_slice %arg3[%add3A_1013, %multiple_of3A_906] : memref<4096x32000xf32, #tpu.memory_space<hbm>> -> memref<1x128xf32, #tpu.memory_space<hbm>>
      %dma_start3A_1020 = tpu.memref_squeeze %dma_start3A_1019 : memref<1x128xf32, #tpu.memory_space<hbm>> -> memref<128xf32, #tpu.memory_space<hbm>>
      %dma_start3A_1021 = arith.constant 0 : i32
      %dma_start3A_1022 = tpu.memref_slice %arg6[%add3A_871, %dma_start3A_1021] : memref<128x128xf32, #tpu.memory_space<vmem>> -> memref<1x128xf32, #tpu.memory_space<vmem>>
      %dma_start3A_1023 = tpu.memref_squeeze %dma_start3A_1022 : memref<1x128xf32, #tpu.memory_space<vmem>> -> memref<128xf32, #tpu.memory_space<vmem>>
      tpu.enqueue_dma source(%dma_start3A_1023 : memref<128xf32, #tpu.memory_space<vmem>>) target(%dma_start3A_1020 : memref<128xf32, #tpu.memory_space<hbm>>) target_semaphore(%arg7 : memref<!tpu.dma_semaphore, #tpu.memory_space<semaphore_mem>>)
      %eq3A_1024 = arith.constant 6 : i32
      %eq3A_1025 = vector.broadcast %eq3A_1024 : i32 to vector<16xi32>
      %eq3A_1026 = arith.cmpi eq, %iota3A, %eq3A_1025 : vector<16xi32>
      %jit3A_1027 = arith.constant 0 : i32
      %broadcast_in_dim3A_1028 = vector.broadcast %jit3A_1027 : i32 to vector<16xi32>
      %select_n3A_1029 = arith.select %eq3A_1026, %get3A_17, %broadcast_in_dim3A_1028 : vector<16xi1>, vector<16xi32>
      %reduce_max3A_1030 = arith.constant true
      %reduce_max3A_1031 = vector.broadcast %reduce_max3A_1030 : i1 to vector<16xi1>
      %reduce_max3A_1032 = arith.constant -2147483648 : i32
      %reduce_max3A_1033 = vector.broadcast %reduce_max3A_1032 : i32 to vector<16xi32>
      %reduce_max3A_1034 = arith.xori %select_n3A_1029, %reduce_max3A_1033 : vector<16xi32>
      %reduce_max3A_1035 = tpu.scan <max>, %reduce_max3A_1034 masked %reduce_max3A_1031 : vector<16xi32>, vector<16xi1> -> vector<16xi32>
      %reduce_max3A_1036 = arith.xori %reduce_max3A_1035, %reduce_max3A_1033 : vector<16xi32>
      %reduce_max3A_1037 = vector.extract %reduce_max3A_1036[15] : i32 from vector<16xi32>
      %mul3A_1038 = arith.constant 16 : i32
      %mul3A_1039 = arith.muli %add3A_14, %mul3A_1038 : i32
      %add3A_1040 = arith.constant 6 : i32
      %add3A_1041 = arith.addi %mul3A_1039, %add3A_1040 : i32
      %eq3A_1042 = arith.constant 0 : i32
      %eq3A_1043 = arith.cmpi eq, %reduce_max3A_1037, %eq3A_1042 : i32
      %jit3A_1044 = arith.constant 0.000000e+00 : f32
      %jit3A_1045 = arith.constant 3.12519524E-6 : f32
      %select_n3A_1046 = arith.select %eq3A_1043, %jit3A_1044, %jit3A_1045 : f32
      %jit3A_1047 = arith.constant 0.000000e+00 : f32
      %jit3A_1048 = arith.constant 0.899999976 : f32
      %select_n3A_1049 = arith.select %eq3A_1043, %jit3A_1047, %jit3A_1048 : f32
      %jit3A_1050 = arith.constant 128 : i32
      %div3A_1051 = arith.divsi %reduce_max3A_1037, %jit3A_1050 : i32
      %sign3A_1052 = arith.constant 0 : i32
      %sign3A_1053 = arith.cmpi sgt, %reduce_max3A_1037, %sign3A_1052 : i32
      %sign3A_1054 = arith.extui %sign3A_1053 : i1 to i32
      %sign3A_1055 = arith.constant 0 : i32
      %sign3A_1056 = arith.cmpi slt, %reduce_max3A_1037, %sign3A_1055 : i32
      %sign3A_1057 = arith.extui %sign3A_1056 : i1 to i32
      %sign3A_1058 = arith.subi %sign3A_1054, %sign3A_1057 : i32
      %sign3A_1059 = arith.constant 0 : i32
      %sign3A_1060 = arith.cmpi sgt, %jit3A_1050, %sign3A_1059 : i32
      %sign3A_1061 = arith.extui %sign3A_1060 : i1 to i32
      %sign3A_1062 = arith.constant 0 : i32
      %sign3A_1063 = arith.cmpi slt, %jit3A_1050, %sign3A_1062 : i32
      %sign3A_1064 = arith.extui %sign3A_1063 : i1 to i32
      %sign3A_1065 = arith.subi %sign3A_1061, %sign3A_1064 : i32
      %ne3A_1066 = arith.cmpi ne, %sign3A_1058, %sign3A_1065 : i32
      %rem3A_1067 = arith.remsi %reduce_max3A_1037, %jit3A_1050 : i32
      %ne3A_1068 = arith.constant 0 : i32
      %ne3A_1069 = arith.cmpi ne, %rem3A_1067, %ne3A_1068 : i32
      %and3A_1070 = arith.andi %ne3A_1066, %ne3A_1069 : i1
      %sub3A_1071 = arith.constant 1 : i32
      %sub3A_1072 = arith.subi %div3A_1051, %sub3A_1071 : i32
      %select_n3A_1073 = arith.select %and3A_1070, %sub3A_1072, %div3A_1051 : i32
      %mul3A_1074 = arith.constant 128 : i32
      %mul3A_1075 = arith.muli %select_n3A_1073, %mul3A_1074 : i32
      %multiple_of3A_1076 = tpu.assume_multiple %mul3A_1075, 128 : i32
      %jit3A_1077 = arith.constant 128 : i32
      %eq3A_1078 = arith.constant 0 : i32
      %eq3A_1079 = arith.cmpi eq, %jit3A_1077, %eq3A_1078 : i32
      %jit3A_1080 = arith.constant 1 : i32
      %select_n3A_1081 = arith.select %eq3A_1079, %jit3A_1080, %jit3A_1077 : i32
      %rem3A_1082 = arith.remsi %reduce_max3A_1037, %select_n3A_1081 : i32
      %ne3A_1083 = arith.constant 0 : i32
      %ne3A_1084 = arith.cmpi ne, %rem3A_1082, %ne3A_1083 : i32
      %lt3A_1085 = arith.constant 0 : i32
      %lt3A_1086 = arith.cmpi slt, %rem3A_1082, %lt3A_1085 : i32
      %lt3A_1087 = arith.constant 0 : i32
      %lt3A_1088 = arith.cmpi slt, %select_n3A_1081, %lt3A_1087 : i32
      %ne3A_1089 = arith.xori %lt3A_1086, %lt3A_1088 : i1
      %and3A_1090 = arith.andi %ne3A_1089, %ne3A_1084 : i1
      %add3A_1091 = arith.addi %rem3A_1082, %select_n3A_1081 : i32
      %select_n3A_1092 = arith.select %and3A_1090, %add3A_1091, %rem3A_1082 : i32
      %eq3A_1093 = arith.constant 0 : i32
      %eq3A_1094 = arith.cmpi eq, %multiple_of3A_1076, %eq3A_1093 : i32
      %jit3A_1095 = arith.constant 0 : i32
      %jit3A_1096 = arith.constant -1 : i32
      %select_n3A_1097 = arith.select %eq3A_1094, %jit3A_1095, %jit3A_1096 : i32
      %sub3A_1098 = arith.constant 0 : i32
      %sub3A_1099 = arith.subi %select_n3A_1092, %sub3A_1098 : i32
      %eq3A_1100 = vector.broadcast %sub3A_1099 : i32 to vector<16xi32>
      %eq3A_1101 = arith.cmpi eq, %iota3A, %eq3A_1100 : vector<16xi32>
      %broadcast_in_dim3A_1102 = vector.broadcast %select_n3A_1049 : f32 to vector<16xf32>
      %broadcast_in_dim3A_1103 = vector.broadcast %select_n3A_1046 : f32 to vector<16xf32>
      %select_n3A_1104 = arith.select %eq3A_1101, %broadcast_in_dim3A_1102, %broadcast_in_dim3A_1103 : vector<16xi1>, vector<16xf32>
      %eq3A_1105 = vector.broadcast %select_n3A_1097 : i32 to vector<16xi32>
      %eq3A_1106 = arith.cmpi eq, %iota3A, %eq3A_1105 : vector<16xi32>
      %jit3A_1107 = arith.constant 0.000000e+00 : f32
      %broadcast_in_dim3A_1108 = vector.broadcast %jit3A_1107 : f32 to vector<16xf32>
      %select_n3A_1109 = arith.select %eq3A_1106, %broadcast_in_dim3A_1108, %select_n3A_1104 : vector<16xi1>, vector<16xf32>
      %swap3A_1110 = arith.index_cast %add3A_1041 : i32 to index
      %swap3A_1111 = arith.constant 0 : index
      %swap3A_1112 = tpu.vector_load %arg6[%swap3A_1110, %swap3A_1111] {strides = array<i32>} : memref<128x128xf32, #tpu.memory_space<vmem>>, vector<16xf32>,
      tpu.vector_store %arg6[%swap3A_1110, %swap3A_1111], %select_n3A_1109 {strides = array<i32>} : memref<128x128xf32, #tpu.memory_space<vmem>>, vector<16xf32>,
      %sub3A_1113 = arith.constant 16 : i32
      %sub3A_1114 = arith.subi %select_n3A_1092, %sub3A_1113 : i32
      %eq3A_1115 = vector.broadcast %sub3A_1114 : i32 to vector<16xi32>
      %eq3A_1116 = arith.cmpi eq, %iota3A, %eq3A_1115 : vector<16xi32>
      %broadcast_in_dim3A_1117 = vector.broadcast %select_n3A_1049 : f32 to vector<16xf32>
      %broadcast_in_dim3A_1118 = vector.broadcast %select_n3A_1046 : f32 to vector<16xf32>
      %select_n3A_1119 = arith.select %eq3A_1116, %broadcast_in_dim3A_1117, %broadcast_in_dim3A_1118 : vector<16xi1>, vector<16xf32>
      %swap3A_1120 = arith.index_cast %add3A_1041 : i32 to index
      %swap3A_1121 = arith.constant 16 : index
      %swap3A_1122 = tpu.vector_load %arg6[%swap3A_1120, %swap3A_1121] {strides = array<i32>} : memref<128x128xf32, #tpu.memory_space<vmem>>, vector<16xf32>,
      tpu.vector_store %arg6[%swap3A_1120, %swap3A_1121], %select_n3A_1119 {strides = array<i32>} : memref<128x128xf32, #tpu.memory_space<vmem>>, vector<16xf32>,
      %sub3A_1123 = arith.constant 32 : i32
      %sub3A_1124 = arith.subi %select_n3A_1092, %sub3A_1123 : i32
      %eq3A_1125 = vector.broadcast %sub3A_1124 : i32 to vector<16xi32>
      %eq3A_1126 = arith.cmpi eq, %iota3A, %eq3A_1125 : vector<16xi32>
      %broadcast_in_dim3A_1127 = vector.broadcast %select_n3A_1049 : f32 to vector<16xf32>
      %broadcast_in_dim3A_1128 = vector.broadcast %select_n3A_1046 : f32 to vector<16xf32>
      %select_n3A_1129 = arith.select %eq3A_1126, %broadcast_in_dim3A_1127, %broadcast_in_dim3A_1128 : vector<16xi1>, vector<16xf32>
      %swap3A_1130 = arith.index_cast %add3A_1041 : i32 to index
      %swap3A_1131 = arith.constant 32 : index
      %swap3A_1132 = tpu.vector_load %arg6[%swap3A_1130, %swap3A_1131] {strides = array<i32>} : memref<128x128xf32, #tpu.memory_space<vmem>>, vector<16xf32>,
      tpu.vector_store %arg6[%swap3A_1130, %swap3A_1131], %select_n3A_1129 {strides = array<i32>} : memref<128x128xf32, #tpu.memory_space<vmem>>, vector<16xf32>,
      %sub3A_1133 = arith.constant 48 : i32
      %sub3A_1134 = arith.subi %select_n3A_1092, %sub3A_1133 : i32
      %eq3A_1135 = vector.broadcast %sub3A_1134 : i32 to vector<16xi32>
      %eq3A_1136 = arith.cmpi eq, %iota3A, %eq3A_1135 : vector<16xi32>
      %broadcast_in_dim3A_1137 = vector.broadcast %select_n3A_1049 : f32 to vector<16xf32>
      %broadcast_in_dim3A_1138 = vector.broadcast %select_n3A_1046 : f32 to vector<16xf32>
      %select_n3A_1139 = arith.select %eq3A_1136, %broadcast_in_dim3A_1137, %broadcast_in_dim3A_1138 : vector<16xi1>, vector<16xf32>
      %swap3A_1140 = arith.index_cast %add3A_1041 : i32 to index
      %swap3A_1141 = arith.constant 48 : index
      %swap3A_1142 = tpu.vector_load %arg6[%swap3A_1140, %swap3A_1141] {strides = array<i32>} : memref<128x128xf32, #tpu.memory_space<vmem>>, vector<16xf32>,
      tpu.vector_store %arg6[%swap3A_1140, %swap3A_1141], %select_n3A_1139 {strides = array<i32>} : memref<128x128xf32, #tpu.memory_space<vmem>>, vector<16xf32>,
      %sub3A_1143 = arith.constant 64 : i32
      %sub3A_1144 = arith.subi %select_n3A_1092, %sub3A_1143 : i32
      %eq3A_1145 = vector.broadcast %sub3A_1144 : i32 to vector<16xi32>
      %eq3A_1146 = arith.cmpi eq, %iota3A, %eq3A_1145 : vector<16xi32>
      %broadcast_in_dim3A_1147 = vector.broadcast %select_n3A_1049 : f32 to vector<16xf32>
      %broadcast_in_dim3A_1148 = vector.broadcast %select_n3A_1046 : f32 to vector<16xf32>
      %select_n3A_1149 = arith.select %eq3A_1146, %broadcast_in_dim3A_1147, %broadcast_in_dim3A_1148 : vector<16xi1>, vector<16xf32>
      %swap3A_1150 = arith.index_cast %add3A_1041 : i32 to index
      %swap3A_1151 = arith.constant 64 : index
      %swap3A_1152 = tpu.vector_load %arg6[%swap3A_1150, %swap3A_1151] {strides = array<i32>} : memref<128x128xf32, #tpu.memory_space<vmem>>, vector<16xf32>,
      tpu.vector_store %arg6[%swap3A_1150, %swap3A_1151], %select_n3A_1149 {strides = array<i32>} : memref<128x128xf32, #tpu.memory_space<vmem>>, vector<16xf32>,
      %sub3A_1153 = arith.constant 80 : i32
      %sub3A_1154 = arith.subi %select_n3A_1092, %sub3A_1153 : i32
      %eq3A_1155 = vector.broadcast %sub3A_1154 : i32 to vector<16xi32>
      %eq3A_1156 = arith.cmpi eq, %iota3A, %eq3A_1155 : vector<16xi32>
      %broadcast_in_dim3A_1157 = vector.broadcast %select_n3A_1049 : f32 to vector<16xf32>
      %broadcast_in_dim3A_1158 = vector.broadcast %select_n3A_1046 : f32 to vector<16xf32>
      %select_n3A_1159 = arith.select %eq3A_1156, %broadcast_in_dim3A_1157, %broadcast_in_dim3A_1158 : vector<16xi1>, vector<16xf32>
      %swap3A_1160 = arith.index_cast %add3A_1041 : i32 to index
      %swap3A_1161 = arith.constant 80 : index
      %swap3A_1162 = tpu.vector_load %arg6[%swap3A_1160, %swap3A_1161] {strides = array<i32>} : memref<128x128xf32, #tpu.memory_space<vmem>>, vector<16xf32>,
      tpu.vector_store %arg6[%swap3A_1160, %swap3A_1161], %select_n3A_1159 {strides = array<i32>} : memref<128x128xf32, #tpu.memory_space<vmem>>, vector<16xf32>,
      %sub3A_1163 = arith.constant 96 : i32
      %sub3A_1164 = arith.subi %select_n3A_1092, %sub3A_1163 : i32
      %eq3A_1165 = vector.broadcast %sub3A_1164 : i32 to vector<16xi32>
      %eq3A_1166 = arith.cmpi eq, %iota3A, %eq3A_1165 : vector<16xi32>
      %broadcast_in_dim3A_1167 = vector.broadcast %select_n3A_1049 : f32 to vector<16xf32>
      %broadcast_in_dim3A_1168 = vector.broadcast %select_n3A_1046 : f32 to vector<16xf32>
      %select_n3A_1169 = arith.select %eq3A_1166, %broadcast_in_dim3A_1167, %broadcast_in_dim3A_1168 : vector<16xi1>, vector<16xf32>
      %swap3A_1170 = arith.index_cast %add3A_1041 : i32 to index
      %swap3A_1171 = arith.constant 96 : index
      %swap3A_1172 = tpu.vector_load %arg6[%swap3A_1170, %swap3A_1171] {strides = array<i32>} : memref<128x128xf32, #tpu.memory_space<vmem>>, vector<16xf32>,
      tpu.vector_store %arg6[%swap3A_1170, %swap3A_1171], %select_n3A_1169 {strides = array<i32>} : memref<128x128xf32, #tpu.memory_space<vmem>>, vector<16xf32>,
      %sub3A_1173 = arith.constant 112 : i32
      %sub3A_1174 = arith.subi %select_n3A_1092, %sub3A_1173 : i32
      %eq3A_1175 = vector.broadcast %sub3A_1174 : i32 to vector<16xi32>
      %eq3A_1176 = arith.cmpi eq, %iota3A, %eq3A_1175 : vector<16xi32>
      %broadcast_in_dim3A_1177 = vector.broadcast %select_n3A_1049 : f32 to vector<16xf32>
      %broadcast_in_dim3A_1178 = vector.broadcast %select_n3A_1046 : f32 to vector<16xf32>
      %select_n3A_1179 = arith.select %eq3A_1176, %broadcast_in_dim3A_1177, %broadcast_in_dim3A_1178 : vector<16xi1>, vector<16xf32>
      %swap3A_1180 = arith.index_cast %add3A_1041 : i32 to index
      %swap3A_1181 = arith.constant 112 : index
      %swap3A_1182 = tpu.vector_load %arg6[%swap3A_1180, %swap3A_1181] {strides = array<i32>} : memref<128x128xf32, #tpu.memory_space<vmem>>, vector<16xf32>,
      tpu.vector_store %arg6[%swap3A_1180, %swap3A_1181], %select_n3A_1179 {strides = array<i32>} : memref<128x128xf32, #tpu.memory_space<vmem>>, vector<16xf32>,
      %add3A_1183 = arith.addi %mul3A_2, %add3A_1041 : i32
      %dma_start3A_1184 = arith.constant 0 : i32
      %dma_start3A_1185 = tpu.memref_slice %arg6[%add3A_1041, %dma_start3A_1184] : memref<128x128xf32, #tpu.memory_space<vmem>> -> memref<1x128xf32, #tpu.memory_space<vmem>>
      %dma_start3A_1186 = tpu.memref_squeeze %dma_start3A_1185 : memref<1x128xf32, #tpu.memory_space<vmem>> -> memref<128xf32, #tpu.memory_space<vmem>>
      %dma_start3A_1187 = tpu.memref_slice %arg3[%add3A_1183, %multiple_of3A_1076] : memref<4096x32000xf32, #tpu.memory_space<hbm>> -> memref<1x128xf32, #tpu.memory_space<hbm>>
      %dma_start3A_1188 = tpu.memref_squeeze %dma_start3A_1187 : memref<1x128xf32, #tpu.memory_space<hbm>> -> memref<128xf32, #tpu.memory_space<hbm>>
      %dma_start3A_1189 = tpu.memref_slice %arg3[%add3A_1183, %multiple_of3A_1076] : memref<4096x32000xf32, #tpu.memory_space<hbm>> -> memref<1x128xf32, #tpu.memory_space<hbm>>
      %dma_start3A_1190 = tpu.memref_squeeze %dma_start3A_1189 : memref<1x128xf32, #tpu.memory_space<hbm>> -> memref<128xf32, #tpu.memory_space<hbm>>
      %dma_start3A_1191 = arith.constant 0 : i32
      %dma_start3A_1192 = tpu.memref_slice %arg6[%add3A_1041, %dma_start3A_1191] : memref<128x128xf32, #tpu.memory_space<vmem>> -> memref<1x128xf32, #tpu.memory_space<vmem>>
      %dma_start3A_1193 = tpu.memref_squeeze %dma_start3A_1192 : memref<1x128xf32, #tpu.memory_space<vmem>> -> memref<128xf32, #tpu.memory_space<vmem>>
      tpu.enqueue_dma source(%dma_start3A_1193 : memref<128xf32, #tpu.memory_space<vmem>>) target(%dma_start3A_1190 : memref<128xf32, #tpu.memory_space<hbm>>) target_semaphore(%arg7 : memref<!tpu.dma_semaphore, #tpu.memory_space<semaphore_mem>>)
      %eq3A_1194 = arith.constant 7 : i32
      %eq3A_1195 = vector.broadcast %eq3A_1194 : i32 to vector<16xi32>
      %eq3A_1196 = arith.cmpi eq, %iota3A, %eq3A_1195 : vector<16xi32>
      %jit3A_1197 = arith.constant 0 : i32
      %broadcast_in_dim3A_1198 = vector.broadcast %jit3A_1197 : i32 to vector<16xi32>
      %select_n3A_1199 = arith.select %eq3A_1196, %get3A_17, %broadcast_in_dim3A_1198 : vector<16xi1>, vector<16xi32>
      %reduce_max3A_1200 = arith.constant true
      %reduce_max3A_1201 = vector.broadcast %reduce_max3A_1200 : i1 to vector<16xi1>
      %reduce_max3A_1202 = arith.constant -2147483648 : i32
      %reduce_max3A_1203 = vector.broadcast %reduce_max3A_1202 : i32 to vector<16xi32>
      %reduce_max3A_1204 = arith.xori %select_n3A_1199, %reduce_max3A_1203 : vector<16xi32>
      %reduce_max3A_1205 = tpu.scan <max>, %reduce_max3A_1204 masked %reduce_max3A_1201 : vector<16xi32>, vector<16xi1> -> vector<16xi32>
      %reduce_max3A_1206 = arith.xori %reduce_max3A_1205, %reduce_max3A_1203 : vector<16xi32>
      %reduce_max3A_1207 = vector.extract %reduce_max3A_1206[15] : i32 from vector<16xi32>
      %mul3A_1208 = arith.constant 16 : i32
      %mul3A_1209 = arith.muli %add3A_14, %mul3A_1208 : i32
      %add3A_1210 = arith.constant 7 : i32
      %add3A_1211 = arith.addi %mul3A_1209, %add3A_1210 : i32
      %eq3A_1212 = arith.constant 0 : i32
      %eq3A_1213 = arith.cmpi eq, %reduce_max3A_1207, %eq3A_1212 : i32
      %jit3A_1214 = arith.constant 0.000000e+00 : f32
      %jit3A_1215 = arith.constant 3.12519524E-6 : f32
      %select_n3A_1216 = arith.select %eq3A_1213, %jit3A_1214, %jit3A_1215 : f32
      %jit3A_1217 = arith.constant 0.000000e+00 : f32
      %jit3A_1218 = arith.constant 0.899999976 : f32
      %select_n3A_1219 = arith.select %eq3A_1213, %jit3A_1217, %jit3A_1218 : f32
      %jit3A_1220 = arith.constant 128 : i32
      %div3A_1221 = arith.divsi %reduce_max3A_1207, %jit3A_1220 : i32
      %sign3A_1222 = arith.constant 0 : i32
      %sign3A_1223 = arith.cmpi sgt, %reduce_max3A_1207, %sign3A_1222 : i32
      %sign3A_1224 = arith.extui %sign3A_1223 : i1 to i32
      %sign3A_1225 = arith.constant 0 : i32
      %sign3A_1226 = arith.cmpi slt, %reduce_max3A_1207, %sign3A_1225 : i32
      %sign3A_1227 = arith.extui %sign3A_1226 : i1 to i32
      %sign3A_1228 = arith.subi %sign3A_1224, %sign3A_1227 : i32
      %sign3A_1229 = arith.constant 0 : i32
      %sign3A_1230 = arith.cmpi sgt, %jit3A_1220, %sign3A_1229 : i32
      %sign3A_1231 = arith.extui %sign3A_1230 : i1 to i32
      %sign3A_1232 = arith.constant 0 : i32
      %sign3A_1233 = arith.cmpi slt, %jit3A_1220, %sign3A_1232 : i32
      %sign3A_1234 = arith.extui %sign3A_1233 : i1 to i32
      %sign3A_1235 = arith.subi %sign3A_1231, %sign3A_1234 : i32
      %ne3A_1236 = arith.cmpi ne, %sign3A_1228, %sign3A_1235 : i32
      %rem3A_1237 = arith.remsi %reduce_max3A_1207, %jit3A_1220 : i32
      %ne3A_1238 = arith.constant 0 : i32
      %ne3A_1239 = arith.cmpi ne, %rem3A_1237, %ne3A_1238 : i32
      %and3A_1240 = arith.andi %ne3A_1236, %ne3A_1239 : i1
      %sub3A_1241 = arith.constant 1 : i32
      %sub3A_1242 = arith.subi %div3A_1221, %sub3A_1241 : i32
      %select_n3A_1243 = arith.select %and3A_1240, %sub3A_1242, %div3A_1221 : i32
      %mul3A_1244 = arith.constant 128 : i32
      %mul3A_1245 = arith.muli %select_n3A_1243, %mul3A_1244 : i32
      %multiple_of3A_1246 = tpu.assume_multiple %mul3A_1245, 128 : i32
      %jit3A_1247 = arith.constant 128 : i32
      %eq3A_1248 = arith.constant 0 : i32
      %eq3A_1249 = arith.cmpi eq, %jit3A_1247, %eq3A_1248 : i32
      %jit3A_1250 = arith.constant 1 : i32
      %select_n3A_1251 = arith.select %eq3A_1249, %jit3A_1250, %jit3A_1247 : i32
      %rem3A_1252 = arith.remsi %reduce_max3A_1207, %select_n3A_1251 : i32
      %ne3A_1253 = arith.constant 0 : i32
      %ne3A_1254 = arith.cmpi ne, %rem3A_1252, %ne3A_1253 : i32
      %lt3A_1255 = arith.constant 0 : i32
      %lt3A_1256 = arith.cmpi slt, %rem3A_1252, %lt3A_1255 : i32
      %lt3A_1257 = arith.constant 0 : i32
      %lt3A_1258 = arith.cmpi slt, %select_n3A_1251, %lt3A_1257 : i32
      %ne3A_1259 = arith.xori %lt3A_1256, %lt3A_1258 : i1
      %and3A_1260 = arith.andi %ne3A_1259, %ne3A_1254 : i1
      %add3A_1261 = arith.addi %rem3A_1252, %select_n3A_1251 : i32
      %select_n3A_1262 = arith.select %and3A_1260, %add3A_1261, %rem3A_1252 : i32
      %eq3A_1263 = arith.constant 0 : i32
      %eq3A_1264 = arith.cmpi eq, %multiple_of3A_1246, %eq3A_1263 : i32
      %jit3A_1265 = arith.constant 0 : i32
      %jit3A_1266 = arith.constant -1 : i32
      %select_n3A_1267 = arith.select %eq3A_1264, %jit3A_1265, %jit3A_1266 : i32
      %sub3A_1268 = arith.constant 0 : i32
      %sub3A_1269 = arith.subi %select_n3A_1262, %sub3A_1268 : i32
      %eq3A_1270 = vector.broadcast %sub3A_1269 : i32 to vector<16xi32>
      %eq3A_1271 = arith.cmpi eq, %iota3A, %eq3A_1270 : vector<16xi32>
      %broadcast_in_dim3A_1272 = vector.broadcast %select_n3A_1219 : f32 to vector<16xf32>
      %broadcast_in_dim3A_1273 = vector.broadcast %select_n3A_1216 : f32 to vector<16xf32>
      %select_n3A_1274 = arith.select %eq3A_1271, %broadcast_in_dim3A_1272, %broadcast_in_dim3A_1273 : vector<16xi1>, vector<16xf32>
      %eq3A_1275 = vector.broadcast %select_n3A_1267 : i32 to vector<16xi32>
      %eq3A_1276 = arith.cmpi eq, %iota3A, %eq3A_1275 : vector<16xi32>
      %jit3A_1277 = arith.constant 0.000000e+00 : f32
      %broadcast_in_dim3A_1278 = vector.broadcast %jit3A_1277 : f32 to vector<16xf32>
      %select_n3A_1279 = arith.select %eq3A_1276, %broadcast_in_dim3A_1278, %select_n3A_1274 : vector<16xi1>, vector<16xf32>
      %swap3A_1280 = arith.index_cast %add3A_1211 : i32 to index
      %swap3A_1281 = arith.constant 0 : index
      %swap3A_1282 = tpu.vector_load %arg6[%swap3A_1280, %swap3A_1281] {strides = array<i32>} : memref<128x128xf32, #tpu.memory_space<vmem>>, vector<16xf32>,
      tpu.vector_store %arg6[%swap3A_1280, %swap3A_1281], %select_n3A_1279 {strides = array<i32>} : memref<128x128xf32, #tpu.memory_space<vmem>>, vector<16xf32>,
      %sub3A_1283 = arith.constant 16 : i32
      %sub3A_1284 = arith.subi %select_n3A_1262, %sub3A_1283 : i32
      %eq3A_1285 = vector.broadcast %sub3A_1284 : i32 to vector<16xi32>
      %eq3A_1286 = arith.cmpi eq, %iota3A, %eq3A_1285 : vector<16xi32>
      %broadcast_in_dim3A_1287 = vector.broadcast %select_n3A_1219 : f32 to vector<16xf32>
      %broadcast_in_dim3A_1288 = vector.broadcast %select_n3A_1216 : f32 to vector<16xf32>
      %select_n3A_1289 = arith.select %eq3A_1286, %broadcast_in_dim3A_1287, %broadcast_in_dim3A_1288 : vector<16xi1>, vector<16xf32>
      %swap3A_1290 = arith.index_cast %add3A_1211 : i32 to index
      %swap3A_1291 = arith.constant 16 : index
      %swap3A_1292 = tpu.vector_load %arg6[%swap3A_1290, %swap3A_1291] {strides = array<i32>} : memref<128x128xf32, #tpu.memory_space<vmem>>, vector<16xf32>,
      tpu.vector_store %arg6[%swap3A_1290, %swap3A_1291], %select_n3A_1289 {strides = array<i32>} : memref<128x128xf32, #tpu.memory_space<vmem>>, vector<16xf32>,
      %sub3A_1293 = arith.constant 32 : i32
      %sub3A_1294 = arith.subi %select_n3A_1262, %sub3A_1293 : i32
      %eq3A_1295 = vector.broadcast %sub3A_1294 : i32 to vector<16xi32>
      %eq3A_1296 = arith.cmpi eq, %iota3A, %eq3A_1295 : vector<16xi32>
      %broadcast_in_dim3A_1297 = vector.broadcast %select_n3A_1219 : f32 to vector<16xf32>
      %broadcast_in_dim3A_1298 = vector.broadcast %select_n3A_1216 : f32 to vector<16xf32>
      %select_n3A_1299 = arith.select %eq3A_1296, %broadcast_in_dim3A_1297, %broadcast_in_dim3A_1298 : vector<16xi1>, vector<16xf32>
      %swap3A_1300 = arith.index_cast %add3A_1211 : i32 to index
      %swap3A_1301 = arith.constant 32 : index
      %swap3A_1302 = tpu.vector_load %arg6[%swap3A_1300, %swap3A_1301] {strides = array<i32>} : memref<128x128xf32, #tpu.memory_space<vmem>>, vector<16xf32>,
      tpu.vector_store %arg6[%swap3A_1300, %swap3A_1301], %select_n3A_1299 {strides = array<i32>} : memref<128x128xf32, #tpu.memory_space<vmem>>, vector<16xf32>,
      %sub3A_1303 = arith.constant 48 : i32
      %sub3A_1304 = arith.subi %select_n3A_1262, %sub3A_1303 : i32
      %eq3A_1305 = vector.broadcast %sub3A_1304 : i32 to vector<16xi32>
      %eq3A_1306 = arith.cmpi eq, %iota3A, %eq3A_1305 : vector<16xi32>
      %broadcast_in_dim3A_1307 = vector.broadcast %select_n3A_1219 : f32 to vector<16xf32>
      %broadcast_in_dim3A_1308 = vector.broadcast %select_n3A_1216 : f32 to vector<16xf32>
      %select_n3A_1309 = arith.select %eq3A_1306, %broadcast_in_dim3A_1307, %broadcast_in_dim3A_1308 : vector<16xi1>, vector<16xf32>
      %swap3A_1310 = arith.index_cast %add3A_1211 : i32 to index
      %swap3A_1311 = arith.constant 48 : index
      %swap3A_1312 = tpu.vector_load %arg6[%swap3A_1310, %swap3A_1311] {strides = array<i32>} : memref<128x128xf32, #tpu.memory_space<vmem>>, vector<16xf32>,
      tpu.vector_store %arg6[%swap3A_1310, %swap3A_1311], %select_n3A_1309 {strides = array<i32>} : memref<128x128xf32, #tpu.memory_space<vmem>>, vector<16xf32>,
      %sub3A_1313 = arith.constant 64 : i32
      %sub3A_1314 = arith.subi %select_n3A_1262, %sub3A_1313 : i32
      %eq3A_1315 = vector.broadcast %sub3A_1314 : i32 to vector<16xi32>
      %eq3A_1316 = arith.cmpi eq, %iota3A, %eq3A_1315 : vector<16xi32>
      %broadcast_in_dim3A_1317 = vector.broadcast %select_n3A_1219 : f32 to vector<16xf32>
      %broadcast_in_dim3A_1318 = vector.broadcast %select_n3A_1216 : f32 to vector<16xf32>
      %select_n3A_1319 = arith.select %eq3A_1316, %broadcast_in_dim3A_1317, %broadcast_in_dim3A_1318 : vector<16xi1>, vector<16xf32>
      %swap3A_1320 = arith.index_cast %add3A_1211 : i32 to index
      %swap3A_1321 = arith.constant 64 : index
      %swap3A_1322 = tpu.vector_load %arg6[%swap3A_1320, %swap3A_1321] {strides = array<i32>} : memref<128x128xf32, #tpu.memory_space<vmem>>, vector<16xf32>,
      tpu.vector_store %arg6[%swap3A_1320, %swap3A_1321], %select_n3A_1319 {strides = array<i32>} : memref<128x128xf32, #tpu.memory_space<vmem>>, vector<16xf32>,
      %sub3A_1323 = arith.constant 80 : i32
      %sub3A_1324 = arith.subi %select_n3A_1262, %sub3A_1323 : i32
      %eq3A_1325 = vector.broadcast %sub3A_1324 : i32 to vector<16xi32>
      %eq3A_1326 = arith.cmpi eq, %iota3A, %eq3A_1325 : vector<16xi32>
      %broadcast_in_dim3A_1327 = vector.broadcast %select_n3A_1219 : f32 to vector<16xf32>
      %broadcast_in_dim3A_1328 = vector.broadcast %select_n3A_1216 : f32 to vector<16xf32>
      %select_n3A_1329 = arith.select %eq3A_1326, %broadcast_in_dim3A_1327, %broadcast_in_dim3A_1328 : vector<16xi1>, vector<16xf32>
      %swap3A_1330 = arith.index_cast %add3A_1211 : i32 to index
      %swap3A_1331 = arith.constant 80 : index
      %swap3A_1332 = tpu.vector_load %arg6[%swap3A_1330, %swap3A_1331] {strides = array<i32>} : memref<128x128xf32, #tpu.memory_space<vmem>>, vector<16xf32>,
      tpu.vector_store %arg6[%swap3A_1330, %swap3A_1331], %select_n3A_1329 {strides = array<i32>} : memref<128x128xf32, #tpu.memory_space<vmem>>, vector<16xf32>,
      %sub3A_1333 = arith.constant 96 : i32
      %sub3A_1334 = arith.subi %select_n3A_1262, %sub3A_1333 : i32
      %eq3A_1335 = vector.broadcast %sub3A_1334 : i32 to vector<16xi32>
      %eq3A_1336 = arith.cmpi eq, %iota3A, %eq3A_1335 : vector<16xi32>
      %broadcast_in_dim3A_1337 = vector.broadcast %select_n3A_1219 : f32 to vector<16xf32>
      %broadcast_in_dim3A_1338 = vector.broadcast %select_n3A_1216 : f32 to vector<16xf32>
      %select_n3A_1339 = arith.select %eq3A_1336, %broadcast_in_dim3A_1337, %broadcast_in_dim3A_1338 : vector<16xi1>, vector<16xf32>
      %swap3A_1340 = arith.index_cast %add3A_1211 : i32 to index
      %swap3A_1341 = arith.constant 96 : index
      %swap3A_1342 = tpu.vector_load %arg6[%swap3A_1340, %swap3A_1341] {strides = array<i32>} : memref<128x128xf32, #tpu.memory_space<vmem>>, vector<16xf32>,
      tpu.vector_store %arg6[%swap3A_1340, %swap3A_1341], %select_n3A_1339 {strides = array<i32>} : memref<128x128xf32, #tpu.memory_space<vmem>>, vector<16xf32>,
      %sub3A_1343 = arith.constant 112 : i32
      %sub3A_1344 = arith.subi %select_n3A_1262, %sub3A_1343 : i32
      %eq3A_1345 = vector.broadcast %sub3A_1344 : i32 to vector<16xi32>
      %eq3A_1346 = arith.cmpi eq, %iota3A, %eq3A_1345 : vector<16xi32>
      %broadcast_in_dim3A_1347 = vector.broadcast %select_n3A_1219 : f32 to vector<16xf32>
      %broadcast_in_dim3A_1348 = vector.broadcast %select_n3A_1216 : f32 to vector<16xf32>
      %select_n3A_1349 = arith.select %eq3A_1346, %broadcast_in_dim3A_1347, %broadcast_in_dim3A_1348 : vector<16xi1>, vector<16xf32>
      %swap3A_1350 = arith.index_cast %add3A_1211 : i32 to index
      %swap3A_1351 = arith.constant 112 : index
      %swap3A_1352 = tpu.vector_load %arg6[%swap3A_1350, %swap3A_1351] {strides = array<i32>} : memref<128x128xf32, #tpu.memory_space<vmem>>, vector<16xf32>,
      tpu.vector_store %arg6[%swap3A_1350, %swap3A_1351], %select_n3A_1349 {strides = array<i32>} : memref<128x128xf32, #tpu.memory_space<vmem>>, vector<16xf32>,
      %add3A_1353 = arith.addi %mul3A_2, %add3A_1211 : i32
      %dma_start3A_1354 = arith.constant 0 : i32
      %dma_start3A_1355 = tpu.memref_slice %arg6[%add3A_1211, %dma_start3A_1354] : memref<128x128xf32, #tpu.memory_space<vmem>> -> memref<1x128xf32, #tpu.memory_space<vmem>>
      %dma_start3A_1356 = tpu.memref_squeeze %dma_start3A_1355 : memref<1x128xf32, #tpu.memory_space<vmem>> -> memref<128xf32, #tpu.memory_space<vmem>>
      %dma_start3A_1357 = tpu.memref_slice %arg3[%add3A_1353, %multiple_of3A_1246] : memref<4096x32000xf32, #tpu.memory_space<hbm>> -> memref<1x128xf32, #tpu.memory_space<hbm>>
      %dma_start3A_1358 = tpu.memref_squeeze %dma_start3A_1357 : memref<1x128xf32, #tpu.memory_space<hbm>> -> memref<128xf32, #tpu.memory_space<hbm>>
      %dma_start3A_1359 = tpu.memref_slice %arg3[%add3A_1353, %multiple_of3A_1246] : memref<4096x32000xf32, #tpu.memory_space<hbm>> -> memref<1x128xf32, #tpu.memory_space<hbm>>
      %dma_start3A_1360 = tpu.memref_squeeze %dma_start3A_1359 : memref<1x128xf32, #tpu.memory_space<hbm>> -> memref<128xf32, #tpu.memory_space<hbm>>
      %dma_start3A_1361 = arith.constant 0 : i32
      %dma_start3A_1362 = tpu.memref_slice %arg6[%add3A_1211, %dma_start3A_1361] : memref<128x128xf32, #tpu.memory_space<vmem>> -> memref<1x128xf32, #tpu.memory_space<vmem>>
      %dma_start3A_1363 = tpu.memref_squeeze %dma_start3A_1362 : memref<1x128xf32, #tpu.memory_space<vmem>> -> memref<128xf32, #tpu.memory_space<vmem>>
      tpu.enqueue_dma source(%dma_start3A_1363 : memref<128xf32, #tpu.memory_space<vmem>>) target(%dma_start3A_1360 : memref<128xf32, #tpu.memory_space<hbm>>) target_semaphore(%arg7 : memref<!tpu.dma_semaphore, #tpu.memory_space<semaphore_mem>>)
      %eq3A_1364 = arith.constant 8 : i32
      %eq3A_1365 = vector.broadcast %eq3A_1364 : i32 to vector<16xi32>
      %eq3A_1366 = arith.cmpi eq, %iota3A, %eq3A_1365 : vector<16xi32>
      %jit3A_1367 = arith.constant 0 : i32
      %broadcast_in_dim3A_1368 = vector.broadcast %jit3A_1367 : i32 to vector<16xi32>
      %select_n3A_1369 = arith.select %eq3A_1366, %get3A_17, %broadcast_in_dim3A_1368 : vector<16xi1>, vector<16xi32>
      %reduce_max3A_1370 = arith.constant true
      %reduce_max3A_1371 = vector.broadcast %reduce_max3A_1370 : i1 to vector<16xi1>
      %reduce_max3A_1372 = arith.constant -2147483648 : i32
      %reduce_max3A_1373 = vector.broadcast %reduce_max3A_1372 : i32 to vector<16xi32>
      %reduce_max3A_1374 = arith.xori %select_n3A_1369, %reduce_max3A_1373 : vector<16xi32>
      %reduce_max3A_1375 = tpu.scan <max>, %reduce_max3A_1374 masked %reduce_max3A_1371 : vector<16xi32>, vector<16xi1> -> vector<16xi32>
      %reduce_max3A_1376 = arith.xori %reduce_max3A_1375, %reduce_max3A_1373 : vector<16xi32>
      %reduce_max3A_1377 = vector.extract %reduce_max3A_1376[15] : i32 from vector<16xi32>
      %mul3A_1378 = arith.constant 16 : i32
      %mul3A_1379 = arith.muli %add3A_14, %mul3A_1378 : i32
      %add3A_1380 = arith.constant 8 : i32
      %add3A_1381 = arith.addi %mul3A_1379, %add3A_1380 : i32
      %eq3A_1382 = arith.constant 0 : i32
      %eq3A_1383 = arith.cmpi eq, %reduce_max3A_1377, %eq3A_1382 : i32
      %jit3A_1384 = arith.constant 0.000000e+00 : f32
      %jit3A_1385 = arith.constant 3.12519524E-6 : f32
      %select_n3A_1386 = arith.select %eq3A_1383, %jit3A_1384, %jit3A_1385 : f32
      %jit3A_1387 = arith.constant 0.000000e+00 : f32
      %jit3A_1388 = arith.constant 0.899999976 : f32
      %select_n3A_1389 = arith.select %eq3A_1383, %jit3A_1387, %jit3A_1388 : f32
      %jit3A_1390 = arith.constant 128 : i32
      %div3A_1391 = arith.divsi %reduce_max3A_1377, %jit3A_1390 : i32
      %sign3A_1392 = arith.constant 0 : i32
      %sign3A_1393 = arith.cmpi sgt, %reduce_max3A_1377, %sign3A_1392 : i32
      %sign3A_1394 = arith.extui %sign3A_1393 : i1 to i32
      %sign3A_1395 = arith.constant 0 : i32
      %sign3A_1396 = arith.cmpi slt, %reduce_max3A_1377, %sign3A_1395 : i32
      %sign3A_1397 = arith.extui %sign3A_1396 : i1 to i32
      %sign3A_1398 = arith.subi %sign3A_1394, %sign3A_1397 : i32
      %sign3A_1399 = arith.constant 0 : i32
      %sign3A_1400 = arith.cmpi sgt, %jit3A_1390, %sign3A_1399 : i32
      %sign3A_1401 = arith.extui %sign3A_1400 : i1 to i32
      %sign3A_1402 = arith.constant 0 : i32
      %sign3A_1403 = arith.cmpi slt, %jit3A_1390, %sign3A_1402 : i32
      %sign3A_1404 = arith.extui %sign3A_1403 : i1 to i32
      %sign3A_1405 = arith.subi %sign3A_1401, %sign3A_1404 : i32
      %ne3A_1406 = arith.cmpi ne, %sign3A_1398, %sign3A_1405 : i32
      %rem3A_1407 = arith.remsi %reduce_max3A_1377, %jit3A_1390 : i32
      %ne3A_1408 = arith.constant 0 : i32
      %ne3A_1409 = arith.cmpi ne, %rem3A_1407, %ne3A_1408 : i32
      %and3A_1410 = arith.andi %ne3A_1406, %ne3A_1409 : i1
      %sub3A_1411 = arith.constant 1 : i32
      %sub3A_1412 = arith.subi %div3A_1391, %sub3A_1411 : i32
      %select_n3A_1413 = arith.select %and3A_1410, %sub3A_1412, %div3A_1391 : i32
      %mul3A_1414 = arith.constant 128 : i32
      %mul3A_1415 = arith.muli %select_n3A_1413, %mul3A_1414 : i32
      %multiple_of3A_1416 = tpu.assume_multiple %mul3A_1415, 128 : i32
      %jit3A_1417 = arith.constant 128 : i32
      %eq3A_1418 = arith.constant 0 : i32
      %eq3A_1419 = arith.cmpi eq, %jit3A_1417, %eq3A_1418 : i32
      %jit3A_1420 = arith.constant 1 : i32
      %select_n3A_1421 = arith.select %eq3A_1419, %jit3A_1420, %jit3A_1417 : i32
      %rem3A_1422 = arith.remsi %reduce_max3A_1377, %select_n3A_1421 : i32
      %ne3A_1423 = arith.constant 0 : i32
      %ne3A_1424 = arith.cmpi ne, %rem3A_1422, %ne3A_1423 : i32
      %lt3A_1425 = arith.constant 0 : i32
      %lt3A_1426 = arith.cmpi slt, %rem3A_1422, %lt3A_1425 : i32
      %lt3A_1427 = arith.constant 0 : i32
      %lt3A_1428 = arith.cmpi slt, %select_n3A_1421, %lt3A_1427 : i32
      %ne3A_1429 = arith.xori %lt3A_1426, %lt3A_1428 : i1
      %and3A_1430 = arith.andi %ne3A_1429, %ne3A_1424 : i1
      %add3A_1431 = arith.addi %rem3A_1422, %select_n3A_1421 : i32
      %select_n3A_1432 = arith.select %and3A_1430, %add3A_1431, %rem3A_1422 : i32
      %eq3A_1433 = arith.constant 0 : i32
      %eq3A_1434 = arith.cmpi eq, %multiple_of3A_1416, %eq3A_1433 : i32
      %jit3A_1435 = arith.constant 0 : i32
      %jit3A_1436 = arith.constant -1 : i32
      %select_n3A_1437 = arith.select %eq3A_1434, %jit3A_1435, %jit3A_1436 : i32
      %sub3A_1438 = arith.constant 0 : i32
      %sub3A_1439 = arith.subi %select_n3A_1432, %sub3A_1438 : i32
      %eq3A_1440 = vector.broadcast %sub3A_1439 : i32 to vector<16xi32>
      %eq3A_1441 = arith.cmpi eq, %iota3A, %eq3A_1440 : vector<16xi32>
      %broadcast_in_dim3A_1442 = vector.broadcast %select_n3A_1389 : f32 to vector<16xf32>
      %broadcast_in_dim3A_1443 = vector.broadcast %select_n3A_1386 : f32 to vector<16xf32>
      %select_n3A_1444 = arith.select %eq3A_1441, %broadcast_in_dim3A_1442, %broadcast_in_dim3A_1443 : vector<16xi1>, vector<16xf32>
      %eq3A_1445 = vector.broadcast %select_n3A_1437 : i32 to vector<16xi32>
      %eq3A_1446 = arith.cmpi eq, %iota3A, %eq3A_1445 : vector<16xi32>
      %jit3A_1447 = arith.constant 0.000000e+00 : f32
      %broadcast_in_dim3A_1448 = vector.broadcast %jit3A_1447 : f32 to vector<16xf32>
      %select_n3A_1449 = arith.select %eq3A_1446, %broadcast_in_dim3A_1448, %select_n3A_1444 : vector<16xi1>, vector<16xf32>
      %swap3A_1450 = arith.index_cast %add3A_1381 : i32 to index
      %swap3A_1451 = arith.constant 0 : index
      %swap3A_1452 = tpu.vector_load %arg6[%swap3A_1450, %swap3A_1451] {strides = array<i32>} : memref<128x128xf32, #tpu.memory_space<vmem>>, vector<16xf32>,
      tpu.vector_store %arg6[%swap3A_1450, %swap3A_1451], %select_n3A_1449 {strides = array<i32>} : memref<128x128xf32, #tpu.memory_space<vmem>>, vector<16xf32>,
      %sub3A_1453 = arith.constant 16 : i32
      %sub3A_1454 = arith.subi %select_n3A_1432, %sub3A_1453 : i32
      %eq3A_1455 = vector.broadcast %sub3A_1454 : i32 to vector<16xi32>
      %eq3A_1456 = arith.cmpi eq, %iota3A, %eq3A_1455 : vector<16xi32>
      %broadcast_in_dim3A_1457 = vector.broadcast %select_n3A_1389 : f32 to vector<16xf32>
      %broadcast_in_dim3A_1458 = vector.broadcast %select_n3A_1386 : f32 to vector<16xf32>
      %select_n3A_1459 = arith.select %eq3A_1456, %broadcast_in_dim3A_1457, %broadcast_in_dim3A_1458 : vector<16xi1>, vector<16xf32>
      %swap3A_1460 = arith.index_cast %add3A_1381 : i32 to index
      %swap3A_1461 = arith.constant 16 : index
      %swap3A_1462 = tpu.vector_load %arg6[%swap3A_1460, %swap3A_1461] {strides = array<i32>} : memref<128x128xf32, #tpu.memory_space<vmem>>, vector<16xf32>,
      tpu.vector_store %arg6[%swap3A_1460, %swap3A_1461], %select_n3A_1459 {strides = array<i32>} : memref<128x128xf32, #tpu.memory_space<vmem>>, vector<16xf32>,
      %sub3A_1463 = arith.constant 32 : i32
      %sub3A_1464 = arith.subi %select_n3A_1432, %sub3A_1463 : i32
      %eq3A_1465 = vector.broadcast %sub3A_1464 : i32 to vector<16xi32>
      %eq3A_1466 = arith.cmpi eq, %iota3A, %eq3A_1465 : vector<16xi32>
      %broadcast_in_dim3A_1467 = vector.broadcast %select_n3A_1389 : f32 to vector<16xf32>
      %broadcast_in_dim3A_1468 = vector.broadcast %select_n3A_1386 : f32 to vector<16xf32>
      %select_n3A_1469 = arith.select %eq3A_1466, %broadcast_in_dim3A_1467, %broadcast_in_dim3A_1468 : vector<16xi1>, vector<16xf32>
      %swap3A_1470 = arith.index_cast %add3A_1381 : i32 to index
      %swap3A_1471 = arith.constant 32 : index
      %swap3A_1472 = tpu.vector_load %arg6[%swap3A_1470, %swap3A_1471] {strides = array<i32>} : memref<128x128xf32, #tpu.memory_space<vmem>>, vector<16xf32>,
      tpu.vector_store %arg6[%swap3A_1470, %swap3A_1471], %select_n3A_1469 {strides = array<i32>} : memref<128x128xf32, #tpu.memory_space<vmem>>, vector<16xf32>,
      %sub3A_1473 = arith.constant 48 : i32
      %sub3A_1474 = arith.subi %select_n3A_1432, %sub3A_1473 : i32
      %eq3A_1475 = vector.broadcast %sub3A_1474 : i32 to vector<16xi32>
      %eq3A_1476 = arith.cmpi eq, %iota3A, %eq3A_1475 : vector<16xi32>
      %broadcast_in_dim3A_1477 = vector.broadcast %select_n3A_1389 : f32 to vector<16xf32>
      %broadcast_in_dim3A_1478 = vector.broadcast %select_n3A_1386 : f32 to vector<16xf32>
      %select_n3A_1479 = arith.select %eq3A_1476, %broadcast_in_dim3A_1477, %broadcast_in_dim3A_1478 : vector<16xi1>, vector<16xf32>
      %swap3A_1480 = arith.index_cast %add3A_1381 : i32 to index
      %swap3A_1481 = arith.constant 48 : index
      %swap3A_1482 = tpu.vector_load %arg6[%swap3A_1480, %swap3A_1481] {strides = array<i32>} : memref<128x128xf32, #tpu.memory_space<vmem>>, vector<16xf32>,
      tpu.vector_store %arg6[%swap3A_1480, %swap3A_1481], %select_n3A_1479 {strides = array<i32>} : memref<128x128xf32, #tpu.memory_space<vmem>>, vector<16xf32>,
      %sub3A_1483 = arith.constant 64 : i32
      %sub3A_1484 = arith.subi %select_n3A_1432, %sub3A_1483 : i32
      %eq3A_1485 = vector.broadcast %sub3A_1484 : i32 to vector<16xi32>
      %eq3A_1486 = arith.cmpi eq, %iota3A, %eq3A_1485 : vector<16xi32>
      %broadcast_in_dim3A_1487 = vector.broadcast %select_n3A_1389 : f32 to vector<16xf32>
      %broadcast_in_dim3A_1488 = vector.broadcast %select_n3A_1386 : f32 to vector<16xf32>
      %select_n3A_1489 = arith.select %eq3A_1486, %broadcast_in_dim3A_1487, %broadcast_in_dim3A_1488 : vector<16xi1>, vector<16xf32>
      %swap3A_1490 = arith.index_cast %add3A_1381 : i32 to index
      %swap3A_1491 = arith.constant 64 : index
      %swap3A_1492 = tpu.vector_load %arg6[%swap3A_1490, %swap3A_1491] {strides = array<i32>} : memref<128x128xf32, #tpu.memory_space<vmem>>, vector<16xf32>,
      tpu.vector_store %arg6[%swap3A_1490, %swap3A_1491], %select_n3A_1489 {strides = array<i32>} : memref<128x128xf32, #tpu.memory_space<vmem>>, vector<16xf32>,
      %sub3A_1493 = arith.constant 80 : i32
      %sub3A_1494 = arith.subi %select_n3A_1432, %sub3A_1493 : i32
      %eq3A_1495 = vector.broadcast %sub3A_1494 : i32 to vector<16xi32>
      %eq3A_1496 = arith.cmpi eq, %iota3A, %eq3A_1495 : vector<16xi32>
      %broadcast_in_dim3A_1497 = vector.broadcast %select_n3A_1389 : f32 to vector<16xf32>
      %broadcast_in_dim3A_1498 = vector.broadcast %select_n3A_1386 : f32 to vector<16xf32>
      %select_n3A_1499 = arith.select %eq3A_1496, %broadcast_in_dim3A_1497, %broadcast_in_dim3A_1498 : vector<16xi1>, vector<16xf32>
      %swap3A_1500 = arith.index_cast %add3A_1381 : i32 to index
      %swap3A_1501 = arith.constant 80 : index
      %swap3A_1502 = tpu.vector_load %arg6[%swap3A_1500, %swap3A_1501] {strides = array<i32>} : memref<128x128xf32, #tpu.memory_space<vmem>>, vector<16xf32>,
      tpu.vector_store %arg6[%swap3A_1500, %swap3A_1501], %select_n3A_1499 {strides = array<i32>} : memref<128x128xf32, #tpu.memory_space<vmem>>, vector<16xf32>,
      %sub3A_1503 = arith.constant 96 : i32
      %sub3A_1504 = arith.subi %select_n3A_1432, %sub3A_1503 : i32
      %eq3A_1505 = vector.broadcast %sub3A_1504 : i32 to vector<16xi32>
      %eq3A_1506 = arith.cmpi eq, %iota3A, %eq3A_1505 : vector<16xi32>
      %broadcast_in_dim3A_1507 = vector.broadcast %select_n3A_1389 : f32 to vector<16xf32>
      %broadcast_in_dim3A_1508 = vector.broadcast %select_n3A_1386 : f32 to vector<16xf32>
      %select_n3A_1509 = arith.select %eq3A_1506, %broadcast_in_dim3A_1507, %broadcast_in_dim3A_1508 : vector<16xi1>, vector<16xf32>
      %swap3A_1510 = arith.index_cast %add3A_1381 : i32 to index
      %swap3A_1511 = arith.constant 96 : index
      %swap3A_1512 = tpu.vector_load %arg6[%swap3A_1510, %swap3A_1511] {strides = array<i32>} : memref<128x128xf32, #tpu.memory_space<vmem>>, vector<16xf32>,
      tpu.vector_store %arg6[%swap3A_1510, %swap3A_1511], %select_n3A_1509 {strides = array<i32>} : memref<128x128xf32, #tpu.memory_space<vmem>>, vector<16xf32>,
      %sub3A_1513 = arith.constant 112 : i32
      %sub3A_1514 = arith.subi %select_n3A_1432, %sub3A_1513 : i32
      %eq3A_1515 = vector.broadcast %sub3A_1514 : i32 to vector<16xi32>
      %eq3A_1516 = arith.cmpi eq, %iota3A, %eq3A_1515 : vector<16xi32>
      %broadcast_in_dim3A_1517 = vector.broadcast %select_n3A_1389 : f32 to vector<16xf32>
      %broadcast_in_dim3A_1518 = vector.broadcast %select_n3A_1386 : f32 to vector<16xf32>
      %select_n3A_1519 = arith.select %eq3A_1516, %broadcast_in_dim3A_1517, %broadcast_in_dim3A_1518 : vector<16xi1>, vector<16xf32>
      %swap3A_1520 = arith.index_cast %add3A_1381 : i32 to index
      %swap3A_1521 = arith.constant 112 : index
      %swap3A_1522 = tpu.vector_load %arg6[%swap3A_1520, %swap3A_1521] {strides = array<i32>} : memref<128x128xf32, #tpu.memory_space<vmem>>, vector<16xf32>,
      tpu.vector_store %arg6[%swap3A_1520, %swap3A_1521], %select_n3A_1519 {strides = array<i32>} : memref<128x128xf32, #tpu.memory_space<vmem>>, vector<16xf32>,
      %add3A_1523 = arith.addi %mul3A_2, %add3A_1381 : i32
      %dma_start3A_1524 = arith.constant 0 : i32
      %dma_start3A_1525 = tpu.memref_slice %arg6[%add3A_1381, %dma_start3A_1524] : memref<128x128xf32, #tpu.memory_space<vmem>> -> memref<1x128xf32, #tpu.memory_space<vmem>>
      %dma_start3A_1526 = tpu.memref_squeeze %dma_start3A_1525 : memref<1x128xf32, #tpu.memory_space<vmem>> -> memref<128xf32, #tpu.memory_space<vmem>>
      %dma_start3A_1527 = tpu.memref_slice %arg3[%add3A_1523, %multiple_of3A_1416] : memref<4096x32000xf32, #tpu.memory_space<hbm>> -> memref<1x128xf32, #tpu.memory_space<hbm>>
      %dma_start3A_1528 = tpu.memref_squeeze %dma_start3A_1527 : memref<1x128xf32, #tpu.memory_space<hbm>> -> memref<128xf32, #tpu.memory_space<hbm>>
      %dma_start3A_1529 = tpu.memref_slice %arg3[%add3A_1523, %multiple_of3A_1416] : memref<4096x32000xf32, #tpu.memory_space<hbm>> -> memref<1x128xf32, #tpu.memory_space<hbm>>
      %dma_start3A_1530 = tpu.memref_squeeze %dma_start3A_1529 : memref<1x128xf32, #tpu.memory_space<hbm>> -> memref<128xf32, #tpu.memory_space<hbm>>
      %dma_start3A_1531 = arith.constant 0 : i32
      %dma_start3A_1532 = tpu.memref_slice %arg6[%add3A_1381, %dma_start3A_1531] : memref<128x128xf32, #tpu.memory_space<vmem>> -> memref<1x128xf32, #tpu.memory_space<vmem>>
      %dma_start3A_1533 = tpu.memref_squeeze %dma_start3A_1532 : memref<1x128xf32, #tpu.memory_space<vmem>> -> memref<128xf32, #tpu.memory_space<vmem>>
      tpu.enqueue_dma source(%dma_start3A_1533 : memref<128xf32, #tpu.memory_space<vmem>>) target(%dma_start3A_1530 : memref<128xf32, #tpu.memory_space<hbm>>) target_semaphore(%arg7 : memref<!tpu.dma_semaphore, #tpu.memory_space<semaphore_mem>>)
      %eq3A_1534 = arith.constant 9 : i32
      %eq3A_1535 = vector.broadcast %eq3A_1534 : i32 to vector<16xi32>
      %eq3A_1536 = arith.cmpi eq, %iota3A, %eq3A_1535 : vector<16xi32>
      %jit3A_1537 = arith.constant 0 : i32
      %broadcast_in_dim3A_1538 = vector.broadcast %jit3A_1537 : i32 to vector<16xi32>
      %select_n3A_1539 = arith.select %eq3A_1536, %get3A_17, %broadcast_in_dim3A_1538 : vector<16xi1>, vector<16xi32>
      %reduce_max3A_1540 = arith.constant true
      %reduce_max3A_1541 = vector.broadcast %reduce_max3A_1540 : i1 to vector<16xi1>
      %reduce_max3A_1542 = arith.constant -2147483648 : i32
      %reduce_max3A_1543 = vector.broadcast %reduce_max3A_1542 : i32 to vector<16xi32>
      %reduce_max3A_1544 = arith.xori %select_n3A_1539, %reduce_max3A_1543 : vector<16xi32>
      %reduce_max3A_1545 = tpu.scan <max>, %reduce_max3A_1544 masked %reduce_max3A_1541 : vector<16xi32>, vector<16xi1> -> vector<16xi32>
      %reduce_max3A_1546 = arith.xori %reduce_max3A_1545, %reduce_max3A_1543 : vector<16xi32>
      %reduce_max3A_1547 = vector.extract %reduce_max3A_1546[15] : i32 from vector<16xi32>
      %mul3A_1548 = arith.constant 16 : i32
      %mul3A_1549 = arith.muli %add3A_14, %mul3A_1548 : i32
      %add3A_1550 = arith.constant 9 : i32
      %add3A_1551 = arith.addi %mul3A_1549, %add3A_1550 : i32
      %eq3A_1552 = arith.constant 0 : i32
      %eq3A_1553 = arith.cmpi eq, %reduce_max3A_1547, %eq3A_1552 : i32
      %jit3A_1554 = arith.constant 0.000000e+00 : f32
      %jit3A_1555 = arith.constant 3.12519524E-6 : f32
      %select_n3A_1556 = arith.select %eq3A_1553, %jit3A_1554, %jit3A_1555 : f32
      %jit3A_1557 = arith.constant 0.000000e+00 : f32
      %jit3A_1558 = arith.constant 0.899999976 : f32
      %select_n3A_1559 = arith.select %eq3A_1553, %jit3A_1557, %jit3A_1558 : f32
      %jit3A_1560 = arith.constant 128 : i32
      %div3A_1561 = arith.divsi %reduce_max3A_1547, %jit3A_1560 : i32
      %sign3A_1562 = arith.constant 0 : i32
      %sign3A_1563 = arith.cmpi sgt, %reduce_max3A_1547, %sign3A_1562 : i32
      %sign3A_1564 = arith.extui %sign3A_1563 : i1 to i32
      %sign3A_1565 = arith.constant 0 : i32
      %sign3A_1566 = arith.cmpi slt, %reduce_max3A_1547, %sign3A_1565 : i32
      %sign3A_1567 = arith.extui %sign3A_1566 : i1 to i32
      %sign3A_1568 = arith.subi %sign3A_1564, %sign3A_1567 : i32
      %sign3A_1569 = arith.constant 0 : i32
      %sign3A_1570 = arith.cmpi sgt, %jit3A_1560, %sign3A_1569 : i32
      %sign3A_1571 = arith.extui %sign3A_1570 : i1 to i32
      %sign3A_1572 = arith.constant 0 : i32
      %sign3A_1573 = arith.cmpi slt, %jit3A_1560, %sign3A_1572 : i32
      %sign3A_1574 = arith.extui %sign3A_1573 : i1 to i32
      %sign3A_1575 = arith.subi %sign3A_1571, %sign3A_1574 : i32
      %ne3A_1576 = arith.cmpi ne, %sign3A_1568, %sign3A_1575 : i32
      %rem3A_1577 = arith.remsi %reduce_max3A_1547, %jit3A_1560 : i32
      %ne3A_1578 = arith.constant 0 : i32
      %ne3A_1579 = arith.cmpi ne, %rem3A_1577, %ne3A_1578 : i32
      %and3A_1580 = arith.andi %ne3A_1576, %ne3A_1579 : i1
      %sub3A_1581 = arith.constant 1 : i32
      %sub3A_1582 = arith.subi %div3A_1561, %sub3A_1581 : i32
      %select_n3A_1583 = arith.select %and3A_1580, %sub3A_1582, %div3A_1561 : i32
      %mul3A_1584 = arith.constant 128 : i32
      %mul3A_1585 = arith.muli %select_n3A_1583, %mul3A_1584 : i32
      %multiple_of3A_1586 = tpu.assume_multiple %mul3A_1585, 128 : i32
      %jit3A_1587 = arith.constant 128 : i32
      %eq3A_1588 = arith.constant 0 : i32
      %eq3A_1589 = arith.cmpi eq, %jit3A_1587, %eq3A_1588 : i32
      %jit3A_1590 = arith.constant 1 : i32
      %select_n3A_1591 = arith.select %eq3A_1589, %jit3A_1590, %jit3A_1587 : i32
      %rem3A_1592 = arith.remsi %reduce_max3A_1547, %select_n3A_1591 : i32
      %ne3A_1593 = arith.constant 0 : i32
      %ne3A_1594 = arith.cmpi ne, %rem3A_1592, %ne3A_1593 : i32
      %lt3A_1595 = arith.constant 0 : i32
      %lt3A_1596 = arith.cmpi slt, %rem3A_1592, %lt3A_1595 : i32
      %lt3A_1597 = arith.constant 0 : i32
      %lt3A_1598 = arith.cmpi slt, %select_n3A_1591, %lt3A_1597 : i32
      %ne3A_1599 = arith.xori %lt3A_1596, %lt3A_1598 : i1
      %and3A_1600 = arith.andi %ne3A_1599, %ne3A_1594 : i1
      %add3A_1601 = arith.addi %rem3A_1592, %select_n3A_1591 : i32
      %select_n3A_1602 = arith.select %and3A_1600, %add3A_1601, %rem3A_1592 : i32
      %eq3A_1603 = arith.constant 0 : i32
      %eq3A_1604 = arith.cmpi eq, %multiple_of3A_1586, %eq3A_1603 : i32
      %jit3A_1605 = arith.constant 0 : i32
      %jit3A_1606 = arith.constant -1 : i32
      %select_n3A_1607 = arith.select %eq3A_1604, %jit3A_1605, %jit3A_1606 : i32
      %sub3A_1608 = arith.constant 0 : i32
      %sub3A_1609 = arith.subi %select_n3A_1602, %sub3A_1608 : i32
      %eq3A_1610 = vector.broadcast %sub3A_1609 : i32 to vector<16xi32>
      %eq3A_1611 = arith.cmpi eq, %iota3A, %eq3A_1610 : vector<16xi32>
      %broadcast_in_dim3A_1612 = vector.broadcast %select_n3A_1559 : f32 to vector<16xf32>
      %broadcast_in_dim3A_1613 = vector.broadcast %select_n3A_1556 : f32 to vector<16xf32>
      %select_n3A_1614 = arith.select %eq3A_1611, %broadcast_in_dim3A_1612, %broadcast_in_dim3A_1613 : vector<16xi1>, vector<16xf32>
      %eq3A_1615 = vector.broadcast %select_n3A_1607 : i32 to vector<16xi32>
      %eq3A_1616 = arith.cmpi eq, %iota3A, %eq3A_1615 : vector<16xi32>
      %jit3A_1617 = arith.constant 0.000000e+00 : f32
      %broadcast_in_dim3A_1618 = vector.broadcast %jit3A_1617 : f32 to vector<16xf32>
      %select_n3A_1619 = arith.select %eq3A_1616, %broadcast_in_dim3A_1618, %select_n3A_1614 : vector<16xi1>, vector<16xf32>
      %swap3A_1620 = arith.index_cast %add3A_1551 : i32 to index
      %swap3A_1621 = arith.constant 0 : index
      %swap3A_1622 = tpu.vector_load %arg6[%swap3A_1620, %swap3A_1621] {strides = array<i32>} : memref<128x128xf32, #tpu.memory_space<vmem>>, vector<16xf32>,
      tpu.vector_store %arg6[%swap3A_1620, %swap3A_1621], %select_n3A_1619 {strides = array<i32>} : memref<128x128xf32, #tpu.memory_space<vmem>>, vector<16xf32>,
      %sub3A_1623 = arith.constant 16 : i32
      %sub3A_1624 = arith.subi %select_n3A_1602, %sub3A_1623 : i32
      %eq3A_1625 = vector.broadcast %sub3A_1624 : i32 to vector<16xi32>
      %eq3A_1626 = arith.cmpi eq, %iota3A, %eq3A_1625 : vector<16xi32>
      %broadcast_in_dim3A_1627 = vector.broadcast %select_n3A_1559 : f32 to vector<16xf32>
      %broadcast_in_dim3A_1628 = vector.broadcast %select_n3A_1556 : f32 to vector<16xf32>
      %select_n3A_1629 = arith.select %eq3A_1626, %broadcast_in_dim3A_1627, %broadcast_in_dim3A_1628 : vector<16xi1>, vector<16xf32>
      %swap3A_1630 = arith.index_cast %add3A_1551 : i32 to index
      %swap3A_1631 = arith.constant 16 : index
      %swap3A_1632 = tpu.vector_load %arg6[%swap3A_1630, %swap3A_1631] {strides = array<i32>} : memref<128x128xf32, #tpu.memory_space<vmem>>, vector<16xf32>,
      tpu.vector_store %arg6[%swap3A_1630, %swap3A_1631], %select_n3A_1629 {strides = array<i32>} : memref<128x128xf32, #tpu.memory_space<vmem>>, vector<16xf32>,
      %sub3A_1633 = arith.constant 32 : i32
      %sub3A_1634 = arith.subi %select_n3A_1602, %sub3A_1633 : i32
      %eq3A_1635 = vector.broadcast %sub3A_1634 : i32 to vector<16xi32>
      %eq3A_1636 = arith.cmpi eq, %iota3A, %eq3A_1635 : vector<16xi32>
      %broadcast_in_dim3A_1637 = vector.broadcast %select_n3A_1559 : f32 to vector<16xf32>
      %broadcast_in_dim3A_1638 = vector.broadcast %select_n3A_1556 : f32 to vector<16xf32>
      %select_n3A_1639 = arith.select %eq3A_1636, %broadcast_in_dim3A_1637, %broadcast_in_dim3A_1638 : vector<16xi1>, vector<16xf32>
      %swap3A_1640 = arith.index_cast %add3A_1551 : i32 to index
      %swap3A_1641 = arith.constant 32 : index
      %swap3A_1642 = tpu.vector_load %arg6[%swap3A_1640, %swap3A_1641] {strides = array<i32>} : memref<128x128xf32, #tpu.memory_space<vmem>>, vector<16xf32>,
      tpu.vector_store %arg6[%swap3A_1640, %swap3A_1641], %select_n3A_1639 {strides = array<i32>} : memref<128x128xf32, #tpu.memory_space<vmem>>, vector<16xf32>,
      %sub3A_1643 = arith.constant 48 : i32
      %sub3A_1644 = arith.subi %select_n3A_1602, %sub3A_1643 : i32
      %eq3A_1645 = vector.broadcast %sub3A_1644 : i32 to vector<16xi32>
      %eq3A_1646 = arith.cmpi eq, %iota3A, %eq3A_1645 : vector<16xi32>
      %broadcast_in_dim3A_1647 = vector.broadcast %select_n3A_1559 : f32 to vector<16xf32>
      %broadcast_in_dim3A_1648 = vector.broadcast %select_n3A_1556 : f32 to vector<16xf32>
      %select_n3A_1649 = arith.select %eq3A_1646, %broadcast_in_dim3A_1647, %broadcast_in_dim3A_1648 : vector<16xi1>, vector<16xf32>
      %swap3A_1650 = arith.index_cast %add3A_1551 : i32 to index
      %swap3A_1651 = arith.constant 48 : index
      %swap3A_1652 = tpu.vector_load %arg6[%swap3A_1650, %swap3A_1651] {strides = array<i32>} : memref<128x128xf32, #tpu.memory_space<vmem>>, vector<16xf32>,
      tpu.vector_store %arg6[%swap3A_1650, %swap3A_1651], %select_n3A_1649 {strides = array<i32>} : memref<128x128xf32, #tpu.memory_space<vmem>>, vector<16xf32>,
      %sub3A_1653 = arith.constant 64 : i32
      %sub3A_1654 = arith.subi %select_n3A_1602, %sub3A_1653 : i32
      %eq3A_1655 = vector.broadcast %sub3A_1654 : i32 to vector<16xi32>
      %eq3A_1656 = arith.cmpi eq, %iota3A, %eq3A_1655 : vector<16xi32>
      %broadcast_in_dim3A_1657 = vector.broadcast %select_n3A_1559 : f32 to vector<16xf32>
      %broadcast_in_dim3A_1658 = vector.broadcast %select_n3A_1556 : f32 to vector<16xf32>
      %select_n3A_1659 = arith.select %eq3A_1656, %broadcast_in_dim3A_1657, %broadcast_in_dim3A_1658 : vector<16xi1>, vector<16xf32>
      %swap3A_1660 = arith.index_cast %add3A_1551 : i32 to index
      %swap3A_1661 = arith.constant 64 : index
      %swap3A_1662 = tpu.vector_load %arg6[%swap3A_1660, %swap3A_1661] {strides = array<i32>} : memref<128x128xf32, #tpu.memory_space<vmem>>, vector<16xf32>,
      tpu.vector_store %arg6[%swap3A_1660, %swap3A_1661], %select_n3A_1659 {strides = array<i32>} : memref<128x128xf32, #tpu.memory_space<vmem>>, vector<16xf32>,
      %sub3A_1663 = arith.constant 80 : i32
      %sub3A_1664 = arith.subi %select_n3A_1602, %sub3A_1663 : i32
      %eq3A_1665 = vector.broadcast %sub3A_1664 : i32 to vector<16xi32>
      %eq3A_1666 = arith.cmpi eq, %iota3A, %eq3A_1665 : vector<16xi32>
      %broadcast_in_dim3A_1667 = vector.broadcast %select_n3A_1559 : f32 to vector<16xf32>
      %broadcast_in_dim3A_1668 = vector.broadcast %select_n3A_1556 : f32 to vector<16xf32>
      %select_n3A_1669 = arith.select %eq3A_1666, %broadcast_in_dim3A_1667, %broadcast_in_dim3A_1668 : vector<16xi1>, vector<16xf32>
      %swap3A_1670 = arith.index_cast %add3A_1551 : i32 to index
      %swap3A_1671 = arith.constant 80 : index
      %swap3A_1672 = tpu.vector_load %arg6[%swap3A_1670, %swap3A_1671] {strides = array<i32>} : memref<128x128xf32, #tpu.memory_space<vmem>>, vector<16xf32>,
      tpu.vector_store %arg6[%swap3A_1670, %swap3A_1671], %select_n3A_1669 {strides = array<i32>} : memref<128x128xf32, #tpu.memory_space<vmem>>, vector<16xf32>,
      %sub3A_1673 = arith.constant 96 : i32
      %sub3A_1674 = arith.subi %select_n3A_1602, %sub3A_1673 : i32
      %eq3A_1675 = vector.broadcast %sub3A_1674 : i32 to vector<16xi32>
      %eq3A_1676 = arith.cmpi eq, %iota3A, %eq3A_1675 : vector<16xi32>
      %broadcast_in_dim3A_1677 = vector.broadcast %select_n3A_1559 : f32 to vector<16xf32>
      %broadcast_in_dim3A_1678 = vector.broadcast %select_n3A_1556 : f32 to vector<16xf32>
      %select_n3A_1679 = arith.select %eq3A_1676, %broadcast_in_dim3A_1677, %broadcast_in_dim3A_1678 : vector<16xi1>, vector<16xf32>
      %swap3A_1680 = arith.index_cast %add3A_1551 : i32 to index
      %swap3A_1681 = arith.constant 96 : index
      %swap3A_1682 = tpu.vector_load %arg6[%swap3A_1680, %swap3A_1681] {strides = array<i32>} : memref<128x128xf32, #tpu.memory_space<vmem>>, vector<16xf32>,
      tpu.vector_store %arg6[%swap3A_1680, %swap3A_1681], %select_n3A_1679 {strides = array<i32>} : memref<128x128xf32, #tpu.memory_space<vmem>>, vector<16xf32>,
      %sub3A_1683 = arith.constant 112 : i32
      %sub3A_1684 = arith.subi %select_n3A_1602, %sub3A_1683 : i32
      %eq3A_1685 = vector.broadcast %sub3A_1684 : i32 to vector<16xi32>
      %eq3A_1686 = arith.cmpi eq, %iota3A, %eq3A_1685 : vector<16xi32>
      %broadcast_in_dim3A_1687 = vector.broadcast %select_n3A_1559 : f32 to vector<16xf32>
      %broadcast_in_dim3A_1688 = vector.broadcast %select_n3A_1556 : f32 to vector<16xf32>
      %select_n3A_1689 = arith.select %eq3A_1686, %broadcast_in_dim3A_1687, %broadcast_in_dim3A_1688 : vector<16xi1>, vector<16xf32>
      %swap3A_1690 = arith.index_cast %add3A_1551 : i32 to index
      %swap3A_1691 = arith.constant 112 : index
      %swap3A_1692 = tpu.vector_load %arg6[%swap3A_1690, %swap3A_1691] {strides = array<i32>} : memref<128x128xf32, #tpu.memory_space<vmem>>, vector<16xf32>,
      tpu.vector_store %arg6[%swap3A_1690, %swap3A_1691], %select_n3A_1689 {strides = array<i32>} : memref<128x128xf32, #tpu.memory_space<vmem>>, vector<16xf32>,
      %add3A_1693 = arith.addi %mul3A_2, %add3A_1551 : i32
      %dma_start3A_1694 = arith.constant 0 : i32
      %dma_start3A_1695 = tpu.memref_slice %arg6[%add3A_1551, %dma_start3A_1694] : memref<128x128xf32, #tpu.memory_space<vmem>> -> memref<1x128xf32, #tpu.memory_space<vmem>>
      %dma_start3A_1696 = tpu.memref_squeeze %dma_start3A_1695 : memref<1x128xf32, #tpu.memory_space<vmem>> -> memref<128xf32, #tpu.memory_space<vmem>>
      %dma_start3A_1697 = tpu.memref_slice %arg3[%add3A_1693, %multiple_of3A_1586] : memref<4096x32000xf32, #tpu.memory_space<hbm>> -> memref<1x128xf32, #tpu.memory_space<hbm>>
      %dma_start3A_1698 = tpu.memref_squeeze %dma_start3A_1697 : memref<1x128xf32, #tpu.memory_space<hbm>> -> memref<128xf32, #tpu.memory_space<hbm>>
      %dma_start3A_1699 = tpu.memref_slice %arg3[%add3A_1693, %multiple_of3A_1586] : memref<4096x32000xf32, #tpu.memory_space<hbm>> -> memref<1x128xf32, #tpu.memory_space<hbm>>
      %dma_start3A_1700 = tpu.memref_squeeze %dma_start3A_1699 : memref<1x128xf32, #tpu.memory_space<hbm>> -> memref<128xf32, #tpu.memory_space<hbm>>
      %dma_start3A_1701 = arith.constant 0 : i32
      %dma_start3A_1702 = tpu.memref_slice %arg6[%add3A_1551, %dma_start3A_1701] : memref<128x128xf32, #tpu.memory_space<vmem>> -> memref<1x128xf32, #tpu.memory_space<vmem>>
      %dma_start3A_1703 = tpu.memref_squeeze %dma_start3A_1702 : memref<1x128xf32, #tpu.memory_space<vmem>> -> memref<128xf32, #tpu.memory_space<vmem>>
      tpu.enqueue_dma source(%dma_start3A_1703 : memref<128xf32, #tpu.memory_space<vmem>>) target(%dma_start3A_1700 : memref<128xf32, #tpu.memory_space<hbm>>) target_semaphore(%arg7 : memref<!tpu.dma_semaphore, #tpu.memory_space<semaphore_mem>>)
      %eq3A_1704 = arith.constant 10 : i32
      %eq3A_1705 = vector.broadcast %eq3A_1704 : i32 to vector<16xi32>
      %eq3A_1706 = arith.cmpi eq, %iota3A, %eq3A_1705 : vector<16xi32>
      %jit3A_1707 = arith.constant 0 : i32
      %broadcast_in_dim3A_1708 = vector.broadcast %jit3A_1707 : i32 to vector<16xi32>
      %select_n3A_1709 = arith.select %eq3A_1706, %get3A_17, %broadcast_in_dim3A_1708 : vector<16xi1>, vector<16xi32>
      %reduce_max3A_1710 = arith.constant true
      %reduce_max3A_1711 = vector.broadcast %reduce_max3A_1710 : i1 to vector<16xi1>
      %reduce_max3A_1712 = arith.constant -2147483648 : i32
      %reduce_max3A_1713 = vector.broadcast %reduce_max3A_1712 : i32 to vector<16xi32>
      %reduce_max3A_1714 = arith.xori %select_n3A_1709, %reduce_max3A_1713 : vector<16xi32>
      %reduce_max3A_1715 = tpu.scan <max>, %reduce_max3A_1714 masked %reduce_max3A_1711 : vector<16xi32>, vector<16xi1> -> vector<16xi32>
      %reduce_max3A_1716 = arith.xori %reduce_max3A_1715, %reduce_max3A_1713 : vector<16xi32>
      %reduce_max3A_1717 = vector.extract %reduce_max3A_1716[15] : i32 from vector<16xi32>
      %mul3A_1718 = arith.constant 16 : i32
      %mul3A_1719 = arith.muli %add3A_14, %mul3A_1718 : i32
      %add3A_1720 = arith.constant 10 : i32
      %add3A_1721 = arith.addi %mul3A_1719, %add3A_1720 : i32
      %eq3A_1722 = arith.constant 0 : i32
      %eq3A_1723 = arith.cmpi eq, %reduce_max3A_1717, %eq3A_1722 : i32
      %jit3A_1724 = arith.constant 0.000000e+00 : f32
      %jit3A_1725 = arith.constant 3.12519524E-6 : f32
      %select_n3A_1726 = arith.select %eq3A_1723, %jit3A_1724, %jit3A_1725 : f32
      %jit3A_1727 = arith.constant 0.000000e+00 : f32
      %jit3A_1728 = arith.constant 0.899999976 : f32
      %select_n3A_1729 = arith.select %eq3A_1723, %jit3A_1727, %jit3A_1728 : f32
      %jit3A_1730 = arith.constant 128 : i32
      %div3A_1731 = arith.divsi %reduce_max3A_1717, %jit3A_1730 : i32
      %sign3A_1732 = arith.constant 0 : i32
      %sign3A_1733 = arith.cmpi sgt, %reduce_max3A_1717, %sign3A_1732 : i32
      %sign3A_1734 = arith.extui %sign3A_1733 : i1 to i32
      %sign3A_1735 = arith.constant 0 : i32
      %sign3A_1736 = arith.cmpi slt, %reduce_max3A_1717, %sign3A_1735 : i32
      %sign3A_1737 = arith.extui %sign3A_1736 : i1 to i32
      %sign3A_1738 = arith.subi %sign3A_1734, %sign3A_1737 : i32
      %sign3A_1739 = arith.constant 0 : i32
      %sign3A_1740 = arith.cmpi sgt, %jit3A_1730, %sign3A_1739 : i32
      %sign3A_1741 = arith.extui %sign3A_1740 : i1 to i32
      %sign3A_1742 = arith.constant 0 : i32
      %sign3A_1743 = arith.cmpi slt, %jit3A_1730, %sign3A_1742 : i32
      %sign3A_1744 = arith.extui %sign3A_1743 : i1 to i32
      %sign3A_1745 = arith.subi %sign3A_1741, %sign3A_1744 : i32
      %ne3A_1746 = arith.cmpi ne, %sign3A_1738, %sign3A_1745 : i32
      %rem3A_1747 = arith.remsi %reduce_max3A_1717, %jit3A_1730 : i32
      %ne3A_1748 = arith.constant 0 : i32
      %ne3A_1749 = arith.cmpi ne, %rem3A_1747, %ne3A_1748 : i32
      %and3A_1750 = arith.andi %ne3A_1746, %ne3A_1749 : i1
      %sub3A_1751 = arith.constant 1 : i32
      %sub3A_1752 = arith.subi %div3A_1731, %sub3A_1751 : i32
      %select_n3A_1753 = arith.select %and3A_1750, %sub3A_1752, %div3A_1731 : i32
      %mul3A_1754 = arith.constant 128 : i32
      %mul3A_1755 = arith.muli %select_n3A_1753, %mul3A_1754 : i32
      %multiple_of3A_1756 = tpu.assume_multiple %mul3A_1755, 128 : i32
      %jit3A_1757 = arith.constant 128 : i32
      %eq3A_1758 = arith.constant 0 : i32
      %eq3A_1759 = arith.cmpi eq, %jit3A_1757, %eq3A_1758 : i32
      %jit3A_1760 = arith.constant 1 : i32
      %select_n3A_1761 = arith.select %eq3A_1759, %jit3A_1760, %jit3A_1757 : i32
      %rem3A_1762 = arith.remsi %reduce_max3A_1717, %select_n3A_1761 : i32
      %ne3A_1763 = arith.constant 0 : i32
      %ne3A_1764 = arith.cmpi ne, %rem3A_1762, %ne3A_1763 : i32
      %lt3A_1765 = arith.constant 0 : i32
      %lt3A_1766 = arith.cmpi slt, %rem3A_1762, %lt3A_1765 : i32
      %lt3A_1767 = arith.constant 0 : i32
      %lt3A_1768 = arith.cmpi slt, %select_n3A_1761, %lt3A_1767 : i32
      %ne3A_1769 = arith.xori %lt3A_1766, %lt3A_1768 : i1
      %and3A_1770 = arith.andi %ne3A_1769, %ne3A_1764 : i1
      %add3A_1771 = arith.addi %rem3A_1762, %select_n3A_1761 : i32
      %select_n3A_1772 = arith.select %and3A_1770, %add3A_1771, %rem3A_1762 : i32
      %eq3A_1773 = arith.constant 0 : i32
      %eq3A_1774 = arith.cmpi eq, %multiple_of3A_1756, %eq3A_1773 : i32
      %jit3A_1775 = arith.constant 0 : i32
      %jit3A_1776 = arith.constant -1 : i32
      %select_n3A_1777 = arith.select %eq3A_1774, %jit3A_1775, %jit3A_1776 : i32
      %sub3A_1778 = arith.constant 0 : i32
      %sub3A_1779 = arith.subi %select_n3A_1772, %sub3A_1778 : i32
      %eq3A_1780 = vector.broadcast %sub3A_1779 : i32 to vector<16xi32>
      %eq3A_1781 = arith.cmpi eq, %iota3A, %eq3A_1780 : vector<16xi32>
      %broadcast_in_dim3A_1782 = vector.broadcast %select_n3A_1729 : f32 to vector<16xf32>
      %broadcast_in_dim3A_1783 = vector.broadcast %select_n3A_1726 : f32 to vector<16xf32>
      %select_n3A_1784 = arith.select %eq3A_1781, %broadcast_in_dim3A_1782, %broadcast_in_dim3A_1783 : vector<16xi1>, vector<16xf32>
      %eq3A_1785 = vector.broadcast %select_n3A_1777 : i32 to vector<16xi32>
      %eq3A_1786 = arith.cmpi eq, %iota3A, %eq3A_1785 : vector<16xi32>
      %jit3A_1787 = arith.constant 0.000000e+00 : f32
      %broadcast_in_dim3A_1788 = vector.broadcast %jit3A_1787 : f32 to vector<16xf32>
      %select_n3A_1789 = arith.select %eq3A_1786, %broadcast_in_dim3A_1788, %select_n3A_1784 : vector<16xi1>, vector<16xf32>
      %swap3A_1790 = arith.index_cast %add3A_1721 : i32 to index
      %swap3A_1791 = arith.constant 0 : index
      %swap3A_1792 = tpu.vector_load %arg6[%swap3A_1790, %swap3A_1791] {strides = array<i32>} : memref<128x128xf32, #tpu.memory_space<vmem>>, vector<16xf32>,
      tpu.vector_store %arg6[%swap3A_1790, %swap3A_1791], %select_n3A_1789 {strides = array<i32>} : memref<128x128xf32, #tpu.memory_space<vmem>>, vector<16xf32>,
      %sub3A_1793 = arith.constant 16 : i32
      %sub3A_1794 = arith.subi %select_n3A_1772, %sub3A_1793 : i32
      %eq3A_1795 = vector.broadcast %sub3A_1794 : i32 to vector<16xi32>
      %eq3A_1796 = arith.cmpi eq, %iota3A, %eq3A_1795 : vector<16xi32>
      %broadcast_in_dim3A_1797 = vector.broadcast %select_n3A_1729 : f32 to vector<16xf32>
      %broadcast_in_dim3A_1798 = vector.broadcast %select_n3A_1726 : f32 to vector<16xf32>
      %select_n3A_1799 = arith.select %eq3A_1796, %broadcast_in_dim3A_1797, %broadcast_in_dim3A_1798 : vector<16xi1>, vector<16xf32>
      %swap3A_1800 = arith.index_cast %add3A_1721 : i32 to index
      %swap3A_1801 = arith.constant 16 : index
      %swap3A_1802 = tpu.vector_load %arg6[%swap3A_1800, %swap3A_1801] {strides = array<i32>} : memref<128x128xf32, #tpu.memory_space<vmem>>, vector<16xf32>,
      tpu.vector_store %arg6[%swap3A_1800, %swap3A_1801], %select_n3A_1799 {strides = array<i32>} : memref<128x128xf32, #tpu.memory_space<vmem>>, vector<16xf32>,
      %sub3A_1803 = arith.constant 32 : i32
      %sub3A_1804 = arith.subi %select_n3A_1772, %sub3A_1803 : i32
      %eq3A_1805 = vector.broadcast %sub3A_1804 : i32 to vector<16xi32>
      %eq3A_1806 = arith.cmpi eq, %iota3A, %eq3A_1805 : vector<16xi32>
      %broadcast_in_dim3A_1807 = vector.broadcast %select_n3A_1729 : f32 to vector<16xf32>
      %broadcast_in_dim3A_1808 = vector.broadcast %select_n3A_1726 : f32 to vector<16xf32>
      %select_n3A_1809 = arith.select %eq3A_1806, %broadcast_in_dim3A_1807, %broadcast_in_dim3A_1808 : vector<16xi1>, vector<16xf32>
      %swap3A_1810 = arith.index_cast %add3A_1721 : i32 to index
      %swap3A_1811 = arith.constant 32 : index
      %swap3A_1812 = tpu.vector_load %arg6[%swap3A_1810, %swap3A_1811] {strides = array<i32>} : memref<128x128xf32, #tpu.memory_space<vmem>>, vector<16xf32>,
      tpu.vector_store %arg6[%swap3A_1810, %swap3A_1811], %select_n3A_1809 {strides = array<i32>} : memref<128x128xf32, #tpu.memory_space<vmem>>, vector<16xf32>,
      %sub3A_1813 = arith.constant 48 : i32
      %sub3A_1814 = arith.subi %select_n3A_1772, %sub3A_1813 : i32
      %eq3A_1815 = vector.broadcast %sub3A_1814 : i32 to vector<16xi32>
      %eq3A_1816 = arith.cmpi eq, %iota3A, %eq3A_1815 : vector<16xi32>
      %broadcast_in_dim3A_1817 = vector.broadcast %select_n3A_1729 : f32 to vector<16xf32>
      %broadcast_in_dim3A_1818 = vector.broadcast %select_n3A_1726 : f32 to vector<16xf32>
      %select_n3A_1819 = arith.select %eq3A_1816, %broadcast_in_dim3A_1817, %broadcast_in_dim3A_1818 : vector<16xi1>, vector<16xf32>
      %swap3A_1820 = arith.index_cast %add3A_1721 : i32 to index
      %swap3A_1821 = arith.constant 48 : index
      %swap3A_1822 = tpu.vector_load %arg6[%swap3A_1820, %swap3A_1821] {strides = array<i32>} : memref<128x128xf32, #tpu.memory_space<vmem>>, vector<16xf32>,
      tpu.vector_store %arg6[%swap3A_1820, %swap3A_1821], %select_n3A_1819 {strides = array<i32>} : memref<128x128xf32, #tpu.memory_space<vmem>>, vector<16xf32>,
      %sub3A_1823 = arith.constant 64 : i32
      %sub3A_1824 = arith.subi %select_n3A_1772, %sub3A_1823 : i32
      %eq3A_1825 = vector.broadcast %sub3A_1824 : i32 to vector<16xi32>
      %eq3A_1826 = arith.cmpi eq, %iota3A, %eq3A_1825 : vector<16xi32>
      %broadcast_in_dim3A_1827 = vector.broadcast %select_n3A_1729 : f32 to vector<16xf32>
      %broadcast_in_dim3A_1828 = vector.broadcast %select_n3A_1726 : f32 to vector<16xf32>
      %select_n3A_1829 = arith.select %eq3A_1826, %broadcast_in_dim3A_1827, %broadcast_in_dim3A_1828 : vector<16xi1>, vector<16xf32>
      %swap3A_1830 = arith.index_cast %add3A_1721 : i32 to index
      %swap3A_1831 = arith.constant 64 : index
      %swap3A_1832 = tpu.vector_load %arg6[%swap3A_1830, %swap3A_1831] {strides = array<i32>} : memref<128x128xf32, #tpu.memory_space<vmem>>, vector<16xf32>,
      tpu.vector_store %arg6[%swap3A_1830, %swap3A_1831], %select_n3A_1829 {strides = array<i32>} : memref<128x128xf32, #tpu.memory_space<vmem>>, vector<16xf32>,
      %sub3A_1833 = arith.constant 80 : i32
      %sub3A_1834 = arith.subi %select_n3A_1772, %sub3A_1833 : i32
      %eq3A_1835 = vector.broadcast %sub3A_1834 : i32 to vector<16xi32>
      %eq3A_1836 = arith.cmpi eq, %iota3A, %eq3A_1835 : vector<16xi32>
      %broadcast_in_dim3A_1837 = vector.broadcast %select_n3A_1729 : f32 to vector<16xf32>
      %broadcast_in_dim3A_1838 = vector.broadcast %select_n3A_1726 : f32 to vector<16xf32>
      %select_n3A_1839 = arith.select %eq3A_1836, %broadcast_in_dim3A_1837, %broadcast_in_dim3A_1838 : vector<16xi1>, vector<16xf32>
      %swap3A_1840 = arith.index_cast %add3A_1721 : i32 to index
      %swap3A_1841 = arith.constant 80 : index
      %swap3A_1842 = tpu.vector_load %arg6[%swap3A_1840, %swap3A_1841] {strides = array<i32>} : memref<128x128xf32, #tpu.memory_space<vmem>>, vector<16xf32>,
      tpu.vector_store %arg6[%swap3A_1840, %swap3A_1841], %select_n3A_1839 {strides = array<i32>} : memref<128x128xf32, #tpu.memory_space<vmem>>, vector<16xf32>,
      %sub3A_1843 = arith.constant 96 : i32
      %sub3A_1844 = arith.subi %select_n3A_1772, %sub3A_1843 : i32
      %eq3A_1845 = vector.broadcast %sub3A_1844 : i32 to vector<16xi32>
      %eq3A_1846 = arith.cmpi eq, %iota3A, %eq3A_1845 : vector<16xi32>
      %broadcast_in_dim3A_1847 = vector.broadcast %select_n3A_1729 : f32 to vector<16xf32>
      %broadcast_in_dim3A_1848 = vector.broadcast %select_n3A_1726 : f32 to vector<16xf32>
      %select_n3A_1849 = arith.select %eq3A_1846, %broadcast_in_dim3A_1847, %broadcast_in_dim3A_1848 : vector<16xi1>, vector<16xf32>
      %swap3A_1850 = arith.index_cast %add3A_1721 : i32 to index
      %swap3A_1851 = arith.constant 96 : index
      %swap3A_1852 = tpu.vector_load %arg6[%swap3A_1850, %swap3A_1851] {strides = array<i32>} : memref<128x128xf32, #tpu.memory_space<vmem>>, vector<16xf32>,
      tpu.vector_store %arg6[%swap3A_1850, %swap3A_1851], %select_n3A_1849 {strides = array<i32>} : memref<128x128xf32, #tpu.memory_space<vmem>>, vector<16xf32>,
      %sub3A_1853 = arith.constant 112 : i32
      %sub3A_1854 = arith.subi %select_n3A_1772, %sub3A_1853 : i32
      %eq3A_1855 = vector.broadcast %sub3A_1854 : i32 to vector<16xi32>
      %eq3A_1856 = arith.cmpi eq, %iota3A, %eq3A_1855 : vector<16xi32>
      %broadcast_in_dim3A_1857 = vector.broadcast %select_n3A_1729 : f32 to vector<16xf32>
      %broadcast_in_dim3A_1858 = vector.broadcast %select_n3A_1726 : f32 to vector<16xf32>
      %select_n3A_1859 = arith.select %eq3A_1856, %broadcast_in_dim3A_1857, %broadcast_in_dim3A_1858 : vector<16xi1>, vector<16xf32>
      %swap3A_1860 = arith.index_cast %add3A_1721 : i32 to index
      %swap3A_1861 = arith.constant 112 : index
      %swap3A_1862 = tpu.vector_load %arg6[%swap3A_1860, %swap3A_1861] {strides = array<i32>} : memref<128x128xf32, #tpu.memory_space<vmem>>, vector<16xf32>,
      tpu.vector_store %arg6[%swap3A_1860, %swap3A_1861], %select_n3A_1859 {strides = array<i32>} : memref<128x128xf32, #tpu.memory_space<vmem>>, vector<16xf32>,
      %add3A_1863 = arith.addi %mul3A_2, %add3A_1721 : i32
      %dma_start3A_1864 = arith.constant 0 : i32
      %dma_start3A_1865 = tpu.memref_slice %arg6[%add3A_1721, %dma_start3A_1864] : memref<128x128xf32, #tpu.memory_space<vmem>> -> memref<1x128xf32, #tpu.memory_space<vmem>>
      %dma_start3A_1866 = tpu.memref_squeeze %dma_start3A_1865 : memref<1x128xf32, #tpu.memory_space<vmem>> -> memref<128xf32, #tpu.memory_space<vmem>>
      %dma_start3A_1867 = tpu.memref_slice %arg3[%add3A_1863, %multiple_of3A_1756] : memref<4096x32000xf32, #tpu.memory_space<hbm>> -> memref<1x128xf32, #tpu.memory_space<hbm>>
      %dma_start3A_1868 = tpu.memref_squeeze %dma_start3A_1867 : memref<1x128xf32, #tpu.memory_space<hbm>> -> memref<128xf32, #tpu.memory_space<hbm>>
      %dma_start3A_1869 = tpu.memref_slice %arg3[%add3A_1863, %multiple_of3A_1756] : memref<4096x32000xf32, #tpu.memory_space<hbm>> -> memref<1x128xf32, #tpu.memory_space<hbm>>
      %dma_start3A_1870 = tpu.memref_squeeze %dma_start3A_1869 : memref<1x128xf32, #tpu.memory_space<hbm>> -> memref<128xf32, #tpu.memory_space<hbm>>
      %dma_start3A_1871 = arith.constant 0 : i32
      %dma_start3A_1872 = tpu.memref_slice %arg6[%add3A_1721, %dma_start3A_1871] : memref<128x128xf32, #tpu.memory_space<vmem>> -> memref<1x128xf32, #tpu.memory_space<vmem>>
      %dma_start3A_1873 = tpu.memref_squeeze %dma_start3A_1872 : memref<1x128xf32, #tpu.memory_space<vmem>> -> memref<128xf32, #tpu.memory_space<vmem>>
      tpu.enqueue_dma source(%dma_start3A_1873 : memref<128xf32, #tpu.memory_space<vmem>>) target(%dma_start3A_1870 : memref<128xf32, #tpu.memory_space<hbm>>) target_semaphore(%arg7 : memref<!tpu.dma_semaphore, #tpu.memory_space<semaphore_mem>>)
      %eq3A_1874 = arith.constant 11 : i32
      %eq3A_1875 = vector.broadcast %eq3A_1874 : i32 to vector<16xi32>
      %eq3A_1876 = arith.cmpi eq, %iota3A, %eq3A_1875 : vector<16xi32>
      %jit3A_1877 = arith.constant 0 : i32
      %broadcast_in_dim3A_1878 = vector.broadcast %jit3A_1877 : i32 to vector<16xi32>
      %select_n3A_1879 = arith.select %eq3A_1876, %get3A_17, %broadcast_in_dim3A_1878 : vector<16xi1>, vector<16xi32>
      %reduce_max3A_1880 = arith.constant true
      %reduce_max3A_1881 = vector.broadcast %reduce_max3A_1880 : i1 to vector<16xi1>
      %reduce_max3A_1882 = arith.constant -2147483648 : i32
      %reduce_max3A_1883 = vector.broadcast %reduce_max3A_1882 : i32 to vector<16xi32>
      %reduce_max3A_1884 = arith.xori %select_n3A_1879, %reduce_max3A_1883 : vector<16xi32>
      %reduce_max3A_1885 = tpu.scan <max>, %reduce_max3A_1884 masked %reduce_max3A_1881 : vector<16xi32>, vector<16xi1> -> vector<16xi32>
      %reduce_max3A_1886 = arith.xori %reduce_max3A_1885, %reduce_max3A_1883 : vector<16xi32>
      %reduce_max3A_1887 = vector.extract %reduce_max3A_1886[15] : i32 from vector<16xi32>
      %mul3A_1888 = arith.constant 16 : i32
      %mul3A_1889 = arith.muli %add3A_14, %mul3A_1888 : i32
      %add3A_1890 = arith.constant 11 : i32
      %add3A_1891 = arith.addi %mul3A_1889, %add3A_1890 : i32
      %eq3A_1892 = arith.constant 0 : i32
      %eq3A_1893 = arith.cmpi eq, %reduce_max3A_1887, %eq3A_1892 : i32
      %jit3A_1894 = arith.constant 0.000000e+00 : f32
      %jit3A_1895 = arith.constant 3.12519524E-6 : f32
      %select_n3A_1896 = arith.select %eq3A_1893, %jit3A_1894, %jit3A_1895 : f32
      %jit3A_1897 = arith.constant 0.000000e+00 : f32
      %jit3A_1898 = arith.constant 0.899999976 : f32
      %select_n3A_1899 = arith.select %eq3A_1893, %jit3A_1897, %jit3A_1898 : f32
      %jit3A_1900 = arith.constant 128 : i32
      %div3A_1901 = arith.divsi %reduce_max3A_1887, %jit3A_1900 : i32
      %sign3A_1902 = arith.constant 0 : i32
      %sign3A_1903 = arith.cmpi sgt, %reduce_max3A_1887, %sign3A_1902 : i32
      %sign3A_1904 = arith.extui %sign3A_1903 : i1 to i32
      %sign3A_1905 = arith.constant 0 : i32
      %sign3A_1906 = arith.cmpi slt, %reduce_max3A_1887, %sign3A_1905 : i32
      %sign3A_1907 = arith.extui %sign3A_1906 : i1 to i32
      %sign3A_1908 = arith.subi %sign3A_1904, %sign3A_1907 : i32
      %sign3A_1909 = arith.constant 0 : i32
      %sign3A_1910 = arith.cmpi sgt, %jit3A_1900, %sign3A_1909 : i32
      %sign3A_1911 = arith.extui %sign3A_1910 : i1 to i32
      %sign3A_1912 = arith.constant 0 : i32
      %sign3A_1913 = arith.cmpi slt, %jit3A_1900, %sign3A_1912 : i32
      %sign3A_1914 = arith.extui %sign3A_1913 : i1 to i32
      %sign3A_1915 = arith.subi %sign3A_1911, %sign3A_1914 : i32
      %ne3A_1916 = arith.cmpi ne, %sign3A_1908, %sign3A_1915 : i32
      %rem3A_1917 = arith.remsi %reduce_max3A_1887, %jit3A_1900 : i32
      %ne3A_1918 = arith.constant 0 : i32
      %ne3A_1919 = arith.cmpi ne, %rem3A_1917, %ne3A_1918 : i32
      %and3A_1920 = arith.andi %ne3A_1916, %ne3A_1919 : i1
      %sub3A_1921 = arith.constant 1 : i32
      %sub3A_1922 = arith.subi %div3A_1901, %sub3A_1921 : i32
      %select_n3A_1923 = arith.select %and3A_1920, %sub3A_1922, %div3A_1901 : i32
      %mul3A_1924 = arith.constant 128 : i32
      %mul3A_1925 = arith.muli %select_n3A_1923, %mul3A_1924 : i32
      %multiple_of3A_1926 = tpu.assume_multiple %mul3A_1925, 128 : i32
      %jit3A_1927 = arith.constant 128 : i32
      %eq3A_1928 = arith.constant 0 : i32
      %eq3A_1929 = arith.cmpi eq, %jit3A_1927, %eq3A_1928 : i32
      %jit3A_1930 = arith.constant 1 : i32
      %select_n3A_1931 = arith.select %eq3A_1929, %jit3A_1930, %jit3A_1927 : i32
      %rem3A_1932 = arith.remsi %reduce_max3A_1887, %select_n3A_1931 : i32
      %ne3A_1933 = arith.constant 0 : i32
      %ne3A_1934 = arith.cmpi ne, %rem3A_1932, %ne3A_1933 : i32
      %lt3A_1935 = arith.constant 0 : i32
      %lt3A_1936 = arith.cmpi slt, %rem3A_1932, %lt3A_1935 : i32
      %lt3A_1937 = arith.constant 0 : i32
      %lt3A_1938 = arith.cmpi slt, %select_n3A_1931, %lt3A_1937 : i32
      %ne3A_1939 = arith.xori %lt3A_1936, %lt3A_1938 : i1
      %and3A_1940 = arith.andi %ne3A_1939, %ne3A_1934 : i1
      %add3A_1941 = arith.addi %rem3A_1932, %select_n3A_1931 : i32
      %select_n3A_1942 = arith.select %and3A_1940, %add3A_1941, %rem3A_1932 : i32
      %eq3A_1943 = arith.constant 0 : i32
      %eq3A_1944 = arith.cmpi eq, %multiple_of3A_1926, %eq3A_1943 : i32
      %jit3A_1945 = arith.constant 0 : i32
      %jit3A_1946 = arith.constant -1 : i32
      %select_n3A_1947 = arith.select %eq3A_1944, %jit3A_1945, %jit3A_1946 : i32
      %sub3A_1948 = arith.constant 0 : i32
      %sub3A_1949 = arith.subi %select_n3A_1942, %sub3A_1948 : i32
      %eq3A_1950 = vector.broadcast %sub3A_1949 : i32 to vector<16xi32>
      %eq3A_1951 = arith.cmpi eq, %iota3A, %eq3A_1950 : vector<16xi32>
      %broadcast_in_dim3A_1952 = vector.broadcast %select_n3A_1899 : f32 to vector<16xf32>
      %broadcast_in_dim3A_1953 = vector.broadcast %select_n3A_1896 : f32 to vector<16xf32>
      %select_n3A_1954 = arith.select %eq3A_1951, %broadcast_in_dim3A_1952, %broadcast_in_dim3A_1953 : vector<16xi1>, vector<16xf32>
      %eq3A_1955 = vector.broadcast %select_n3A_1947 : i32 to vector<16xi32>
      %eq3A_1956 = arith.cmpi eq, %iota3A, %eq3A_1955 : vector<16xi32>
      %jit3A_1957 = arith.constant 0.000000e+00 : f32
      %broadcast_in_dim3A_1958 = vector.broadcast %jit3A_1957 : f32 to vector<16xf32>
      %select_n3A_1959 = arith.select %eq3A_1956, %broadcast_in_dim3A_1958, %select_n3A_1954 : vector<16xi1>, vector<16xf32>
      %swap3A_1960 = arith.index_cast %add3A_1891 : i32 to index
      %swap3A_1961 = arith.constant 0 : index
      %swap3A_1962 = tpu.vector_load %arg6[%swap3A_1960, %swap3A_1961] {strides = array<i32>} : memref<128x128xf32, #tpu.memory_space<vmem>>, vector<16xf32>,
      tpu.vector_store %arg6[%swap3A_1960, %swap3A_1961], %select_n3A_1959 {strides = array<i32>} : memref<128x128xf32, #tpu.memory_space<vmem>>, vector<16xf32>,
      %sub3A_1963 = arith.constant 16 : i32
      %sub3A_1964 = arith.subi %select_n3A_1942, %sub3A_1963 : i32
      %eq3A_1965 = vector.broadcast %sub3A_1964 : i32 to vector<16xi32>
      %eq3A_1966 = arith.cmpi eq, %iota3A, %eq3A_1965 : vector<16xi32>
      %broadcast_in_dim3A_1967 = vector.broadcast %select_n3A_1899 : f32 to vector<16xf32>
      %broadcast_in_dim3A_1968 = vector.broadcast %select_n3A_1896 : f32 to vector<16xf32>
      %select_n3A_1969 = arith.select %eq3A_1966, %broadcast_in_dim3A_1967, %broadcast_in_dim3A_1968 : vector<16xi1>, vector<16xf32>
      %swap3A_1970 = arith.index_cast %add3A_1891 : i32 to index
      %swap3A_1971 = arith.constant 16 : index
      %swap3A_1972 = tpu.vector_load %arg6[%swap3A_1970, %swap3A_1971] {strides = array<i32>} : memref<128x128xf32, #tpu.memory_space<vmem>>, vector<16xf32>,
      tpu.vector_store %arg6[%swap3A_1970, %swap3A_1971], %select_n3A_1969 {strides = array<i32>} : memref<128x128xf32, #tpu.memory_space<vmem>>, vector<16xf32>,
      %sub3A_1973 = arith.constant 32 : i32
      %sub3A_1974 = arith.subi %select_n3A_1942, %sub3A_1973 : i32
      %eq3A_1975 = vector.broadcast %sub3A_1974 : i32 to vector<16xi32>
      %eq3A_1976 = arith.cmpi eq, %iota3A, %eq3A_1975 : vector<16xi32>
      %broadcast_in_dim3A_1977 = vector.broadcast %select_n3A_1899 : f32 to vector<16xf32>
      %broadcast_in_dim3A_1978 = vector.broadcast %select_n3A_1896 : f32 to vector<16xf32>
      %select_n3A_1979 = arith.select %eq3A_1976, %broadcast_in_dim3A_1977, %broadcast_in_dim3A_1978 : vector<16xi1>, vector<16xf32>
      %swap3A_1980 = arith.index_cast %add3A_1891 : i32 to index
      %swap3A_1981 = arith.constant 32 : index
      %swap3A_1982 = tpu.vector_load %arg6[%swap3A_1980, %swap3A_1981] {strides = array<i32>} : memref<128x128xf32, #tpu.memory_space<vmem>>, vector<16xf32>,
      tpu.vector_store %arg6[%swap3A_1980, %swap3A_1981], %select_n3A_1979 {strides = array<i32>} : memref<128x128xf32, #tpu.memory_space<vmem>>, vector<16xf32>,
      %sub3A_1983 = arith.constant 48 : i32
      %sub3A_1984 = arith.subi %select_n3A_1942, %sub3A_1983 : i32
      %eq3A_1985 = vector.broadcast %sub3A_1984 : i32 to vector<16xi32>
      %eq3A_1986 = arith.cmpi eq, %iota3A, %eq3A_1985 : vector<16xi32>
      %broadcast_in_dim3A_1987 = vector.broadcast %select_n3A_1899 : f32 to vector<16xf32>
      %broadcast_in_dim3A_1988 = vector.broadcast %select_n3A_1896 : f32 to vector<16xf32>
      %select_n3A_1989 = arith.select %eq3A_1986, %broadcast_in_dim3A_1987, %broadcast_in_dim3A_1988 : vector<16xi1>, vector<16xf32>
      %swap3A_1990 = arith.index_cast %add3A_1891 : i32 to index
      %swap3A_1991 = arith.constant 48 : index
      %swap3A_1992 = tpu.vector_load %arg6[%swap3A_1990, %swap3A_1991] {strides = array<i32>} : memref<128x128xf32, #tpu.memory_space<vmem>>, vector<16xf32>,
      tpu.vector_store %arg6[%swap3A_1990, %swap3A_1991], %select_n3A_1989 {strides = array<i32>} : memref<128x128xf32, #tpu.memory_space<vmem>>, vector<16xf32>,
      %sub3A_1993 = arith.constant 64 : i32
      %sub3A_1994 = arith.subi %select_n3A_1942, %sub3A_1993 : i32
      %eq3A_1995 = vector.broadcast %sub3A_1994 : i32 to vector<16xi32>
      %eq3A_1996 = arith.cmpi eq, %iota3A, %eq3A_1995 : vector<16xi32>
      %broadcast_in_dim3A_1997 = vector.broadcast %select_n3A_1899 : f32 to vector<16xf32>
      %broadcast_in_dim3A_1998 = vector.broadcast %select_n3A_1896 : f32 to vector<16xf32>
      %select_n3A_1999 = arith.select %eq3A_1996, %broadcast_in_dim3A_1997, %broadcast_in_dim3A_1998 : vector<16xi1>, vector<16xf32>
      %swap3A_2000 = arith.index_cast %add3A_1891 : i32 to index
      %swap3A_2001 = arith.constant 64 : index
      %swap3A_2002 = tpu.vector_load %arg6[%swap3A_2000, %swap3A_2001] {strides = array<i32>} : memref<128x128xf32, #tpu.memory_space<vmem>>, vector<16xf32>,
      tpu.vector_store %arg6[%swap3A_2000, %swap3A_2001], %select_n3A_1999 {strides = array<i32>} : memref<128x128xf32, #tpu.memory_space<vmem>>, vector<16xf32>,
      %sub3A_2003 = arith.constant 80 : i32
      %sub3A_2004 = arith.subi %select_n3A_1942, %sub3A_2003 : i32
      %eq3A_2005 = vector.broadcast %sub3A_2004 : i32 to vector<16xi32>
      %eq3A_2006 = arith.cmpi eq, %iota3A, %eq3A_2005 : vector<16xi32>
      %broadcast_in_dim3A_2007 = vector.broadcast %select_n3A_1899 : f32 to vector<16xf32>
      %broadcast_in_dim3A_2008 = vector.broadcast %select_n3A_1896 : f32 to vector<16xf32>
      %select_n3A_2009 = arith.select %eq3A_2006, %broadcast_in_dim3A_2007, %broadcast_in_dim3A_2008 : vector<16xi1>, vector<16xf32>
      %swap3A_2010 = arith.index_cast %add3A_1891 : i32 to index
      %swap3A_2011 = arith.constant 80 : index
      %swap3A_2012 = tpu.vector_load %arg6[%swap3A_2010, %swap3A_2011] {strides = array<i32>} : memref<128x128xf32, #tpu.memory_space<vmem>>, vector<16xf32>,
      tpu.vector_store %arg6[%swap3A_2010, %swap3A_2011], %select_n3A_2009 {strides = array<i32>} : memref<128x128xf32, #tpu.memory_space<vmem>>, vector<16xf32>,
      %sub3A_2013 = arith.constant 96 : i32
      %sub3A_2014 = arith.subi %select_n3A_1942, %sub3A_2013 : i32
      %eq3A_2015 = vector.broadcast %sub3A_2014 : i32 to vector<16xi32>
      %eq3A_2016 = arith.cmpi eq, %iota3A, %eq3A_2015 : vector<16xi32>
      %broadcast_in_dim3A_2017 = vector.broadcast %select_n3A_1899 : f32 to vector<16xf32>
      %broadcast_in_dim3A_2018 = vector.broadcast %select_n3A_1896 : f32 to vector<16xf32>
      %select_n3A_2019 = arith.select %eq3A_2016, %broadcast_in_dim3A_2017, %broadcast_in_dim3A_2018 : vector<16xi1>, vector<16xf32>
      %swap3A_2020 = arith.index_cast %add3A_1891 : i32 to index
      %swap3A_2021 = arith.constant 96 : index
      %swap3A_2022 = tpu.vector_load %arg6[%swap3A_2020, %swap3A_2021] {strides = array<i32>} : memref<128x128xf32, #tpu.memory_space<vmem>>, vector<16xf32>,
      tpu.vector_store %arg6[%swap3A_2020, %swap3A_2021], %select_n3A_2019 {strides = array<i32>} : memref<128x128xf32, #tpu.memory_space<vmem>>, vector<16xf32>,
      %sub3A_2023 = arith.constant 112 : i32
      %sub3A_2024 = arith.subi %select_n3A_1942, %sub3A_2023 : i32
      %eq3A_2025 = vector.broadcast %sub3A_2024 : i32 to vector<16xi32>
      %eq3A_2026 = arith.cmpi eq, %iota3A, %eq3A_2025 : vector<16xi32>
      %broadcast_in_dim3A_2027 = vector.broadcast %select_n3A_1899 : f32 to vector<16xf32>
      %broadcast_in_dim3A_2028 = vector.broadcast %select_n3A_1896 : f32 to vector<16xf32>
      %select_n3A_2029 = arith.select %eq3A_2026, %broadcast_in_dim3A_2027, %broadcast_in_dim3A_2028 : vector<16xi1>, vector<16xf32>
      %swap3A_2030 = arith.index_cast %add3A_1891 : i32 to index
      %swap3A_2031 = arith.constant 112 : index
      %swap3A_2032 = tpu.vector_load %arg6[%swap3A_2030, %swap3A_2031] {strides = array<i32>} : memref<128x128xf32, #tpu.memory_space<vmem>>, vector<16xf32>,
      tpu.vector_store %arg6[%swap3A_2030, %swap3A_2031], %select_n3A_2029 {strides = array<i32>} : memref<128x128xf32, #tpu.memory_space<vmem>>, vector<16xf32>,
      %add3A_2033 = arith.addi %mul3A_2, %add3A_1891 : i32
      %dma_start3A_2034 = arith.constant 0 : i32
      %dma_start3A_2035 = tpu.memref_slice %arg6[%add3A_1891, %dma_start3A_2034] : memref<128x128xf32, #tpu.memory_space<vmem>> -> memref<1x128xf32, #tpu.memory_space<vmem>>
      %dma_start3A_2036 = tpu.memref_squeeze %dma_start3A_2035 : memref<1x128xf32, #tpu.memory_space<vmem>> -> memref<128xf32, #tpu.memory_space<vmem>>
      %dma_start3A_2037 = tpu.memref_slice %arg3[%add3A_2033, %multiple_of3A_1926] : memref<4096x32000xf32, #tpu.memory_space<hbm>> -> memref<1x128xf32, #tpu.memory_space<hbm>>
      %dma_start3A_2038 = tpu.memref_squeeze %dma_start3A_2037 : memref<1x128xf32, #tpu.memory_space<hbm>> -> memref<128xf32, #tpu.memory_space<hbm>>
      %dma_start3A_2039 = tpu.memref_slice %arg3[%add3A_2033, %multiple_of3A_1926] : memref<4096x32000xf32, #tpu.memory_space<hbm>> -> memref<1x128xf32, #tpu.memory_space<hbm>>
      %dma_start3A_2040 = tpu.memref_squeeze %dma_start3A_2039 : memref<1x128xf32, #tpu.memory_space<hbm>> -> memref<128xf32, #tpu.memory_space<hbm>>
      %dma_start3A_2041 = arith.constant 0 : i32
      %dma_start3A_2042 = tpu.memref_slice %arg6[%add3A_1891, %dma_start3A_2041] : memref<128x128xf32, #tpu.memory_space<vmem>> -> memref<1x128xf32, #tpu.memory_space<vmem>>
      %dma_start3A_2043 = tpu.memref_squeeze %dma_start3A_2042 : memref<1x128xf32, #tpu.memory_space<vmem>> -> memref<128xf32, #tpu.memory_space<vmem>>
      tpu.enqueue_dma source(%dma_start3A_2043 : memref<128xf32, #tpu.memory_space<vmem>>) target(%dma_start3A_2040 : memref<128xf32, #tpu.memory_space<hbm>>) target_semaphore(%arg7 : memref<!tpu.dma_semaphore, #tpu.memory_space<semaphore_mem>>)
      %eq3A_2044 = arith.constant 12 : i32
      %eq3A_2045 = vector.broadcast %eq3A_2044 : i32 to vector<16xi32>
      %eq3A_2046 = arith.cmpi eq, %iota3A, %eq3A_2045 : vector<16xi32>
      %jit3A_2047 = arith.constant 0 : i32
      %broadcast_in_dim3A_2048 = vector.broadcast %jit3A_2047 : i32 to vector<16xi32>
      %select_n3A_2049 = arith.select %eq3A_2046, %get3A_17, %broadcast_in_dim3A_2048 : vector<16xi1>, vector<16xi32>
      %reduce_max3A_2050 = arith.constant true
      %reduce_max3A_2051 = vector.broadcast %reduce_max3A_2050 : i1 to vector<16xi1>
      %reduce_max3A_2052 = arith.constant -2147483648 : i32
      %reduce_max3A_2053 = vector.broadcast %reduce_max3A_2052 : i32 to vector<16xi32>
      %reduce_max3A_2054 = arith.xori %select_n3A_2049, %reduce_max3A_2053 : vector<16xi32>
      %reduce_max3A_2055 = tpu.scan <max>, %reduce_max3A_2054 masked %reduce_max3A_2051 : vector<16xi32>, vector<16xi1> -> vector<16xi32>
      %reduce_max3A_2056 = arith.xori %reduce_max3A_2055, %reduce_max3A_2053 : vector<16xi32>
      %reduce_max3A_2057 = vector.extract %reduce_max3A_2056[15] : i32 from vector<16xi32>
      %mul3A_2058 = arith.constant 16 : i32
      %mul3A_2059 = arith.muli %add3A_14, %mul3A_2058 : i32
      %add3A_2060 = arith.constant 12 : i32
      %add3A_2061 = arith.addi %mul3A_2059, %add3A_2060 : i32
      %eq3A_2062 = arith.constant 0 : i32
      %eq3A_2063 = arith.cmpi eq, %reduce_max3A_2057, %eq3A_2062 : i32
      %jit3A_2064 = arith.constant 0.000000e+00 : f32
      %jit3A_2065 = arith.constant 3.12519524E-6 : f32
      %select_n3A_2066 = arith.select %eq3A_2063, %jit3A_2064, %jit3A_2065 : f32
      %jit3A_2067 = arith.constant 0.000000e+00 : f32
      %jit3A_2068 = arith.constant 0.899999976 : f32
      %select_n3A_2069 = arith.select %eq3A_2063, %jit3A_2067, %jit3A_2068 : f32
      %jit3A_2070 = arith.constant 128 : i32
      %div3A_2071 = arith.divsi %reduce_max3A_2057, %jit3A_2070 : i32
      %sign3A_2072 = arith.constant 0 : i32
      %sign3A_2073 = arith.cmpi sgt, %reduce_max3A_2057, %sign3A_2072 : i32
      %sign3A_2074 = arith.extui %sign3A_2073 : i1 to i32
      %sign3A_2075 = arith.constant 0 : i32
      %sign3A_2076 = arith.cmpi slt, %reduce_max3A_2057, %sign3A_2075 : i32
      %sign3A_2077 = arith.extui %sign3A_2076 : i1 to i32
      %sign3A_2078 = arith.subi %sign3A_2074, %sign3A_2077 : i32
      %sign3A_2079 = arith.constant 0 : i32
      %sign3A_2080 = arith.cmpi sgt, %jit3A_2070, %sign3A_2079 : i32
      %sign3A_2081 = arith.extui %sign3A_2080 : i1 to i32
      %sign3A_2082 = arith.constant 0 : i32
      %sign3A_2083 = arith.cmpi slt, %jit3A_2070, %sign3A_2082 : i32
      %sign3A_2084 = arith.extui %sign3A_2083 : i1 to i32
      %sign3A_2085 = arith.subi %sign3A_2081, %sign3A_2084 : i32
      %ne3A_2086 = arith.cmpi ne, %sign3A_2078, %sign3A_2085 : i32
      %rem3A_2087 = arith.remsi %reduce_max3A_2057, %jit3A_2070 : i32
      %ne3A_2088 = arith.constant 0 : i32
      %ne3A_2089 = arith.cmpi ne, %rem3A_2087, %ne3A_2088 : i32
      %and3A_2090 = arith.andi %ne3A_2086, %ne3A_2089 : i1
      %sub3A_2091 = arith.constant 1 : i32
      %sub3A_2092 = arith.subi %div3A_2071, %sub3A_2091 : i32
      %select_n3A_2093 = arith.select %and3A_2090, %sub3A_2092, %div3A_2071 : i32
      %mul3A_2094 = arith.constant 128 : i32
      %mul3A_2095 = arith.muli %select_n3A_2093, %mul3A_2094 : i32
      %multiple_of3A_2096 = tpu.assume_multiple %mul3A_2095, 128 : i32
      %jit3A_2097 = arith.constant 128 : i32
      %eq3A_2098 = arith.constant 0 : i32
      %eq3A_2099 = arith.cmpi eq, %jit3A_2097, %eq3A_2098 : i32
      %jit3A_2100 = arith.constant 1 : i32
      %select_n3A_2101 = arith.select %eq3A_2099, %jit3A_2100, %jit3A_2097 : i32
      %rem3A_2102 = arith.remsi %reduce_max3A_2057, %select_n3A_2101 : i32
      %ne3A_2103 = arith.constant 0 : i32
      %ne3A_2104 = arith.cmpi ne, %rem3A_2102, %ne3A_2103 : i32
      %lt3A_2105 = arith.constant 0 : i32
      %lt3A_2106 = arith.cmpi slt, %rem3A_2102, %lt3A_2105 : i32
      %lt3A_2107 = arith.constant 0 : i32
      %lt3A_2108 = arith.cmpi slt, %select_n3A_2101, %lt3A_2107 : i32
      %ne3A_2109 = arith.xori %lt3A_2106, %lt3A_2108 : i1
      %and3A_2110 = arith.andi %ne3A_2109, %ne3A_2104 : i1
      %add3A_2111 = arith.addi %rem3A_2102, %select_n3A_2101 : i32
      %select_n3A_2112 = arith.select %and3A_2110, %add3A_2111, %rem3A_2102 : i32
      %eq3A_2113 = arith.constant 0 : i32
      %eq3A_2114 = arith.cmpi eq, %multiple_of3A_2096, %eq3A_2113 : i32
      %jit3A_2115 = arith.constant 0 : i32
      %jit3A_2116 = arith.constant -1 : i32
      %select_n3A_2117 = arith.select %eq3A_2114, %jit3A_2115, %jit3A_2116 : i32
      %sub3A_2118 = arith.constant 0 : i32
      %sub3A_2119 = arith.subi %select_n3A_2112, %sub3A_2118 : i32
      %eq3A_2120 = vector.broadcast %sub3A_2119 : i32 to vector<16xi32>
      %eq3A_2121 = arith.cmpi eq, %iota3A, %eq3A_2120 : vector<16xi32>
      %broadcast_in_dim3A_2122 = vector.broadcast %select_n3A_2069 : f32 to vector<16xf32>
      %broadcast_in_dim3A_2123 = vector.broadcast %select_n3A_2066 : f32 to vector<16xf32>
      %select_n3A_2124 = arith.select %eq3A_2121, %broadcast_in_dim3A_2122, %broadcast_in_dim3A_2123 : vector<16xi1>, vector<16xf32>
      %eq3A_2125 = vector.broadcast %select_n3A_2117 : i32 to vector<16xi32>
      %eq3A_2126 = arith.cmpi eq, %iota3A, %eq3A_2125 : vector<16xi32>
      %jit3A_2127 = arith.constant 0.000000e+00 : f32
      %broadcast_in_dim3A_2128 = vector.broadcast %jit3A_2127 : f32 to vector<16xf32>
      %select_n3A_2129 = arith.select %eq3A_2126, %broadcast_in_dim3A_2128, %select_n3A_2124 : vector<16xi1>, vector<16xf32>
      %swap3A_2130 = arith.index_cast %add3A_2061 : i32 to index
      %swap3A_2131 = arith.constant 0 : index
      %swap3A_2132 = tpu.vector_load %arg6[%swap3A_2130, %swap3A_2131] {strides = array<i32>} : memref<128x128xf32, #tpu.memory_space<vmem>>, vector<16xf32>,
      tpu.vector_store %arg6[%swap3A_2130, %swap3A_2131], %select_n3A_2129 {strides = array<i32>} : memref<128x128xf32, #tpu.memory_space<vmem>>, vector<16xf32>,
      %sub3A_2133 = arith.constant 16 : i32
      %sub3A_2134 = arith.subi %select_n3A_2112, %sub3A_2133 : i32
      %eq3A_2135 = vector.broadcast %sub3A_2134 : i32 to vector<16xi32>
      %eq3A_2136 = arith.cmpi eq, %iota3A, %eq3A_2135 : vector<16xi32>
      %broadcast_in_dim3A_2137 = vector.broadcast %select_n3A_2069 : f32 to vector<16xf32>
      %broadcast_in_dim3A_2138 = vector.broadcast %select_n3A_2066 : f32 to vector<16xf32>
      %select_n3A_2139 = arith.select %eq3A_2136, %broadcast_in_dim3A_2137, %broadcast_in_dim3A_2138 : vector<16xi1>, vector<16xf32>
      %swap3A_2140 = arith.index_cast %add3A_2061 : i32 to index
      %swap3A_2141 = arith.constant 16 : index
      %swap3A_2142 = tpu.vector_load %arg6[%swap3A_2140, %swap3A_2141] {strides = array<i32>} : memref<128x128xf32, #tpu.memory_space<vmem>>, vector<16xf32>,
      tpu.vector_store %arg6[%swap3A_2140, %swap3A_2141], %select_n3A_2139 {strides = array<i32>} : memref<128x128xf32, #tpu.memory_space<vmem>>, vector<16xf32>,
      %sub3A_2143 = arith.constant 32 : i32
      %sub3A_2144 = arith.subi %select_n3A_2112, %sub3A_2143 : i32
      %eq3A_2145 = vector.broadcast %sub3A_2144 : i32 to vector<16xi32>
      %eq3A_2146 = arith.cmpi eq, %iota3A, %eq3A_2145 : vector<16xi32>
      %broadcast_in_dim3A_2147 = vector.broadcast %select_n3A_2069 : f32 to vector<16xf32>
      %broadcast_in_dim3A_2148 = vector.broadcast %select_n3A_2066 : f32 to vector<16xf32>
      %select_n3A_2149 = arith.select %eq3A_2146, %broadcast_in_dim3A_2147, %broadcast_in_dim3A_2148 : vector<16xi1>, vector<16xf32>
      %swap3A_2150 = arith.index_cast %add3A_2061 : i32 to index
      %swap3A_2151 = arith.constant 32 : index
      %swap3A_2152 = tpu.vector_load %arg6[%swap3A_2150, %swap3A_2151] {strides = array<i32>} : memref<128x128xf32, #tpu.memory_space<vmem>>, vector<16xf32>,
      tpu.vector_store %arg6[%swap3A_2150, %swap3A_2151], %select_n3A_2149 {strides = array<i32>} : memref<128x128xf32, #tpu.memory_space<vmem>>, vector<16xf32>,
      %sub3A_2153 = arith.constant 48 : i32
      %sub3A_2154 = arith.subi %select_n3A_2112, %sub3A_2153 : i32
      %eq3A_2155 = vector.broadcast %sub3A_2154 : i32 to vector<16xi32>
      %eq3A_2156 = arith.cmpi eq, %iota3A, %eq3A_2155 : vector<16xi32>
      %broadcast_in_dim3A_2157 = vector.broadcast %select_n3A_2069 : f32 to vector<16xf32>
      %broadcast_in_dim3A_2158 = vector.broadcast %select_n3A_2066 : f32 to vector<16xf32>
      %select_n3A_2159 = arith.select %eq3A_2156, %broadcast_in_dim3A_2157, %broadcast_in_dim3A_2158 : vector<16xi1>, vector<16xf32>
      %swap3A_2160 = arith.index_cast %add3A_2061 : i32 to index
      %swap3A_2161 = arith.constant 48 : index
      %swap3A_2162 = tpu.vector_load %arg6[%swap3A_2160, %swap3A_2161] {strides = array<i32>} : memref<128x128xf32, #tpu.memory_space<vmem>>, vector<16xf32>,
      tpu.vector_store %arg6[%swap3A_2160, %swap3A_2161], %select_n3A_2159 {strides = array<i32>} : memref<128x128xf32, #tpu.memory_space<vmem>>, vector<16xf32>,
      %sub3A_2163 = arith.constant 64 : i32
      %sub3A_2164 = arith.subi %select_n3A_2112, %sub3A_2163 : i32
      %eq3A_2165 = vector.broadcast %sub3A_2164 : i32 to vector<16xi32>
      %eq3A_2166 = arith.cmpi eq, %iota3A, %eq3A_2165 : vector<16xi32>
      %broadcast_in_dim3A_2167 = vector.broadcast %select_n3A_2069 : f32 to vector<16xf32>
      %broadcast_in_dim3A_2168 = vector.broadcast %select_n3A_2066 : f32 to vector<16xf32>
      %select_n3A_2169 = arith.select %eq3A_2166, %broadcast_in_dim3A_2167, %broadcast_in_dim3A_2168 : vector<16xi1>, vector<16xf32>
      %swap3A_2170 = arith.index_cast %add3A_2061 : i32 to index
      %swap3A_2171 = arith.constant 64 : index
      %swap3A_2172 = tpu.vector_load %arg6[%swap3A_2170, %swap3A_2171] {strides = array<i32>} : memref<128x128xf32, #tpu.memory_space<vmem>>, vector<16xf32>,
      tpu.vector_store %arg6[%swap3A_2170, %swap3A_2171], %select_n3A_2169 {strides = array<i32>} : memref<128x128xf32, #tpu.memory_space<vmem>>, vector<16xf32>,
      %sub3A_2173 = arith.constant 80 : i32
      %sub3A_2174 = arith.subi %select_n3A_2112, %sub3A_2173 : i32
      %eq3A_2175 = vector.broadcast %sub3A_2174 : i32 to vector<16xi32>
      %eq3A_2176 = arith.cmpi eq, %iota3A, %eq3A_2175 : vector<16xi32>
      %broadcast_in_dim3A_2177 = vector.broadcast %select_n3A_2069 : f32 to vector<16xf32>
      %broadcast_in_dim3A_2178 = vector.broadcast %select_n3A_2066 : f32 to vector<16xf32>
      %select_n3A_2179 = arith.select %eq3A_2176, %broadcast_in_dim3A_2177, %broadcast_in_dim3A_2178 : vector<16xi1>, vector<16xf32>
      %swap3A_2180 = arith.index_cast %add3A_2061 : i32 to index
      %swap3A_2181 = arith.constant 80 : index
      %swap3A_2182 = tpu.vector_load %arg6[%swap3A_2180, %swap3A_2181] {strides = array<i32>} : memref<128x128xf32, #tpu.memory_space<vmem>>, vector<16xf32>,
      tpu.vector_store %arg6[%swap3A_2180, %swap3A_2181], %select_n3A_2179 {strides = array<i32>} : memref<128x128xf32, #tpu.memory_space<vmem>>, vector<16xf32>,
      %sub3A_2183 = arith.constant 96 : i32
      %sub3A_2184 = arith.subi %select_n3A_2112, %sub3A_2183 : i32
      %eq3A_2185 = vector.broadcast %sub3A_2184 : i32 to vector<16xi32>
      %eq3A_2186 = arith.cmpi eq, %iota3A, %eq3A_2185 : vector<16xi32>
      %broadcast_in_dim3A_2187 = vector.broadcast %select_n3A_2069 : f32 to vector<16xf32>
      %broadcast_in_dim3A_2188 = vector.broadcast %select_n3A_2066 : f32 to vector<16xf32>
      %select_n3A_2189 = arith.select %eq3A_2186, %broadcast_in_dim3A_2187, %broadcast_in_dim3A_2188 : vector<16xi1>, vector<16xf32>
      %swap3A_2190 = arith.index_cast %add3A_2061 : i32 to index
      %swap3A_2191 = arith.constant 96 : index
      %swap3A_2192 = tpu.vector_load %arg6[%swap3A_2190, %swap3A_2191] {strides = array<i32>} : memref<128x128xf32, #tpu.memory_space<vmem>>, vector<16xf32>,
      tpu.vector_store %arg6[%swap3A_2190, %swap3A_2191], %select_n3A_2189 {strides = array<i32>} : memref<128x128xf32, #tpu.memory_space<vmem>>, vector<16xf32>,
      %sub3A_2193 = arith.constant 112 : i32
      %sub3A_2194 = arith.subi %select_n3A_2112, %sub3A_2193 : i32
      %eq3A_2195 = vector.broadcast %sub3A_2194 : i32 to vector<16xi32>
      %eq3A_2196 = arith.cmpi eq, %iota3A, %eq3A_2195 : vector<16xi32>
      %broadcast_in_dim3A_2197 = vector.broadcast %select_n3A_2069 : f32 to vector<16xf32>
      %broadcast_in_dim3A_2198 = vector.broadcast %select_n3A_2066 : f32 to vector<16xf32>
      %select_n3A_2199 = arith.select %eq3A_2196, %broadcast_in_dim3A_2197, %broadcast_in_dim3A_2198 : vector<16xi1>, vector<16xf32>
      %swap3A_2200 = arith.index_cast %add3A_2061 : i32 to index
      %swap3A_2201 = arith.constant 112 : index
      %swap3A_2202 = tpu.vector_load %arg6[%swap3A_2200, %swap3A_2201] {strides = array<i32>} : memref<128x128xf32, #tpu.memory_space<vmem>>, vector<16xf32>,
      tpu.vector_store %arg6[%swap3A_2200, %swap3A_2201], %select_n3A_2199 {strides = array<i32>} : memref<128x128xf32, #tpu.memory_space<vmem>>, vector<16xf32>,
      %add3A_2203 = arith.addi %mul3A_2, %add3A_2061 : i32
      %dma_start3A_2204 = arith.constant 0 : i32
      %dma_start3A_2205 = tpu.memref_slice %arg6[%add3A_2061, %dma_start3A_2204] : memref<128x128xf32, #tpu.memory_space<vmem>> -> memref<1x128xf32, #tpu.memory_space<vmem>>
      %dma_start3A_2206 = tpu.memref_squeeze %dma_start3A_2205 : memref<1x128xf32, #tpu.memory_space<vmem>> -> memref<128xf32, #tpu.memory_space<vmem>>
      %dma_start3A_2207 = tpu.memref_slice %arg3[%add3A_2203, %multiple_of3A_2096] : memref<4096x32000xf32, #tpu.memory_space<hbm>> -> memref<1x128xf32, #tpu.memory_space<hbm>>
      %dma_start3A_2208 = tpu.memref_squeeze %dma_start3A_2207 : memref<1x128xf32, #tpu.memory_space<hbm>> -> memref<128xf32, #tpu.memory_space<hbm>>
      %dma_start3A_2209 = tpu.memref_slice %arg3[%add3A_2203, %multiple_of3A_2096] : memref<4096x32000xf32, #tpu.memory_space<hbm>> -> memref<1x128xf32, #tpu.memory_space<hbm>>
      %dma_start3A_2210 = tpu.memref_squeeze %dma_start3A_2209 : memref<1x128xf32, #tpu.memory_space<hbm>> -> memref<128xf32, #tpu.memory_space<hbm>>
      %dma_start3A_2211 = arith.constant 0 : i32
      %dma_start3A_2212 = tpu.memref_slice %arg6[%add3A_2061, %dma_start3A_2211] : memref<128x128xf32, #tpu.memory_space<vmem>> -> memref<1x128xf32, #tpu.memory_space<vmem>>
      %dma_start3A_2213 = tpu.memref_squeeze %dma_start3A_2212 : memref<1x128xf32, #tpu.memory_space<vmem>> -> memref<128xf32, #tpu.memory_space<vmem>>
      tpu.enqueue_dma source(%dma_start3A_2213 : memref<128xf32, #tpu.memory_space<vmem>>) target(%dma_start3A_2210 : memref<128xf32, #tpu.memory_space<hbm>>) target_semaphore(%arg7 : memref<!tpu.dma_semaphore, #tpu.memory_space<semaphore_mem>>)
      %eq3A_2214 = arith.constant 13 : i32
      %eq3A_2215 = vector.broadcast %eq3A_2214 : i32 to vector<16xi32>
      %eq3A_2216 = arith.cmpi eq, %iota3A, %eq3A_2215 : vector<16xi32>
      %jit3A_2217 = arith.constant 0 : i32
      %broadcast_in_dim3A_2218 = vector.broadcast %jit3A_2217 : i32 to vector<16xi32>
      %select_n3A_2219 = arith.select %eq3A_2216, %get3A_17, %broadcast_in_dim3A_2218 : vector<16xi1>, vector<16xi32>
      %reduce_max3A_2220 = arith.constant true
      %reduce_max3A_2221 = vector.broadcast %reduce_max3A_2220 : i1 to vector<16xi1>
      %reduce_max3A_2222 = arith.constant -2147483648 : i32
      %reduce_max3A_2223 = vector.broadcast %reduce_max3A_2222 : i32 to vector<16xi32>
      %reduce_max3A_2224 = arith.xori %select_n3A_2219, %reduce_max3A_2223 : vector<16xi32>
      %reduce_max3A_2225 = tpu.scan <max>, %reduce_max3A_2224 masked %reduce_max3A_2221 : vector<16xi32>, vector<16xi1> -> vector<16xi32>
      %reduce_max3A_2226 = arith.xori %reduce_max3A_2225, %reduce_max3A_2223 : vector<16xi32>
      %reduce_max3A_2227 = vector.extract %reduce_max3A_2226[15] : i32 from vector<16xi32>
      %mul3A_2228 = arith.constant 16 : i32
      %mul3A_2229 = arith.muli %add3A_14, %mul3A_2228 : i32
      %add3A_2230 = arith.constant 13 : i32
      %add3A_2231 = arith.addi %mul3A_2229, %add3A_2230 : i32
      %eq3A_2232 = arith.constant 0 : i32
      %eq3A_2233 = arith.cmpi eq, %reduce_max3A_2227, %eq3A_2232 : i32
      %jit3A_2234 = arith.constant 0.000000e+00 : f32
      %jit3A_2235 = arith.constant 3.12519524E-6 : f32
      %select_n3A_2236 = arith.select %eq3A_2233, %jit3A_2234, %jit3A_2235 : f32
      %jit3A_2237 = arith.constant 0.000000e+00 : f32
      %jit3A_2238 = arith.constant 0.899999976 : f32
      %select_n3A_2239 = arith.select %eq3A_2233, %jit3A_2237, %jit3A_2238 : f32
      %jit3A_2240 = arith.constant 128 : i32
      %div3A_2241 = arith.divsi %reduce_max3A_2227, %jit3A_2240 : i32
      %sign3A_2242 = arith.constant 0 : i32
      %sign3A_2243 = arith.cmpi sgt, %reduce_max3A_2227, %sign3A_2242 : i32
      %sign3A_2244 = arith.extui %sign3A_2243 : i1 to i32
      %sign3A_2245 = arith.constant 0 : i32
      %sign3A_2246 = arith.cmpi slt, %reduce_max3A_2227, %sign3A_2245 : i32
      %sign3A_2247 = arith.extui %sign3A_2246 : i1 to i32
      %sign3A_2248 = arith.subi %sign3A_2244, %sign3A_2247 : i32
      %sign3A_2249 = arith.constant 0 : i32
      %sign3A_2250 = arith.cmpi sgt, %jit3A_2240, %sign3A_2249 : i32
      %sign3A_2251 = arith.extui %sign3A_2250 : i1 to i32
      %sign3A_2252 = arith.constant 0 : i32
      %sign3A_2253 = arith.cmpi slt, %jit3A_2240, %sign3A_2252 : i32
      %sign3A_2254 = arith.extui %sign3A_2253 : i1 to i32
      %sign3A_2255 = arith.subi %sign3A_2251, %sign3A_2254 : i32
      %ne3A_2256 = arith.cmpi ne, %sign3A_2248, %sign3A_2255 : i32
      %rem3A_2257 = arith.remsi %reduce_max3A_2227, %jit3A_2240 : i32
      %ne3A_2258 = arith.constant 0 : i32
      %ne3A_2259 = arith.cmpi ne, %rem3A_2257, %ne3A_2258 : i32
      %and3A_2260 = arith.andi %ne3A_2256, %ne3A_2259 : i1
      %sub3A_2261 = arith.constant 1 : i32
      %sub3A_2262 = arith.subi %div3A_2241, %sub3A_2261 : i32
      %select_n3A_2263 = arith.select %and3A_2260, %sub3A_2262, %div3A_2241 : i32
      %mul3A_2264 = arith.constant 128 : i32
      %mul3A_2265 = arith.muli %select_n3A_2263, %mul3A_2264 : i32
      %multiple_of3A_2266 = tpu.assume_multiple %mul3A_2265, 128 : i32
      %jit3A_2267 = arith.constant 128 : i32
      %eq3A_2268 = arith.constant 0 : i32
      %eq3A_2269 = arith.cmpi eq, %jit3A_2267, %eq3A_2268 : i32
      %jit3A_2270 = arith.constant 1 : i32
      %select_n3A_2271 = arith.select %eq3A_2269, %jit3A_2270, %jit3A_2267 : i32
      %rem3A_2272 = arith.remsi %reduce_max3A_2227, %select_n3A_2271 : i32
      %ne3A_2273 = arith.constant 0 : i32
      %ne3A_2274 = arith.cmpi ne, %rem3A_2272, %ne3A_2273 : i32
      %lt3A_2275 = arith.constant 0 : i32
      %lt3A_2276 = arith.cmpi slt, %rem3A_2272, %lt3A_2275 : i32
      %lt3A_2277 = arith.constant 0 : i32
      %lt3A_2278 = arith.cmpi slt, %select_n3A_2271, %lt3A_2277 : i32
      %ne3A_2279 = arith.xori %lt3A_2276, %lt3A_2278 : i1
      %and3A_2280 = arith.andi %ne3A_2279, %ne3A_2274 : i1
      %add3A_2281 = arith.addi %rem3A_2272, %select_n3A_2271 : i32
      %select_n3A_2282 = arith.select %and3A_2280, %add3A_2281, %rem3A_2272 : i32
      %eq3A_2283 = arith.constant 0 : i32
      %eq3A_2284 = arith.cmpi eq, %multiple_of3A_2266, %eq3A_2283 : i32
      %jit3A_2285 = arith.constant 0 : i32
      %jit3A_2286 = arith.constant -1 : i32
      %select_n3A_2287 = arith.select %eq3A_2284, %jit3A_2285, %jit3A_2286 : i32
      %sub3A_2288 = arith.constant 0 : i32
      %sub3A_2289 = arith.subi %select_n3A_2282, %sub3A_2288 : i32
      %eq3A_2290 = vector.broadcast %sub3A_2289 : i32 to vector<16xi32>
      %eq3A_2291 = arith.cmpi eq, %iota3A, %eq3A_2290 : vector<16xi32>
      %broadcast_in_dim3A_2292 = vector.broadcast %select_n3A_2239 : f32 to vector<16xf32>
      %broadcast_in_dim3A_2293 = vector.broadcast %select_n3A_2236 : f32 to vector<16xf32>
      %select_n3A_2294 = arith.select %eq3A_2291, %broadcast_in_dim3A_2292, %broadcast_in_dim3A_2293 : vector<16xi1>, vector<16xf32>
      %eq3A_2295 = vector.broadcast %select_n3A_2287 : i32 to vector<16xi32>
      %eq3A_2296 = arith.cmpi eq, %iota3A, %eq3A_2295 : vector<16xi32>
      %jit3A_2297 = arith.constant 0.000000e+00 : f32
      %broadcast_in_dim3A_2298 = vector.broadcast %jit3A_2297 : f32 to vector<16xf32>
      %select_n3A_2299 = arith.select %eq3A_2296, %broadcast_in_dim3A_2298, %select_n3A_2294 : vector<16xi1>, vector<16xf32>
      %swap3A_2300 = arith.index_cast %add3A_2231 : i32 to index
      %swap3A_2301 = arith.constant 0 : index
      %swap3A_2302 = tpu.vector_load %arg6[%swap3A_2300, %swap3A_2301] {strides = array<i32>} : memref<128x128xf32, #tpu.memory_space<vmem>>, vector<16xf32>,
      tpu.vector_store %arg6[%swap3A_2300, %swap3A_2301], %select_n3A_2299 {strides = array<i32>} : memref<128x128xf32, #tpu.memory_space<vmem>>, vector<16xf32>,
      %sub3A_2303 = arith.constant 16 : i32
      %sub3A_2304 = arith.subi %select_n3A_2282, %sub3A_2303 : i32
      %eq3A_2305 = vector.broadcast %sub3A_2304 : i32 to vector<16xi32>
      %eq3A_2306 = arith.cmpi eq, %iota3A, %eq3A_2305 : vector<16xi32>
      %broadcast_in_dim3A_2307 = vector.broadcast %select_n3A_2239 : f32 to vector<16xf32>
      %broadcast_in_dim3A_2308 = vector.broadcast %select_n3A_2236 : f32 to vector<16xf32>
      %select_n3A_2309 = arith.select %eq3A_2306, %broadcast_in_dim3A_2307, %broadcast_in_dim3A_2308 : vector<16xi1>, vector<16xf32>
      %swap3A_2310 = arith.index_cast %add3A_2231 : i32 to index
      %swap3A_2311 = arith.constant 16 : index
      %swap3A_2312 = tpu.vector_load %arg6[%swap3A_2310, %swap3A_2311] {strides = array<i32>} : memref<128x128xf32, #tpu.memory_space<vmem>>, vector<16xf32>,
      tpu.vector_store %arg6[%swap3A_2310, %swap3A_2311], %select_n3A_2309 {strides = array<i32>} : memref<128x128xf32, #tpu.memory_space<vmem>>, vector<16xf32>,
      %sub3A_2313 = arith.constant 32 : i32
      %sub3A_2314 = arith.subi %select_n3A_2282, %sub3A_2313 : i32
      %eq3A_2315 = vector.broadcast %sub3A_2314 : i32 to vector<16xi32>
      %eq3A_2316 = arith.cmpi eq, %iota3A, %eq3A_2315 : vector<16xi32>
      %broadcast_in_dim3A_2317 = vector.broadcast %select_n3A_2239 : f32 to vector<16xf32>
      %broadcast_in_dim3A_2318 = vector.broadcast %select_n3A_2236 : f32 to vector<16xf32>
      %select_n3A_2319 = arith.select %eq3A_2316, %broadcast_in_dim3A_2317, %broadcast_in_dim3A_2318 : vector<16xi1>, vector<16xf32>
      %swap3A_2320 = arith.index_cast %add3A_2231 : i32 to index
      %swap3A_2321 = arith.constant 32 : index
      %swap3A_2322 = tpu.vector_load %arg6[%swap3A_2320, %swap3A_2321] {strides = array<i32>} : memref<128x128xf32, #tpu.memory_space<vmem>>, vector<16xf32>,
      tpu.vector_store %arg6[%swap3A_2320, %swap3A_2321], %select_n3A_2319 {strides = array<i32>} : memref<128x128xf32, #tpu.memory_space<vmem>>, vector<16xf32>,
      %sub3A_2323 = arith.constant 48 : i32
      %sub3A_2324 = arith.subi %select_n3A_2282, %sub3A_2323 : i32
      %eq3A_2325 = vector.broadcast %sub3A_2324 : i32 to vector<16xi32>
      %eq3A_2326 = arith.cmpi eq, %iota3A, %eq3A_2325 : vector<16xi32>
      %broadcast_in_dim3A_2327 = vector.broadcast %select_n3A_2239 : f32 to vector<16xf32>
      %broadcast_in_dim3A_2328 = vector.broadcast %select_n3A_2236 : f32 to vector<16xf32>
      %select_n3A_2329 = arith.select %eq3A_2326, %broadcast_in_dim3A_2327, %broadcast_in_dim3A_2328 : vector<16xi1>, vector<16xf32>
      %swap3A_2330 = arith.index_cast %add3A_2231 : i32 to index
      %swap3A_2331 = arith.constant 48 : index
      %swap3A_2332 = tpu.vector_load %arg6[%swap3A_2330, %swap3A_2331] {strides = array<i32>} : memref<128x128xf32, #tpu.memory_space<vmem>>, vector<16xf32>,
      tpu.vector_store %arg6[%swap3A_2330, %swap3A_2331], %select_n3A_2329 {strides = array<i32>} : memref<128x128xf32, #tpu.memory_space<vmem>>, vector<16xf32>,
      %sub3A_2333 = arith.constant 64 : i32
      %sub3A_2334 = arith.subi %select_n3A_2282, %sub3A_2333 : i32
      %eq3A_2335 = vector.broadcast %sub3A_2334 : i32 to vector<16xi32>
      %eq3A_2336 = arith.cmpi eq, %iota3A, %eq3A_2335 : vector<16xi32>
      %broadcast_in_dim3A_2337 = vector.broadcast %select_n3A_2239 : f32 to vector<16xf32>
      %broadcast_in_dim3A_2338 = vector.broadcast %select_n3A_2236 : f32 to vector<16xf32>
      %select_n3A_2339 = arith.select %eq3A_2336, %broadcast_in_dim3A_2337, %broadcast_in_dim3A_2338 : vector<16xi1>, vector<16xf32>
      %swap3A_2340 = arith.index_cast %add3A_2231 : i32 to index
      %swap3A_2341 = arith.constant 64 : index
      %swap3A_2342 = tpu.vector_load %arg6[%swap3A_2340, %swap3A_2341] {strides = array<i32>} : memref<128x128xf32, #tpu.memory_space<vmem>>, vector<16xf32>,
      tpu.vector_store %arg6[%swap3A_2340, %swap3A_2341], %select_n3A_2339 {strides = array<i32>} : memref<128x128xf32, #tpu.memory_space<vmem>>, vector<16xf32>,
      %sub3A_2343 = arith.constant 80 : i32
      %sub3A_2344 = arith.subi %select_n3A_2282, %sub3A_2343 : i32
      %eq3A_2345 = vector.broadcast %sub3A_2344 : i32 to vector<16xi32>
      %eq3A_2346 = arith.cmpi eq, %iota3A, %eq3A_2345 : vector<16xi32>
      %broadcast_in_dim3A_2347 = vector.broadcast %select_n3A_2239 : f32 to vector<16xf32>
      %broadcast_in_dim3A_2348 = vector.broadcast %select_n3A_2236 : f32 to vector<16xf32>
      %select_n3A_2349 = arith.select %eq3A_2346, %broadcast_in_dim3A_2347, %broadcast_in_dim3A_2348 : vector<16xi1>, vector<16xf32>
      %swap3A_2350 = arith.index_cast %add3A_2231 : i32 to index
      %swap3A_2351 = arith.constant 80 : index
      %swap3A_2352 = tpu.vector_load %arg6[%swap3A_2350, %swap3A_2351] {strides = array<i32>} : memref<128x128xf32, #tpu.memory_space<vmem>>, vector<16xf32>,
      tpu.vector_store %arg6[%swap3A_2350, %swap3A_2351], %select_n3A_2349 {strides = array<i32>} : memref<128x128xf32, #tpu.memory_space<vmem>>, vector<16xf32>,
      %sub3A_2353 = arith.constant 96 : i32
      %sub3A_2354 = arith.subi %select_n3A_2282, %sub3A_2353 : i32
      %eq3A_2355 = vector.broadcast %sub3A_2354 : i32 to vector<16xi32>
      %eq3A_2356 = arith.cmpi eq, %iota3A, %eq3A_2355 : vector<16xi32>
      %broadcast_in_dim3A_2357 = vector.broadcast %select_n3A_2239 : f32 to vector<16xf32>
      %broadcast_in_dim3A_2358 = vector.broadcast %select_n3A_2236 : f32 to vector<16xf32>
      %select_n3A_2359 = arith.select %eq3A_2356, %broadcast_in_dim3A_2357, %broadcast_in_dim3A_2358 : vector<16xi1>, vector<16xf32>
      %swap3A_2360 = arith.index_cast %add3A_2231 : i32 to index
      %swap3A_2361 = arith.constant 96 : index
      %swap3A_2362 = tpu.vector_load %arg6[%swap3A_2360, %swap3A_2361] {strides = array<i32>} : memref<128x128xf32, #tpu.memory_space<vmem>>, vector<16xf32>,
      tpu.vector_store %arg6[%swap3A_2360, %swap3A_2361], %select_n3A_2359 {strides = array<i32>} : memref<128x128xf32, #tpu.memory_space<vmem>>, vector<16xf32>,
      %sub3A_2363 = arith.constant 112 : i32
      %sub3A_2364 = arith.subi %select_n3A_2282, %sub3A_2363 : i32
      %eq3A_2365 = vector.broadcast %sub3A_2364 : i32 to vector<16xi32>
      %eq3A_2366 = arith.cmpi eq, %iota3A, %eq3A_2365 : vector<16xi32>
      %broadcast_in_dim3A_2367 = vector.broadcast %select_n3A_2239 : f32 to vector<16xf32>
      %broadcast_in_dim3A_2368 = vector.broadcast %select_n3A_2236 : f32 to vector<16xf32>
      %select_n3A_2369 = arith.select %eq3A_2366, %broadcast_in_dim3A_2367, %broadcast_in_dim3A_2368 : vector<16xi1>, vector<16xf32>
      %swap3A_2370 = arith.index_cast %add3A_2231 : i32 to index
      %swap3A_2371 = arith.constant 112 : index
      %swap3A_2372 = tpu.vector_load %arg6[%swap3A_2370, %swap3A_2371] {strides = array<i32>} : memref<128x128xf32, #tpu.memory_space<vmem>>, vector<16xf32>,
      tpu.vector_store %arg6[%swap3A_2370, %swap3A_2371], %select_n3A_2369 {strides = array<i32>} : memref<128x128xf32, #tpu.memory_space<vmem>>, vector<16xf32>,
      %add3A_2373 = arith.addi %mul3A_2, %add3A_2231 : i32
      %dma_start3A_2374 = arith.constant 0 : i32
      %dma_start3A_2375 = tpu.memref_slice %arg6[%add3A_2231, %dma_start3A_2374] : memref<128x128xf32, #tpu.memory_space<vmem>> -> memref<1x128xf32, #tpu.memory_space<vmem>>
      %dma_start3A_2376 = tpu.memref_squeeze %dma_start3A_2375 : memref<1x128xf32, #tpu.memory_space<vmem>> -> memref<128xf32, #tpu.memory_space<vmem>>
      %dma_start3A_2377 = tpu.memref_slice %arg3[%add3A_2373, %multiple_of3A_2266] : memref<4096x32000xf32, #tpu.memory_space<hbm>> -> memref<1x128xf32, #tpu.memory_space<hbm>>
      %dma_start3A_2378 = tpu.memref_squeeze %dma_start3A_2377 : memref<1x128xf32, #tpu.memory_space<hbm>> -> memref<128xf32, #tpu.memory_space<hbm>>
      %dma_start3A_2379 = tpu.memref_slice %arg3[%add3A_2373, %multiple_of3A_2266] : memref<4096x32000xf32, #tpu.memory_space<hbm>> -> memref<1x128xf32, #tpu.memory_space<hbm>>
      %dma_start3A_2380 = tpu.memref_squeeze %dma_start3A_2379 : memref<1x128xf32, #tpu.memory_space<hbm>> -> memref<128xf32, #tpu.memory_space<hbm>>
      %dma_start3A_2381 = arith.constant 0 : i32
      %dma_start3A_2382 = tpu.memref_slice %arg6[%add3A_2231, %dma_start3A_2381] : memref<128x128xf32, #tpu.memory_space<vmem>> -> memref<1x128xf32, #tpu.memory_space<vmem>>
      %dma_start3A_2383 = tpu.memref_squeeze %dma_start3A_2382 : memref<1x128xf32, #tpu.memory_space<vmem>> -> memref<128xf32, #tpu.memory_space<vmem>>
      tpu.enqueue_dma source(%dma_start3A_2383 : memref<128xf32, #tpu.memory_space<vmem>>) target(%dma_start3A_2380 : memref<128xf32, #tpu.memory_space<hbm>>) target_semaphore(%arg7 : memref<!tpu.dma_semaphore, #tpu.memory_space<semaphore_mem>>)
      %eq3A_2384 = arith.constant 14 : i32
      %eq3A_2385 = vector.broadcast %eq3A_2384 : i32 to vector<16xi32>
      %eq3A_2386 = arith.cmpi eq, %iota3A, %eq3A_2385 : vector<16xi32>
      %jit3A_2387 = arith.constant 0 : i32
      %broadcast_in_dim3A_2388 = vector.broadcast %jit3A_2387 : i32 to vector<16xi32>
      %select_n3A_2389 = arith.select %eq3A_2386, %get3A_17, %broadcast_in_dim3A_2388 : vector<16xi1>, vector<16xi32>
      %reduce_max3A_2390 = arith.constant true
      %reduce_max3A_2391 = vector.broadcast %reduce_max3A_2390 : i1 to vector<16xi1>
      %reduce_max3A_2392 = arith.constant -2147483648 : i32
      %reduce_max3A_2393 = vector.broadcast %reduce_max3A_2392 : i32 to vector<16xi32>
      %reduce_max3A_2394 = arith.xori %select_n3A_2389, %reduce_max3A_2393 : vector<16xi32>
      %reduce_max3A_2395 = tpu.scan <max>, %reduce_max3A_2394 masked %reduce_max3A_2391 : vector<16xi32>, vector<16xi1> -> vector<16xi32>
      %reduce_max3A_2396 = arith.xori %reduce_max3A_2395, %reduce_max3A_2393 : vector<16xi32>
      %reduce_max3A_2397 = vector.extract %reduce_max3A_2396[15] : i32 from vector<16xi32>
      %mul3A_2398 = arith.constant 16 : i32
      %mul3A_2399 = arith.muli %add3A_14, %mul3A_2398 : i32
      %add3A_2400 = arith.constant 14 : i32
      %add3A_2401 = arith.addi %mul3A_2399, %add3A_2400 : i32
      %eq3A_2402 = arith.constant 0 : i32
      %eq3A_2403 = arith.cmpi eq, %reduce_max3A_2397, %eq3A_2402 : i32
      %jit3A_2404 = arith.constant 0.000000e+00 : f32
      %jit3A_2405 = arith.constant 3.12519524E-6 : f32
      %select_n3A_2406 = arith.select %eq3A_2403, %jit3A_2404, %jit3A_2405 : f32
      %jit3A_2407 = arith.constant 0.000000e+00 : f32
      %jit3A_2408 = arith.constant 0.899999976 : f32
      %select_n3A_2409 = arith.select %eq3A_2403, %jit3A_2407, %jit3A_2408 : f32
      %jit3A_2410 = arith.constant 128 : i32
      %div3A_2411 = arith.divsi %reduce_max3A_2397, %jit3A_2410 : i32
      %sign3A_2412 = arith.constant 0 : i32
      %sign3A_2413 = arith.cmpi sgt, %reduce_max3A_2397, %sign3A_2412 : i32
      %sign3A_2414 = arith.extui %sign3A_2413 : i1 to i32
      %sign3A_2415 = arith.constant 0 : i32
      %sign3A_2416 = arith.cmpi slt, %reduce_max3A_2397, %sign3A_2415 : i32
      %sign3A_2417 = arith.extui %sign3A_2416 : i1 to i32
      %sign3A_2418 = arith.subi %sign3A_2414, %sign3A_2417 : i32
      %sign3A_2419 = arith.constant 0 : i32
      %sign3A_2420 = arith.cmpi sgt, %jit3A_2410, %sign3A_2419 : i32
      %sign3A_2421 = arith.extui %sign3A_2420 : i1 to i32
      %sign3A_2422 = arith.constant 0 : i32
      %sign3A_2423 = arith.cmpi slt, %jit3A_2410, %sign3A_2422 : i32
      %sign3A_2424 = arith.extui %sign3A_2423 : i1 to i32
      %sign3A_2425 = arith.subi %sign3A_2421, %sign3A_2424 : i32
      %ne3A_2426 = arith.cmpi ne, %sign3A_2418, %sign3A_2425 : i32
      %rem3A_2427 = arith.remsi %reduce_max3A_2397, %jit3A_2410 : i32
      %ne3A_2428 = arith.constant 0 : i32
      %ne3A_2429 = arith.cmpi ne, %rem3A_2427, %ne3A_2428 : i32
      %and3A_2430 = arith.andi %ne3A_2426, %ne3A_2429 : i1
      %sub3A_2431 = arith.constant 1 : i32
      %sub3A_2432 = arith.subi %div3A_2411, %sub3A_2431 : i32
      %select_n3A_2433 = arith.select %and3A_2430, %sub3A_2432, %div3A_2411 : i32
      %mul3A_2434 = arith.constant 128 : i32
      %mul3A_2435 = arith.muli %select_n3A_2433, %mul3A_2434 : i32
      %multiple_of3A_2436 = tpu.assume_multiple %mul3A_2435, 128 : i32
      %jit3A_2437 = arith.constant 128 : i32
      %eq3A_2438 = arith.constant 0 : i32
      %eq3A_2439 = arith.cmpi eq, %jit3A_2437, %eq3A_2438 : i32
      %jit3A_2440 = arith.constant 1 : i32
      %select_n3A_2441 = arith.select %eq3A_2439, %jit3A_2440, %jit3A_2437 : i32
      %rem3A_2442 = arith.remsi %reduce_max3A_2397, %select_n3A_2441 : i32
      %ne3A_2443 = arith.constant 0 : i32
      %ne3A_2444 = arith.cmpi ne, %rem3A_2442, %ne3A_2443 : i32
      %lt3A_2445 = arith.constant 0 : i32
      %lt3A_2446 = arith.cmpi slt, %rem3A_2442, %lt3A_2445 : i32
      %lt3A_2447 = arith.constant 0 : i32
      %lt3A_2448 = arith.cmpi slt, %select_n3A_2441, %lt3A_2447 : i32
      %ne3A_2449 = arith.xori %lt3A_2446, %lt3A_2448 : i1
      %and3A_2450 = arith.andi %ne3A_2449, %ne3A_2444 : i1
      %add3A_2451 = arith.addi %rem3A_2442, %select_n3A_2441 : i32
      %select_n3A_2452 = arith.select %and3A_2450, %add3A_2451, %rem3A_2442 : i32
      %eq3A_2453 = arith.constant 0 : i32
      %eq3A_2454 = arith.cmpi eq, %multiple_of3A_2436, %eq3A_2453 : i32
      %jit3A_2455 = arith.constant 0 : i32
      %jit3A_2456 = arith.constant -1 : i32
      %select_n3A_2457 = arith.select %eq3A_2454, %jit3A_2455, %jit3A_2456 : i32
      %sub3A_2458 = arith.constant 0 : i32
      %sub3A_2459 = arith.subi %select_n3A_2452, %sub3A_2458 : i32
      %eq3A_2460 = vector.broadcast %sub3A_2459 : i32 to vector<16xi32>
      %eq3A_2461 = arith.cmpi eq, %iota3A, %eq3A_2460 : vector<16xi32>
      %broadcast_in_dim3A_2462 = vector.broadcast %select_n3A_2409 : f32 to vector<16xf32>
      %broadcast_in_dim3A_2463 = vector.broadcast %select_n3A_2406 : f32 to vector<16xf32>
      %select_n3A_2464 = arith.select %eq3A_2461, %broadcast_in_dim3A_2462, %broadcast_in_dim3A_2463 : vector<16xi1>, vector<16xf32>
      %eq3A_2465 = vector.broadcast %select_n3A_2457 : i32 to vector<16xi32>
      %eq3A_2466 = arith.cmpi eq, %iota3A, %eq3A_2465 : vector<16xi32>
      %jit3A_2467 = arith.constant 0.000000e+00 : f32
      %broadcast_in_dim3A_2468 = vector.broadcast %jit3A_2467 : f32 to vector<16xf32>
      %select_n3A_2469 = arith.select %eq3A_2466, %broadcast_in_dim3A_2468, %select_n3A_2464 : vector<16xi1>, vector<16xf32>
      %swap3A_2470 = arith.index_cast %add3A_2401 : i32 to index
      %swap3A_2471 = arith.constant 0 : index
      %swap3A_2472 = tpu.vector_load %arg6[%swap3A_2470, %swap3A_2471] {strides = array<i32>} : memref<128x128xf32, #tpu.memory_space<vmem>>, vector<16xf32>,
      tpu.vector_store %arg6[%swap3A_2470, %swap3A_2471], %select_n3A_2469 {strides = array<i32>} : memref<128x128xf32, #tpu.memory_space<vmem>>, vector<16xf32>,
      %sub3A_2473 = arith.constant 16 : i32
      %sub3A_2474 = arith.subi %select_n3A_2452, %sub3A_2473 : i32
      %eq3A_2475 = vector.broadcast %sub3A_2474 : i32 to vector<16xi32>
      %eq3A_2476 = arith.cmpi eq, %iota3A, %eq3A_2475 : vector<16xi32>
      %broadcast_in_dim3A_2477 = vector.broadcast %select_n3A_2409 : f32 to vector<16xf32>
      %broadcast_in_dim3A_2478 = vector.broadcast %select_n3A_2406 : f32 to vector<16xf32>
      %select_n3A_2479 = arith.select %eq3A_2476, %broadcast_in_dim3A_2477, %broadcast_in_dim3A_2478 : vector<16xi1>, vector<16xf32>
      %swap3A_2480 = arith.index_cast %add3A_2401 : i32 to index
      %swap3A_2481 = arith.constant 16 : index
      %swap3A_2482 = tpu.vector_load %arg6[%swap3A_2480, %swap3A_2481] {strides = array<i32>} : memref<128x128xf32, #tpu.memory_space<vmem>>, vector<16xf32>,
      tpu.vector_store %arg6[%swap3A_2480, %swap3A_2481], %select_n3A_2479 {strides = array<i32>} : memref<128x128xf32, #tpu.memory_space<vmem>>, vector<16xf32>,
      %sub3A_2483 = arith.constant 32 : i32
      %sub3A_2484 = arith.subi %select_n3A_2452, %sub3A_2483 : i32
      %eq3A_2485 = vector.broadcast %sub3A_2484 : i32 to vector<16xi32>
      %eq3A_2486 = arith.cmpi eq, %iota3A, %eq3A_2485 : vector<16xi32>
      %broadcast_in_dim3A_2487 = vector.broadcast %select_n3A_2409 : f32 to vector<16xf32>
      %broadcast_in_dim3A_2488 = vector.broadcast %select_n3A_2406 : f32 to vector<16xf32>
      %select_n3A_2489 = arith.select %eq3A_2486, %broadcast_in_dim3A_2487, %broadcast_in_dim3A_2488 : vector<16xi1>, vector<16xf32>
      %swap3A_2490 = arith.index_cast %add3A_2401 : i32 to index
      %swap3A_2491 = arith.constant 32 : index
      %swap3A_2492 = tpu.vector_load %arg6[%swap3A_2490, %swap3A_2491] {strides = array<i32>} : memref<128x128xf32, #tpu.memory_space<vmem>>, vector<16xf32>,
      tpu.vector_store %arg6[%swap3A_2490, %swap3A_2491], %select_n3A_2489 {strides = array<i32>} : memref<128x128xf32, #tpu.memory_space<vmem>>, vector<16xf32>,
      %sub3A_2493 = arith.constant 48 : i32
      %sub3A_2494 = arith.subi %select_n3A_2452, %sub3A_2493 : i32
      %eq3A_2495 = vector.broadcast %sub3A_2494 : i32 to vector<16xi32>
      %eq3A_2496 = arith.cmpi eq, %iota3A, %eq3A_2495 : vector<16xi32>
      %broadcast_in_dim3A_2497 = vector.broadcast %select_n3A_2409 : f32 to vector<16xf32>
      %broadcast_in_dim3A_2498 = vector.broadcast %select_n3A_2406 : f32 to vector<16xf32>
      %select_n3A_2499 = arith.select %eq3A_2496, %broadcast_in_dim3A_2497, %broadcast_in_dim3A_2498 : vector<16xi1>, vector<16xf32>
      %swap3A_2500 = arith.index_cast %add3A_2401 : i32 to index
      %swap3A_2501 = arith.constant 48 : index
      %swap3A_2502 = tpu.vector_load %arg6[%swap3A_2500, %swap3A_2501] {strides = array<i32>} : memref<128x128xf32, #tpu.memory_space<vmem>>, vector<16xf32>,
      tpu.vector_store %arg6[%swap3A_2500, %swap3A_2501], %select_n3A_2499 {strides = array<i32>} : memref<128x128xf32, #tpu.memory_space<vmem>>, vector<16xf32>,
      %sub3A_2503 = arith.constant 64 : i32
      %sub3A_2504 = arith.subi %select_n3A_2452, %sub3A_2503 : i32
      %eq3A_2505 = vector.broadcast %sub3A_2504 : i32 to vector<16xi32>
      %eq3A_2506 = arith.cmpi eq, %iota3A, %eq3A_2505 : vector<16xi32>
      %broadcast_in_dim3A_2507 = vector.broadcast %select_n3A_2409 : f32 to vector<16xf32>
      %broadcast_in_dim3A_2508 = vector.broadcast %select_n3A_2406 : f32 to vector<16xf32>
      %select_n3A_2509 = arith.select %eq3A_2506, %broadcast_in_dim3A_2507, %broadcast_in_dim3A_2508 : vector<16xi1>, vector<16xf32>
      %swap3A_2510 = arith.index_cast %add3A_2401 : i32 to index
      %swap3A_2511 = arith.constant 64 : index
      %swap3A_2512 = tpu.vector_load %arg6[%swap3A_2510, %swap3A_2511] {strides = array<i32>} : memref<128x128xf32, #tpu.memory_space<vmem>>, vector<16xf32>,
      tpu.vector_store %arg6[%swap3A_2510, %swap3A_2511], %select_n3A_2509 {strides = array<i32>} : memref<128x128xf32, #tpu.memory_space<vmem>>, vector<16xf32>,
      %sub3A_2513 = arith.constant 80 : i32
      %sub3A_2514 = arith.subi %select_n3A_2452, %sub3A_2513 : i32
      %eq3A_2515 = vector.broadcast %sub3A_2514 : i32 to vector<16xi32>
      %eq3A_2516 = arith.cmpi eq, %iota3A, %eq3A_2515 : vector<16xi32>
      %broadcast_in_dim3A_2517 = vector.broadcast %select_n3A_2409 : f32 to vector<16xf32>
      %broadcast_in_dim3A_2518 = vector.broadcast %select_n3A_2406 : f32 to vector<16xf32>
      %select_n3A_2519 = arith.select %eq3A_2516, %broadcast_in_dim3A_2517, %broadcast_in_dim3A_2518 : vector<16xi1>, vector<16xf32>
      %swap3A_2520 = arith.index_cast %add3A_2401 : i32 to index
      %swap3A_2521 = arith.constant 80 : index
      %swap3A_2522 = tpu.vector_load %arg6[%swap3A_2520, %swap3A_2521] {strides = array<i32>} : memref<128x128xf32, #tpu.memory_space<vmem>>, vector<16xf32>,
      tpu.vector_store %arg6[%swap3A_2520, %swap3A_2521], %select_n3A_2519 {strides = array<i32>} : memref<128x128xf32, #tpu.memory_space<vmem>>, vector<16xf32>,
      %sub3A_2523 = arith.constant 96 : i32
      %sub3A_2524 = arith.subi %select_n3A_2452, %sub3A_2523 : i32
      %eq3A_2525 = vector.broadcast %sub3A_2524 : i32 to vector<16xi32>
      %eq3A_2526 = arith.cmpi eq, %iota3A, %eq3A_2525 : vector<16xi32>
      %broadcast_in_dim3A_2527 = vector.broadcast %select_n3A_2409 : f32 to vector<16xf32>
      %broadcast_in_dim3A_2528 = vector.broadcast %select_n3A_2406 : f32 to vector<16xf32>
      %select_n3A_2529 = arith.select %eq3A_2526, %broadcast_in_dim3A_2527, %broadcast_in_dim3A_2528 : vector<16xi1>, vector<16xf32>
      %swap3A_2530 = arith.index_cast %add3A_2401 : i32 to index
      %swap3A_2531 = arith.constant 96 : index
      %swap3A_2532 = tpu.vector_load %arg6[%swap3A_2530, %swap3A_2531] {strides = array<i32>} : memref<128x128xf32, #tpu.memory_space<vmem>>, vector<16xf32>,
      tpu.vector_store %arg6[%swap3A_2530, %swap3A_2531], %select_n3A_2529 {strides = array<i32>} : memref<128x128xf32, #tpu.memory_space<vmem>>, vector<16xf32>,
      %sub3A_2533 = arith.constant 112 : i32
      %sub3A_2534 = arith.subi %select_n3A_2452, %sub3A_2533 : i32
      %eq3A_2535 = vector.broadcast %sub3A_2534 : i32 to vector<16xi32>
      %eq3A_2536 = arith.cmpi eq, %iota3A, %eq3A_2535 : vector<16xi32>
      %broadcast_in_dim3A_2537 = vector.broadcast %select_n3A_2409 : f32 to vector<16xf32>
      %broadcast_in_dim3A_2538 = vector.broadcast %select_n3A_2406 : f32 to vector<16xf32>
      %select_n3A_2539 = arith.select %eq3A_2536, %broadcast_in_dim3A_2537, %broadcast_in_dim3A_2538 : vector<16xi1>, vector<16xf32>
      %swap3A_2540 = arith.index_cast %add3A_2401 : i32 to index
      %swap3A_2541 = arith.constant 112 : index
      %swap3A_2542 = tpu.vector_load %arg6[%swap3A_2540, %swap3A_2541] {strides = array<i32>} : memref<128x128xf32, #tpu.memory_space<vmem>>, vector<16xf32>,
      tpu.vector_store %arg6[%swap3A_2540, %swap3A_2541], %select_n3A_2539 {strides = array<i32>} : memref<128x128xf32, #tpu.memory_space<vmem>>, vector<16xf32>,
      %add3A_2543 = arith.addi %mul3A_2, %add3A_2401 : i32
      %dma_start3A_2544 = arith.constant 0 : i32
      %dma_start3A_2545 = tpu.memref_slice %arg6[%add3A_2401, %dma_start3A_2544] : memref<128x128xf32, #tpu.memory_space<vmem>> -> memref<1x128xf32, #tpu.memory_space<vmem>>
      %dma_start3A_2546 = tpu.memref_squeeze %dma_start3A_2545 : memref<1x128xf32, #tpu.memory_space<vmem>> -> memref<128xf32, #tpu.memory_space<vmem>>
      %dma_start3A_2547 = tpu.memref_slice %arg3[%add3A_2543, %multiple_of3A_2436] : memref<4096x32000xf32, #tpu.memory_space<hbm>> -> memref<1x128xf32, #tpu.memory_space<hbm>>
      %dma_start3A_2548 = tpu.memref_squeeze %dma_start3A_2547 : memref<1x128xf32, #tpu.memory_space<hbm>> -> memref<128xf32, #tpu.memory_space<hbm>>
      %dma_start3A_2549 = tpu.memref_slice %arg3[%add3A_2543, %multiple_of3A_2436] : memref<4096x32000xf32, #tpu.memory_space<hbm>> -> memref<1x128xf32, #tpu.memory_space<hbm>>
      %dma_start3A_2550 = tpu.memref_squeeze %dma_start3A_2549 : memref<1x128xf32, #tpu.memory_space<hbm>> -> memref<128xf32, #tpu.memory_space<hbm>>
      %dma_start3A_2551 = arith.constant 0 : i32
      %dma_start3A_2552 = tpu.memref_slice %arg6[%add3A_2401, %dma_start3A_2551] : memref<128x128xf32, #tpu.memory_space<vmem>> -> memref<1x128xf32, #tpu.memory_space<vmem>>
      %dma_start3A_2553 = tpu.memref_squeeze %dma_start3A_2552 : memref<1x128xf32, #tpu.memory_space<vmem>> -> memref<128xf32, #tpu.memory_space<vmem>>
      tpu.enqueue_dma source(%dma_start3A_2553 : memref<128xf32, #tpu.memory_space<vmem>>) target(%dma_start3A_2550 : memref<128xf32, #tpu.memory_space<hbm>>) target_semaphore(%arg7 : memref<!tpu.dma_semaphore, #tpu.memory_space<semaphore_mem>>)
      %eq3A_2554 = arith.constant 15 : i32
      %eq3A_2555 = vector.broadcast %eq3A_2554 : i32 to vector<16xi32>
      %eq3A_2556 = arith.cmpi eq, %iota3A, %eq3A_2555 : vector<16xi32>
      %jit3A_2557 = arith.constant 0 : i32
      %broadcast_in_dim3A_2558 = vector.broadcast %jit3A_2557 : i32 to vector<16xi32>
      %select_n3A_2559 = arith.select %eq3A_2556, %get3A_17, %broadcast_in_dim3A_2558 : vector<16xi1>, vector<16xi32>
      %reduce_max3A_2560 = arith.constant true
      %reduce_max3A_2561 = vector.broadcast %reduce_max3A_2560 : i1 to vector<16xi1>
      %reduce_max3A_2562 = arith.constant -2147483648 : i32
      %reduce_max3A_2563 = vector.broadcast %reduce_max3A_2562 : i32 to vector<16xi32>
      %reduce_max3A_2564 = arith.xori %select_n3A_2559, %reduce_max3A_2563 : vector<16xi32>
      %reduce_max3A_2565 = tpu.scan <max>, %reduce_max3A_2564 masked %reduce_max3A_2561 : vector<16xi32>, vector<16xi1> -> vector<16xi32>
      %reduce_max3A_2566 = arith.xori %reduce_max3A_2565, %reduce_max3A_2563 : vector<16xi32>
      %reduce_max3A_2567 = vector.extract %reduce_max3A_2566[15] : i32 from vector<16xi32>
      %mul3A_2568 = arith.constant 16 : i32
      %mul3A_2569 = arith.muli %add3A_14, %mul3A_2568 : i32
      %add3A_2570 = arith.constant 15 : i32
      %add3A_2571 = arith.addi %mul3A_2569, %add3A_2570 : i32
      %eq3A_2572 = arith.constant 0 : i32
      %eq3A_2573 = arith.cmpi eq, %reduce_max3A_2567, %eq3A_2572 : i32
      %jit3A_2574 = arith.constant 0.000000e+00 : f32
      %jit3A_2575 = arith.constant 3.12519524E-6 : f32
      %select_n3A_2576 = arith.select %eq3A_2573, %jit3A_2574, %jit3A_2575 : f32
      %jit3A_2577 = arith.constant 0.000000e+00 : f32
      %jit3A_2578 = arith.constant 0.899999976 : f32
      %select_n3A_2579 = arith.select %eq3A_2573, %jit3A_2577, %jit3A_2578 : f32
      %jit3A_2580 = arith.constant 128 : i32
      %div3A_2581 = arith.divsi %reduce_max3A_2567, %jit3A_2580 : i32
      %sign3A_2582 = arith.constant 0 : i32
      %sign3A_2583 = arith.cmpi sgt, %reduce_max3A_2567, %sign3A_2582 : i32
      %sign3A_2584 = arith.extui %sign3A_2583 : i1 to i32
      %sign3A_2585 = arith.constant 0 : i32
      %sign3A_2586 = arith.cmpi slt, %reduce_max3A_2567, %sign3A_2585 : i32
      %sign3A_2587 = arith.extui %sign3A_2586 : i1 to i32
      %sign3A_2588 = arith.subi %sign3A_2584, %sign3A_2587 : i32
      %sign3A_2589 = arith.constant 0 : i32
      %sign3A_2590 = arith.cmpi sgt, %jit3A_2580, %sign3A_2589 : i32
      %sign3A_2591 = arith.extui %sign3A_2590 : i1 to i32
      %sign3A_2592 = arith.constant 0 : i32
      %sign3A_2593 = arith.cmpi slt, %jit3A_2580, %sign3A_2592 : i32
      %sign3A_2594 = arith.extui %sign3A_2593 : i1 to i32
      %sign3A_2595 = arith.subi %sign3A_2591, %sign3A_2594 : i32
      %ne3A_2596 = arith.cmpi ne, %sign3A_2588, %sign3A_2595 : i32
      %rem3A_2597 = arith.remsi %reduce_max3A_2567, %jit3A_2580 : i32
      %ne3A_2598 = arith.constant 0 : i32
      %ne3A_2599 = arith.cmpi ne, %rem3A_2597, %ne3A_2598 : i32
      %and3A_2600 = arith.andi %ne3A_2596, %ne3A_2599 : i1
      %sub3A_2601 = arith.constant 1 : i32
      %sub3A_2602 = arith.subi %div3A_2581, %sub3A_2601 : i32
      %select_n3A_2603 = arith.select %and3A_2600, %sub3A_2602, %div3A_2581 : i32
      %mul3A_2604 = arith.constant 128 : i32
      %mul3A_2605 = arith.muli %select_n3A_2603, %mul3A_2604 : i32
      %multiple_of3A_2606 = tpu.assume_multiple %mul3A_2605, 128 : i32
      %jit3A_2607 = arith.constant 128 : i32
      %eq3A_2608 = arith.constant 0 : i32
      %eq3A_2609 = arith.cmpi eq, %jit3A_2607, %eq3A_2608 : i32
      %jit3A_2610 = arith.constant 1 : i32
      %select_n3A_2611 = arith.select %eq3A_2609, %jit3A_2610, %jit3A_2607 : i32
      %rem3A_2612 = arith.remsi %reduce_max3A_2567, %select_n3A_2611 : i32
      %ne3A_2613 = arith.constant 0 : i32
      %ne3A_2614 = arith.cmpi ne, %rem3A_2612, %ne3A_2613 : i32
      %lt3A_2615 = arith.constant 0 : i32
      %lt3A_2616 = arith.cmpi slt, %rem3A_2612, %lt3A_2615 : i32
      %lt3A_2617 = arith.constant 0 : i32
      %lt3A_2618 = arith.cmpi slt, %select_n3A_2611, %lt3A_2617 : i32
      %ne3A_2619 = arith.xori %lt3A_2616, %lt3A_2618 : i1
      %and3A_2620 = arith.andi %ne3A_2619, %ne3A_2614 : i1
      %add3A_2621 = arith.addi %rem3A_2612, %select_n3A_2611 : i32
      %select_n3A_2622 = arith.select %and3A_2620, %add3A_2621, %rem3A_2612 : i32
      %eq3A_2623 = arith.constant 0 : i32
      %eq3A_2624 = arith.cmpi eq, %multiple_of3A_2606, %eq3A_2623 : i32
      %jit3A_2625 = arith.constant 0 : i32
      %jit3A_2626 = arith.constant -1 : i32
      %select_n3A_2627 = arith.select %eq3A_2624, %jit3A_2625, %jit3A_2626 : i32
      %sub3A_2628 = arith.constant 0 : i32
      %sub3A_2629 = arith.subi %select_n3A_2622, %sub3A_2628 : i32
      %eq3A_2630 = vector.broadcast %sub3A_2629 : i32 to vector<16xi32>
      %eq3A_2631 = arith.cmpi eq, %iota3A, %eq3A_2630 : vector<16xi32>
      %broadcast_in_dim3A_2632 = vector.broadcast %select_n3A_2579 : f32 to vector<16xf32>
      %broadcast_in_dim3A_2633 = vector.broadcast %select_n3A_2576 : f32 to vector<16xf32>
      %select_n3A_2634 = arith.select %eq3A_2631, %broadcast_in_dim3A_2632, %broadcast_in_dim3A_2633 : vector<16xi1>, vector<16xf32>
      %eq3A_2635 = vector.broadcast %select_n3A_2627 : i32 to vector<16xi32>
      %eq3A_2636 = arith.cmpi eq, %iota3A, %eq3A_2635 : vector<16xi32>
      %jit3A_2637 = arith.constant 0.000000e+00 : f32
      %broadcast_in_dim3A_2638 = vector.broadcast %jit3A_2637 : f32 to vector<16xf32>
      %select_n3A_2639 = arith.select %eq3A_2636, %broadcast_in_dim3A_2638, %select_n3A_2634 : vector<16xi1>, vector<16xf32>
      %swap3A_2640 = arith.index_cast %add3A_2571 : i32 to index
      %swap3A_2641 = arith.constant 0 : index
      %swap3A_2642 = tpu.vector_load %arg6[%swap3A_2640, %swap3A_2641] {strides = array<i32>} : memref<128x128xf32, #tpu.memory_space<vmem>>, vector<16xf32>,
      tpu.vector_store %arg6[%swap3A_2640, %swap3A_2641], %select_n3A_2639 {strides = array<i32>} : memref<128x128xf32, #tpu.memory_space<vmem>>, vector<16xf32>,
      %sub3A_2643 = arith.constant 16 : i32
      %sub3A_2644 = arith.subi %select_n3A_2622, %sub3A_2643 : i32
      %eq3A_2645 = vector.broadcast %sub3A_2644 : i32 to vector<16xi32>
      %eq3A_2646 = arith.cmpi eq, %iota3A, %eq3A_2645 : vector<16xi32>
      %broadcast_in_dim3A_2647 = vector.broadcast %select_n3A_2579 : f32 to vector<16xf32>
      %broadcast_in_dim3A_2648 = vector.broadcast %select_n3A_2576 : f32 to vector<16xf32>
      %select_n3A_2649 = arith.select %eq3A_2646, %broadcast_in_dim3A_2647, %broadcast_in_dim3A_2648 : vector<16xi1>, vector<16xf32>
      %swap3A_2650 = arith.index_cast %add3A_2571 : i32 to index
      %swap3A_2651 = arith.constant 16 : index
      %swap3A_2652 = tpu.vector_load %arg6[%swap3A_2650, %swap3A_2651] {strides = array<i32>} : memref<128x128xf32, #tpu.memory_space<vmem>>, vector<16xf32>,
      tpu.vector_store %arg6[%swap3A_2650, %swap3A_2651], %select_n3A_2649 {strides = array<i32>} : memref<128x128xf32, #tpu.memory_space<vmem>>, vector<16xf32>,
      %sub3A_2653 = arith.constant 32 : i32
      %sub3A_2654 = arith.subi %select_n3A_2622, %sub3A_2653 : i32
      %eq3A_2655 = vector.broadcast %sub3A_2654 : i32 to vector<16xi32>
      %eq3A_2656 = arith.cmpi eq, %iota3A, %eq3A_2655 : vector<16xi32>
      %broadcast_in_dim3A_2657 = vector.broadcast %select_n3A_2579 : f32 to vector<16xf32>
      %broadcast_in_dim3A_2658 = vector.broadcast %select_n3A_2576 : f32 to vector<16xf32>
      %select_n3A_2659 = arith.select %eq3A_2656, %broadcast_in_dim3A_2657, %broadcast_in_dim3A_2658 : vector<16xi1>, vector<16xf32>
      %swap3A_2660 = arith.index_cast %add3A_2571 : i32 to index
      %swap3A_2661 = arith.constant 32 : index
      %swap3A_2662 = tpu.vector_load %arg6[%swap3A_2660, %swap3A_2661] {strides = array<i32>} : memref<128x128xf32, #tpu.memory_space<vmem>>, vector<16xf32>,
      tpu.vector_store %arg6[%swap3A_2660, %swap3A_2661], %select_n3A_2659 {strides = array<i32>} : memref<128x128xf32, #tpu.memory_space<vmem>>, vector<16xf32>,
      %sub3A_2663 = arith.constant 48 : i32
      %sub3A_2664 = arith.subi %select_n3A_2622, %sub3A_2663 : i32
      %eq3A_2665 = vector.broadcast %sub3A_2664 : i32 to vector<16xi32>
      %eq3A_2666 = arith.cmpi eq, %iota3A, %eq3A_2665 : vector<16xi32>
      %broadcast_in_dim3A_2667 = vector.broadcast %select_n3A_2579 : f32 to vector<16xf32>
      %broadcast_in_dim3A_2668 = vector.broadcast %select_n3A_2576 : f32 to vector<16xf32>
      %select_n3A_2669 = arith.select %eq3A_2666, %broadcast_in_dim3A_2667, %broadcast_in_dim3A_2668 : vector<16xi1>, vector<16xf32>
      %swap3A_2670 = arith.index_cast %add3A_2571 : i32 to index
      %swap3A_2671 = arith.constant 48 : index
      %swap3A_2672 = tpu.vector_load %arg6[%swap3A_2670, %swap3A_2671] {strides = array<i32>} : memref<128x128xf32, #tpu.memory_space<vmem>>, vector<16xf32>,
      tpu.vector_store %arg6[%swap3A_2670, %swap3A_2671], %select_n3A_2669 {strides = array<i32>} : memref<128x128xf32, #tpu.memory_space<vmem>>, vector<16xf32>,
      %sub3A_2673 = arith.constant 64 : i32
      %sub3A_2674 = arith.subi %select_n3A_2622, %sub3A_2673 : i32
      %eq3A_2675 = vector.broadcast %sub3A_2674 : i32 to vector<16xi32>
      %eq3A_2676 = arith.cmpi eq, %iota3A, %eq3A_2675 : vector<16xi32>
      %broadcast_in_dim3A_2677 = vector.broadcast %select_n3A_2579 : f32 to vector<16xf32>
      %broadcast_in_dim3A_2678 = vector.broadcast %select_n3A_2576 : f32 to vector<16xf32>
      %select_n3A_2679 = arith.select %eq3A_2676, %broadcast_in_dim3A_2677, %broadcast_in_dim3A_2678 : vector<16xi1>, vector<16xf32>
      %swap3A_2680 = arith.index_cast %add3A_2571 : i32 to index
      %swap3A_2681 = arith.constant 64 : index
      %swap3A_2682 = tpu.vector_load %arg6[%swap3A_2680, %swap3A_2681] {strides = array<i32>} : memref<128x128xf32, #tpu.memory_space<vmem>>, vector<16xf32>,
      tpu.vector_store %arg6[%swap3A_2680, %swap3A_2681], %select_n3A_2679 {strides = array<i32>} : memref<128x128xf32, #tpu.memory_space<vmem>>, vector<16xf32>,
      %sub3A_2683 = arith.constant 80 : i32
      %sub3A_2684 = arith.subi %select_n3A_2622, %sub3A_2683 : i32
      %eq3A_2685 = vector.broadcast %sub3A_2684 : i32 to vector<16xi32>
      %eq3A_2686 = arith.cmpi eq, %iota3A, %eq3A_2685 : vector<16xi32>
      %broadcast_in_dim3A_2687 = vector.broadcast %select_n3A_2579 : f32 to vector<16xf32>
      %broadcast_in_dim3A_2688 = vector.broadcast %select_n3A_2576 : f32 to vector<16xf32>
      %select_n3A_2689 = arith.select %eq3A_2686, %broadcast_in_dim3A_2687, %broadcast_in_dim3A_2688 : vector<16xi1>, vector<16xf32>
      %swap3A_2690 = arith.index_cast %add3A_2571 : i32 to index
      %swap3A_2691 = arith.constant 80 : index
      %swap3A_2692 = tpu.vector_load %arg6[%swap3A_2690, %swap3A_2691] {strides = array<i32>} : memref<128x128xf32, #tpu.memory_space<vmem>>, vector<16xf32>,
      tpu.vector_store %arg6[%swap3A_2690, %swap3A_2691], %select_n3A_2689 {strides = array<i32>} : memref<128x128xf32, #tpu.memory_space<vmem>>, vector<16xf32>,
      %sub3A_2693 = arith.constant 96 : i32
      %sub3A_2694 = arith.subi %select_n3A_2622, %sub3A_2693 : i32
      %eq3A_2695 = vector.broadcast %sub3A_2694 : i32 to vector<16xi32>
      %eq3A_2696 = arith.cmpi eq, %iota3A, %eq3A_2695 : vector<16xi32>
      %broadcast_in_dim3A_2697 = vector.broadcast %select_n3A_2579 : f32 to vector<16xf32>
      %broadcast_in_dim3A_2698 = vector.broadcast %select_n3A_2576 : f32 to vector<16xf32>
      %select_n3A_2699 = arith.select %eq3A_2696, %broadcast_in_dim3A_2697, %broadcast_in_dim3A_2698 : vector<16xi1>, vector<16xf32>
      %swap3A_2700 = arith.index_cast %add3A_2571 : i32 to index
      %swap3A_2701 = arith.constant 96 : index
      %swap3A_2702 = tpu.vector_load %arg6[%swap3A_2700, %swap3A_2701] {strides = array<i32>} : memref<128x128xf32, #tpu.memory_space<vmem>>, vector<16xf32>,
      tpu.vector_store %arg6[%swap3A_2700, %swap3A_2701], %select_n3A_2699 {strides = array<i32>} : memref<128x128xf32, #tpu.memory_space<vmem>>, vector<16xf32>,
      %sub3A_2703 = arith.constant 112 : i32
      %sub3A_2704 = arith.subi %select_n3A_2622, %sub3A_2703 : i32
      %eq3A_2705 = vector.broadcast %sub3A_2704 : i32 to vector<16xi32>
      %eq3A_2706 = arith.cmpi eq, %iota3A, %eq3A_2705 : vector<16xi32>
      %broadcast_in_dim3A_2707 = vector.broadcast %select_n3A_2579 : f32 to vector<16xf32>
      %broadcast_in_dim3A_2708 = vector.broadcast %select_n3A_2576 : f32 to vector<16xf32>
      %select_n3A_2709 = arith.select %eq3A_2706, %broadcast_in_dim3A_2707, %broadcast_in_dim3A_2708 : vector<16xi1>, vector<16xf32>
      %swap3A_2710 = arith.index_cast %add3A_2571 : i32 to index
      %swap3A_2711 = arith.constant 112 : index
      %swap3A_2712 = tpu.vector_load %arg6[%swap3A_2710, %swap3A_2711] {strides = array<i32>} : memref<128x128xf32, #tpu.memory_space<vmem>>, vector<16xf32>,
      tpu.vector_store %arg6[%swap3A_2710, %swap3A_2711], %select_n3A_2709 {strides = array<i32>} : memref<128x128xf32, #tpu.memory_space<vmem>>, vector<16xf32>,
      %add3A_2713 = arith.addi %mul3A_2, %add3A_2571 : i32
      %dma_start3A_2714 = arith.constant 0 : i32
      %dma_start3A_2715 = tpu.memref_slice %arg6[%add3A_2571, %dma_start3A_2714] : memref<128x128xf32, #tpu.memory_space<vmem>> -> memref<1x128xf32, #tpu.memory_space<vmem>>
      %dma_start3A_2716 = tpu.memref_squeeze %dma_start3A_2715 : memref<1x128xf32, #tpu.memory_space<vmem>> -> memref<128xf32, #tpu.memory_space<vmem>>
      %dma_start3A_2717 = tpu.memref_slice %arg3[%add3A_2713, %multiple_of3A_2606] : memref<4096x32000xf32, #tpu.memory_space<hbm>> -> memref<1x128xf32, #tpu.memory_space<hbm>>
      %dma_start3A_2718 = tpu.memref_squeeze %dma_start3A_2717 : memref<1x128xf32, #tpu.memory_space<hbm>> -> memref<128xf32, #tpu.memory_space<hbm>>
      %dma_start3A_2719 = tpu.memref_slice %arg3[%add3A_2713, %multiple_of3A_2606] : memref<4096x32000xf32, #tpu.memory_space<hbm>> -> memref<1x128xf32, #tpu.memory_space<hbm>>
      %dma_start3A_2720 = tpu.memref_squeeze %dma_start3A_2719 : memref<1x128xf32, #tpu.memory_space<hbm>> -> memref<128xf32, #tpu.memory_space<hbm>>
      %dma_start3A_2721 = arith.constant 0 : i32
      %dma_start3A_2722 = tpu.memref_slice %arg6[%add3A_2571, %dma_start3A_2721] : memref<128x128xf32, #tpu.memory_space<vmem>> -> memref<1x128xf32, #tpu.memory_space<vmem>>
      %dma_start3A_2723 = tpu.memref_squeeze %dma_start3A_2722 : memref<1x128xf32, #tpu.memory_space<vmem>> -> memref<128xf32, #tpu.memory_space<vmem>>
      tpu.enqueue_dma source(%dma_start3A_2723 : memref<128xf32, #tpu.memory_space<vmem>>) target(%dma_start3A_2720 : memref<128xf32, #tpu.memory_space<hbm>>) target_semaphore(%arg7 : memref<!tpu.dma_semaphore, #tpu.memory_space<semaphore_mem>>)
    }
    %scan3A_6 = arith.constant 8 : i32
    %dma_wait3A = arith.constant 0 : i32
    %dma_wait3A_7 = tpu.memref_slice %arg3[%mul3A_2, %dma_wait3A] : memref<4096x32000xf32, #tpu.memory_space<hbm>> -> memref<128x128xf32, #tpu.memory_space<hbm>>
    %dma_wait3A_8 = arith.constant 0 : i32
    %dma_wait3A_9 = tpu.memref_slice %arg3[%mul3A_2, %dma_wait3A_8] : memref<4096x32000xf32, #tpu.memory_space<hbm>> -> memref<128x128xf32, #tpu.memory_space<hbm>>
    tpu.wait_dma2 semaphore(%arg7 : memref<!tpu.dma_semaphore, #tpu.memory_space<semaphore_mem>>) src(%dma_wait3A_9 : memref<128x128xf32, #tpu.memory_space<hbm>>) dst(%arg6 : memref<128x128xf32, #tpu.memory_space<vmem>>)
    return
  }
}

module attributes {stable_mosaic.version = 14 : i64} {
  func.func @_fill_kernel(%arg0: i32, %arg1: i32, %arg2: memref<1024x1xi32, #tpu.memory_space<vmem>>, %arg3: memref<1024x3200xf32, #tpu.memory_space<vmem>>) attributes {dimension_semantics = [#tpu.dimension_semantics<arbitrary>, #tpu.dimension_semantics<arbitrary>], iteration_bounds = array<i64: 4, 10>, scalar_prefetch = 0 : i64, scratch_operands = 0 : i64, tpu.core_type = #tpu.core_type<tc>, window_params = [{transform_indices = @transform_0, window_bounds = array<i64: 1024, 1>}, {transform_indices = @transform_1, window_bounds = array<i64: 1024, 3200>}]} {
    %get3A = arith.constant 0 : index
    %get3A_0 = arith.constant 0 : index
    %get3A_1 = vector.load %arg2[%get3A, %get3A_0] : memref<1024x1xi32, #tpu.memory_space<vmem>>, vector<1024x1xi32>
    %get3A_2 = vector.shape_cast %get3A_1 : vector<1024x1xi32> to vector<1024xi32>
    %broadcast_in_dim3A = vector.shape_cast %get3A_2 : vector<1024xi32> to vector<1024x1xi32>
    %eq3A = arith.constant 0 : i32
    %eq3A_3 = vector.broadcast %eq3A : i32 to vector<1024x1xi32>
    %eq3A_4 = arith.cmpi eq, %broadcast_in_dim3A, %eq3A_3 : vector<1024x1xi32>
    %jit3A = arith.constant 0.000000e+00 : f32
    %jit3A_5 = arith.constant 3.12519524E-6 : f32
    %broadcast_in_dim3A_6 = vector.broadcast %jit3A : f32 to vector<1024x1xf32>
    %broadcast_in_dim3A_7 = vector.broadcast %jit3A_5 : f32 to vector<1024x1xf32>
    %select_n3A = arith.select %eq3A_4, %broadcast_in_dim3A_6, %broadcast_in_dim3A_7 : vector<1024x1xi1>, vector<1024x1xf32>
    %broadcast_in_dim3A_8 = vector.shape_cast %select_n3A : vector<1024x1xf32> to vector<1024x1xf32>
    %broadcast_in_dim3A_9 = vector.broadcast %broadcast_in_dim3A_8 : vector<1024x1xf32> to vector<1024x3200xf32>
    %swap3A = arith.constant 0 : index
    %swap3A_10 = arith.constant 0 : index
    %swap3A_11 = vector.load %arg3[%swap3A, %swap3A_10] : memref<1024x3200xf32, #tpu.memory_space<vmem>>, vector<1024x3200xf32>
    tpu.vector_store %arg3[%swap3A, %swap3A_10], %broadcast_in_dim3A_9 {strides = array<i32>} : memref<1024x3200xf32, #tpu.memory_space<vmem>>, vector<1024x3200xf32>,
    %eq3A_12 = arith.constant 0 : i32
    %eq3A_13 = arith.cmpi eq, %arg1, %eq3A_12 : i32
    %convert_element_type3A = arith.extui %eq3A_13 : i1 to i32
    %cond3A = arith.constant 0 : i32
    %cond3A_14 = arith.cmpi ne, %convert_element_type3A, %cond3A : i32
    scf.if %cond3A_14 {
      %broadcast_in_dim3A_15 = arith.constant 0.000000e+00 : f32
      %broadcast_in_dim3A_16 = vector.broadcast %broadcast_in_dim3A_15 : f32 to vector<1024x1xf32>
      %swap3A_17 = arith.constant 0 : index
      %swap3A_18 = arith.constant 0 : index
      %swap3A_19 = vector.load %arg3[%swap3A_17, %swap3A_18] : memref<1024x3200xf32, #tpu.memory_space<vmem>>, vector<1024x1xf32>
      tpu.vector_store %arg3[%swap3A_17, %swap3A_18], %broadcast_in_dim3A_16 {strides = array<i32>} : memref<1024x3200xf32, #tpu.memory_space<vmem>>, vector<1024x1xf32>,
    } else {
    }
    return
  }
  func.func @transform_0(%arg0: i32, %arg1: i32) -> (i32, i32) {
    %c0_i32 = arith.constant 0 : i32
    %c0_i32_0 = arith.constant 0 : i32
    return %arg0, %c0_i32 : i32, i32
  }
  func.func @transform_1(%arg0: i32, %arg1: i32) -> (i32, i32) {
    %c0_i32 = arith.constant 0 : i32
    return %arg0, %arg1 : i32, i32
  }
}

</mosaic_0001>

<sc_bundles>
// kernel: kernel.4.cloned.1.call-start
scs
__scs_entry_jumppad:
0x0: {  	(pc) =	sbr.rel $0x88, $3  }
0x1: {  	(tag) =	ssettag $0x0;
	lr =	simm.s32 $0x1  }
0x2: {  	[smem:$0x3FA0] =	sst lr;
	_ =	strace $0xD0000000  }
0x3: {  	_ = 	snop  }
0x4: {  	_ = 	snop  }
0x5: {  	_ = 	snop  }
0x6: {  	_ = 	snop  }
0x7: {  	_ = 	snop  }
__scs_overlays_trampoline_lowered:
0x8: {  	[smem:$0x3FAF] =	sst s0  }
0x9: {  	[smem:$0x3FB0] =	sst s1  }
0xa: {  	[smem:$0x3FB1] =	sst s2  }
0xb: {  	[smem:$0x3FB2] =	sst s3  }
0xc: {  	[smem:$0x3FB3] =	sst s4  }
0xd: {  	[smem:$0x3FB4] =	sst s5  }
0xe: {  	[smem:$0x3FB5] =	sst s6  }
0xf: {  	[smem:$0x3FB6] =	sst s7  }
0x10: {  	[smem:$0x3FB7] =	sst s8  }
0x11: {  	[smem:$0x3FB8] =	sst s9;
	s0 =	simm.s32 @!p0 $0x0  }
0x12: {  	s1 =	sld [smem:$0x3F9E];
	s0 =	simm.s32 @p0 $0x1  }
0x13: {  	[smem:$0x3FB9] =	sst s0;
	s0 =	simm.s32 @!p1 $0x0  }
0x14: {  	s2 =	sld [smem:$0x3F9D];
	s0 =	simm.s32 @p1 $0x1  }
0x15: {  	[smem:$0x3FBA] =	sst s0;
	s0 =	simm.s32 @!p2 $0x0  }
0x16: {  	s3 =	sld [smem:$0x3FDB];
	s0 =	simm.s32 @p2 $0x1  }
0x17: {  	s4 =	simm.s32 $0x1BF5;
	[smem:$0x3FBC] =	sst s0  }
0x18: {  	s0 =	sld [smem:$0x3F9F];
	_ =	swait.ge [sflag:s4], $0x0  }
0x19: {  	s7 =	sld [smem:$0x3FA0]  }
0x1a: {  	s8 =	sadd.s32 $0xFFFFE003, lr  }
0x1b: {  	s9 =	sadd.s32 $0xFFFFFEF7, lr;
	s5 =	simm.s32 $0xFFFFFFFF;
	p2 =	slt.u32 s8, $0xFFFFF086  }
0x1c: {  	p1 =	slt.u32 s9, $0xF7A;
	s5 =	simm.s32 @!p2 $0x0  }
0x1d: {  	s5 =	simm.s32 @p1 $0x1;
	p0 =	seq.s32 s7, s2  }
0x1e: {  	s7 =	smul.u32 @!p0 $0xF7A, s2;
	p2 =	seq.s32 @!p0 s5, $0x0  }
0x1f: {  	s9 =	smul.u32 $0xF7A, s1;
	s8 =	simm.s32 @!p0 $0x1BF5;
	p2 =	por !p2, p0  }
0x20: {  	[sflag:s8] =	ssyncset.s32 @!p0 $0xFFFFF086;
	s6 =	sadd.s32 @!p0 s3, s7;
	s7 =	simm.s32 @!p0 $0x108  }
0x21: {  	s3 =	sadd.s32 s3, s9;
	s6 =	sadd.s32 @!p0 $0x88, s6;
	s7 =	simm.s32 @p2 $0x1082  }
0x22: {  	[simem:s7], [sflag:s8] =	dma.local @!p0 [hbm:s6], $0xF7A  }
0x23: {  	s9 =	sor.u32 $0xD0000000, s2;
	s6 =	simm.s32 $0x108;
	_ =	swait.ge @!p0 [sflag:s8], $0x0  }
0x24: {  	s3 =	sadd.s32 $0x88, s3;
	s6 =	simm.s32 @!p1 $0x1082;
	[sflag:s4] =	ssyncset.s32 $0xFFFFF086  }
0x25: {  	[simem:s6], [sflag:s4] =	dma.local [hbm:s3], $0xF7A  }
0x26: {  	[smem:$0x3FA0] =	sst s1;
	(tag) =	ssettag s2;
	_ =	strace s9  }
0x27: {  	s1 =	sld [smem:$0x3FB0]  }
0x28: {  	s2 =	sld [smem:$0x3FB1]  }
0x29: {  	s4 =	sld [smem:$0x3FB3]  }
0x2a: {  	p0 =	seq.s32 s5, $0x0;
	s5 =	sld [smem:$0x3FB4]  }
0x2b: {  	s6 =	sld [smem:$0x3FB5]  }
0x2c: {  	s7 =	sld [smem:$0x3FB6]  }
0x2d: {  	s3 =	simm.s32 $0x108;
	s8 =	sld [smem:$0x3FB7]  }
0x2e: {  	s3 =	simm.s32 @!p0 $0x1082;
	s9 =	sld [smem:$0x3FB8]  }
0x2f: {  	lr =	sadd.s32 s0, s3;
	s0 =	sld [smem:$0x3FAF]  }
0x30: {  	s3 =	sld [smem:$0x3FB2]  }
0x31: {  	[smem:$0x3FBB] =	sst s10  }
0x32: {  	s10 =	sld [smem:$0x3FB9];
	_ =	sdelay $0x3  }
0x33: {  	p0 =	seq.s32 s10, $0x1;
	s10 =	sld [smem:$0x3FBB];
	_ =	sdelay $0x3  }
0x34: {  	[smem:$0x3FBB] =	sst s10  }
0x35: {  	s10 =	sld [smem:$0x3FBA];
	_ =	sdelay $0x3  }
0x36: {  	p1 =	seq.s32 s10, $0x1;
	s10 =	sld [smem:$0x3FBB];
	_ =	sdelay $0x3  }
0x37: {  	[smem:$0x3FBB] =	sst s10  }
0x38: {  	s10 =	sld [smem:$0x3FBC]  }
0x39: {  	_ = 	snop;
	(pc) =	sbr.ind lr, $3  }
0x3a: {  	_ = 	snop  }
0x3b: {  	_ = 	snop  }
0x3c: {  	p2 =	seq.s32 s10, $0x1;
	s10 =	sld [smem:$0x3FBB]  }
0x3d: {  	_ =	shalt  }
0x3e: {  	_ =	shalt  }
0x3f: {  	_ =	shalt  }
0x40: {  	_ =	shalt  }
0x41: {  	_ =	shalt  }
0x42: {  	_ =	shalt  }
0x43: {  	_ =	shalt  }
0x44: {  	_ =	shalt  }
0x45: {  	_ =	shalt  }
0x46: {  	_ =	shalt  }
0x47: {  	_ =	shalt  }
0x48: {  	_ =	shalt  }
0x49: {  	_ =	shalt  }
0x4a: {  	_ =	shalt  }
0x4b: {  	_ =	shalt  }
0x4c: {  	_ =	shalt  }
0x4d: {  	_ =	shalt  }
0x4e: {  	_ =	shalt  }
0x4f: {  	_ =	shalt  }
0x50: {  	_ =	shalt  }
0x51: {  	_ =	shalt  }
0x52: {  	_ =	shalt  }
0x53: {  	_ =	shalt  }
0x54: {  	_ =	shalt  }
0x55: {  	_ =	shalt  }
0x56: {  	_ =	shalt  }
0x57: {  	_ =	shalt  }
0x58: {  	_ =	shalt  }
0x59: {  	_ =	shalt  }
0x5a: {  	_ =	shalt  }
0x5b: {  	_ =	shalt  }
0x5c: {  	_ =	shalt  }
0x5d: {  	_ =	shalt  }
0x5e: {  	_ =	shalt  }
0x5f: {  	_ =	shalt  }
0x60: {  	_ =	shalt  }
0x61: {  	_ =	shalt  }
0x62: {  	_ =	shalt  }
0x63: {  	_ =	shalt  }
0x64: {  	_ =	shalt  }
0x65: {  	_ =	shalt  }
0x66: {  	_ =	shalt  }
0x67: {  	_ =	shalt  }
0x68: {  	_ =	shalt  }
0x69: {  	_ =	shalt  }
0x6a: {  	_ =	shalt  }
0x6b: {  	_ =	shalt  }
0x6c: {  	_ =	shalt  }
0x6d: {  	_ =	shalt  }
0x6e: {  	_ =	shalt  }
0x6f: {  	_ =	shalt  }
0x70: {  	_ =	shalt  }
0x71: {  	_ =	shalt  }
0x72: {  	_ =	shalt  }
0x73: {  	_ =	shalt  }
0x74: {  	_ =	shalt  }
0x75: {  	_ =	shalt  }
0x76: {  	_ =	shalt  }
0x77: {  	_ =	shalt  }
0x78: {  	_ =	shalt  }
0x79: {  	_ =	shalt  }
0x7a: {  	_ =	shalt  }
0x7b: {  	_ =	shalt  }
0x7c: {  	_ =	shalt  }
0x7d: {  	_ =	shalt  }
0x7e: {  	_ =	shalt  }
0x7f: {  	_ =	shalt  }
0x80: {  	_ =	shalt  }
0x81: {  	_ =	shalt  }
0x82: {  	_ =	shalt  }
0x83: {  	_ =	shalt  }
0x84: {  	_ =	shalt  }
0x85: {  	_ =	shalt  }
0x86: {  	_ =	shalt  }
0x87: {  	_ =	shalt  }
.Lfunc_end0:
.L_simem_size_0:
called_computation_lowered:
.L_overlay_start_0:
0x88: {  	s2 =	sld [smem:$0x3FD9]  }
0x89: {  	s3 =	sld [smem:$0x3FFE];
	_ =	sdelay $0x1  }
0x8a: {  	s1 =	srdreg.scid  }
0x8b: {  	s0 =	sand.u32 $0x1, s1  }
0x8c: {  	s18 =	sshll.u32 s0, $0xA;
	s2 =	sadd.s32 s3, s2  }
0x8d: {  	s2 =	sadd.s32 s2, s18  }
0x8e: {  	[smem:$0x3FC7] =	sst s2  }
0x8f: {  	_ = 	snop  }
0x90: {  	s2 =	sld [smem:$0x3FC9]  }
0x91: {  	s19 =	sld [smem:$0x3FD0];
	(tm) =	ssettm $0x1  }
0x92: {  	s4 =	sld [smem:$0x3FFB];
	_ =	sdelay $0x3  }
0x93: {  	_ =	strace s4  }
0x94: {  	s4 =	sld [smem:$0x3FFC];
	_ =	sdelay $0x3  }
0x95: {  	_ =	strace s4  }
0x96: {  	s4 =	sld [smem:$0x3FFD];
	_ =	sdelay $0x3  }
0x97: {  	_ =	strace s4  }
0x98: {  	_ =	strace $0x8FFFFFFF  }
0x99: {  	s20 =	sld [smem:$0x3FDB];
	_ =	sdelay $0x1  }
0x9a: {  	s5 =	simm.s32 $_scs_section_size  }
0x9b: {  	s6 =	simm.s32 $_size__tile_overlayer_lowered;
	s7 =	simm.s32 $_tile_overlayer_lowered  }
0x9c: {  	s23 =	simm.s32 $0x1BFF;
	s22 =	sshll.u32 s7, $0x1;
	s4 =	sadd.s32 s5, s20  }
0x9d: {  	s8 =	simm.s32 $0x0;
	s21 =	sshll.u32 s6, $0x1;
	s6 =	sadd.s32 s22, s4  }
0x9e: {  	[timem:s8], [sflag:s23] =	dma.local [hbm:s6], s21  }
0x9f: {  	_ =	swait.ge [sflag:s23], s21  }
0xa0: {  	s5 =	ssub.s32 $0x0, s21;
	[sflag:s23] =	ssyncset.done $0x0  }
0xa1: {  	[sflag:s23] =	ssyncadd.s32 s5;
	_ =	sdelay $0x1  }
0xa2: {  	s24 =	simm.s32 $0x1B8B  }
0xa3: {  	_ =	swait.ge [sflag:s24], $0x1  }
0xa4: {  	[sflag:s24] =	ssyncset.done $0x0  }
0xa5: {  	s25 =	simm.s32 $0x1B8E;
	[sflag:s24] =	ssyncadd.s32 $0xFFFFFFFF  }
0xa6: {  	s26 =	simm.s32 $execute0_lowered;
	[smem:$0x3FD2] =	sst s25  }
0xa7: {  	s5 =	sshll.u32 s26, $0x1;
	_ =	strace $0x80000046;
	[dreg:$0x1] =	wrdreg $0xFFFFFFFF  }
0xa8: {  	s28 =	simm.s32 $_size_execute0_lowered;
	s4 =	sadd.s32 s4, s5;
	[dreg:$0x0] =	wrdreg $0x0  }
0xa9: {  	s5 =	sshll.u32 s28, $0x1;
	[dreg:$0x2] =	wrdreg s4  }
0xaa: {  	[dreg:$0x3] =	wrdreg s5  }
0xab: {  	[dreg:$0x4] =	wrdreg $0xC0  }
0xac: {  	_ =	task [dreg:s8], $0x5FFFF  }
0xad: {  	[dreg:$0x1] =	wrdreg $0xFFFFFFFF  }
0xae: {  	[dreg:$0x0] =	wrdreg $0x60  }
0xaf: {  	[dreg:$0x2] =	wrdreg s2  }
0xb0: {  	[dreg:$0x3] =	wrdreg s19  }
0xb1: {  	[dreg:$0x4] =	wrdreg $0x9  }
0xb2: {  	_ =	task.clear_ibuf [dreg:s8], $0x5FFFF;
	_ =	strace $0x90000046  }
0xb3: {  	s29 =	simm.s32 $0x9;
	_ =	strace $0x80000048  }
0xb4: {  	_ =	swait.ge [sflag:s29], $0x1  }
0xb5: {  	[sflag:s29] =	ssyncadd.s32 $0xFFFFFFFF  }
0xb6: {  	_ =	strace $0x90000048  }
0xb7: {  	_ =	sfence  }
0xb8: {  	s30 =	sld [smem:$0x0];
	_ =	sdelay $0x2  }
0xb9: {  	s31 =	sshll.u32 s1, $0xD;
	s1 =	sshrl.u32 s1, $0x2  }
0xba: {  	s3 =	sand.u32 $0x4000, s31;
	s1 =	sadd.s32 s1, s30  }
0xbb: {  	s0 =	sor.u32 s3, s0;
	s1 =	sshll.u32 s1, $0x11  }
0xbc: {  	s0 =	sor.u32 s1, s0  }
0xbd: {  	s0 =	sadd.s32 $0x8F2B, s0  }
0xbe: {  	[sflag:s0] =	ssyncadd.remote.s32 $0x1  }
0xbf: {  	_ =	sfence.sel $0xFFFF  }
0xc0: {  	[dreg:$0x0] =	wrdreg $0xFFFFFFFF;
	(pc) =	sbr.abs _section_cstart, $3  }
0xc1: {  	[dreg:$0x1] =	wrdreg $0xFFFFFFFF  }
0xc2: {  	_ =	task.clear_ibuf [dreg:s8], $0x2FFFF;
	_ =	strace $0x9FFFFFFF  }
0xc3: {  	(tm) =	ssettm $0x7FFFFFFF  }
tec
execute0_lowered:
.L_overlay_start_1:
0x0: {  	(tag) =	ssettag $0x1  }
0x1: {  	s4 =	rddreg [dreg:$0x0]  }
0x2: {  	s2 =	rddreg [dreg:$0x1]  }
0x3: {  	s0 =	rddreg [dreg:$0x2];
	s5 =	srdreg.scid  }
0x4: {  	s3 =	simm.s32 $0x0;
	s1 =	stileid.u32;
	s14 =	simm.s32 $0x1  }
0x5: {  	s15 =	simm.s32 $0x0;
	s5 =	sand.u32 $0x1, s5;
	[smem:$0x7FF] =	sst s3  }
0x6: {  	s6 =	sshll.u32 s1, $0x8;
	s8 =	sadd.s32 $0x40, s2;
	s10 =	sadd.s32 $0x60, s2  }
0x7: {  	s7 =	sshll.u32 s5, $0x7;
	_ =	strace $0x80000047;
	s5 =	ssub.s32 $0x2, s5  }
0x8: {  	vm0 =	vmmov $0x1;
	s6 =	sor.u32 s7, s6;
	s30 =	sshrl.u32 s5, $0x1;
	s7 =	sadd.s32 $0x30, s2  }
0x9: {  	v0 =	vlaneseq.u32;
	vm2 =	vcmask $0x308;
	vm15 =	vmmov $0x7fff;
	s9 =	sshrl.u32 s6, $0x3;
	s6 =	sor.u32 $0x8, s6;
	s12 =	ssub.s32 s5, s30  }
0xa: {  	vm4 =	vcmask $0xB10;
	vm5 =	vcmask $0xF14;
	vm6 =	vcmask $0x1318;
	s5 =	sadd.s32 $0x10, s2;
	s31 =	sshrl.u32 s6, $0x3;
	s13 =	smul.u32 $0x3E800, s9  }
0xb: {  	vm7 =	vcmask $0x171C;
	vm8 =	vcmask $0x1B20;
	vm9 =	vcmask $0x1F24;
	s4 =	sadd.s32 s4, s9;
	s6 =	sadd.s32 $0x20, s2;
	s11 =	smul.u32 $0x3E800, s31  }
0xc: {  	vm10 =	vcmask $0x2328;
	vm11 =	vcmask $0x272C;
	vm12 =	vcmask $0x2B30;
	s9 =	sadd.s32 $0x50, s2;
	s12 =	smax.u32 s12, $0x1;
	[dreg:$0x3] =	wrdreg s13  }
0xd: {  	vm13 =	vcmask $0x2F34;
	vm14 =	vcmask $0x3338;
	vm3 =	vcmask $0x373C;
	s13 =	simm.s32 $0x2;
	[dreg:$0x4] =	wrdreg s11;
	s11 =	sadd.s32 $0x70, s2  }
.LBB2_1:
0xe: {  	[tilespmem:s3], [sflag:$0x2] =	stream.linear.gather [hbm4b:s4+s3], $0x80, $0x38;
	[tilespmem:$0x4080] =	vst v63  }
0xf: {  	_ =	swait.ge [sflag:s13], $0x80  }
0x10: {  	s16 =	simm.s32 $0x0;
	[sflag:s13] =	ssyncset.done $0x0  }
0x11: {  	s17 =	simm.s32 $0x0;
	s18 =	simm.s32 $0x0;
	[sflag:s13] =	ssyncadd.s32 $0xFFFFFF80  }
.LBB2_2:
0x12: {  	v1 =	vld [tilespmem:s18+$0x0];
	_ =	sdelay $0x4  }
0x13: {  	v2 =	vnsel vm0, $0x0, v1  }
0x14: {  	v2 =	vxor.u32 $0x80000000, v2  }
0x15: {  	(xrf0) =	vmax.scan.msk.u32 $0xffff, v2;
	_ =	sdelay $0x5  }
0x16: {  	v2, _, _ =	vpop (xrf0)  }
0x17: {  	(v2sf) =	vpush v2, $0xF;
	_ =	sdelay $0x9  }
0x18: {  	v2 =	vsel vm2, $0x0, v1  }
0x19: {  	v2 =	vxor.u32 $0x80000000, v2  }
0x1a: {  	(xrf0) =	vmax.scan.msk.u32 $0xffff, v2;
	_ =	sdelay $0x2  }
0x1b: {  	s19 =	spop (v2sf)  }
0x1c: {  	s20 =	sxor.u32 $0x80000000, s19  }
0x1d: {  	s21 =	sshra.s32 s20, $0x1F  }
0x1e: {  	v2, _, _ =	vpop (xrf0);
	s21 =	sshrl.u32 s21, $0x19  }
0x1f: {  	(v2sf) =	vpush v2, $0xF;
	s21 =	sadd.s32 s21, s20  }
0x20: {  	p1 =	sgt.s32 s19, $0xFFFFFFFF;
	p0 =	slt.s32 s20, $0x1;
	s22 =	sand.u32 $0xFFFFFF80, s21  }
0x21: {  	p0 =	por p1, p0;
	p3 =	sne.s32 s20, s22  }
0x22: {  	p0 =	por !p0, !p3  }
0x23: {  	s20 =	simm.s32 $0x1;
	p0 =	por !p0, !p0  }
0x24: {  	s21 =	sshra.s32 s21, $0x7;
	s20 =	simm.s32 @!p0 $0x0  }
0x25: {  	s20 =	ssub.s32 s21, s20  }
0x26: {  	s23 =	sand.u32 $0x7F, s19;
	p0 =	seq.s32 s19, $0x80000000;
	s31 =	sand.u32 $0x1FFFFFF, s20  }
0x27: {  	s19 =	simm.s32 $0xFFFFFFFF;
	s21 =	simm.f32 $0.0e+00;
	p1 =	sne.s32 s31, $0x0  }
0x28: {  	v2 =	vmov s23;
	s22 =	simm.f32 $0.0e+00;
	s21 =	simm.s32 @!p0 $0x3651BA72;
	s19 =	simm.s32 @!p1 $0x0  }
0x29: {  	s24 =	sadd.s32 $0xFFFFFFF0, s23;
	vm1 =	veq.s32 v2, v0;
	s22 =	simm.s32 @!p0 $0x3F666666;
	v2 =	vmov s21;
	v3 =	vmov s19  }
0x2a: {  	s25 =	sadd.s32 $0xFFFFFFE0, s23;
	v4 =	vsel vm1, s22, v2;
	vm1 =	veq.s32 v3, v0;
	v3 =	vmov s24  }
0x2b: {  	s26 =	sadd.s32 $0xFFFFFFD0, s23;
	v4 =	vsel vm1, $0x0, v4;
	vm1 =	veq.s32 v3, v0;
	v3 =	vmov s25  }
0x2c: {  	s28 =	sadd.s32 $0xFFFFFFC0, s23;
	v23 =	vsel vm1, s22, v2;
	vm1 =	veq.s32 v3, v0;
	v3 =	vmov s26  }
0x2d: {  	s29 =	sadd.s32 $0xFFFFFFB0, s23;
	s19 =	sshra.s32 s17, $0x2;
	v24 =	vsel vm1, s22, v2;
	vm1 =	veq.s32 v3, v0;
	v3 =	vmov s28  }
0x2e: {  	s30 =	sadd.s32 $0xFFFFFFA0, s23;
	[tilespmem:s19+$0x80] =	vst v4;
	s26 =	spop (v2sf);
	v25 =	vsel vm1, s22, v2;
	vm1 =	veq.s32 v3, v0;
	v3 =	vmov s29  }
0x2f: {  	s31 =	sadd.s32 $0xFFFFFF90, s23;
	s24 =	rddreg [dreg:$0x3];
	[tilespmem:s19+$0x90] =	vst v23;
	s28 =	sxor.u32 $0x80000000, s26;
	v26 =	vsel vm1, s22, v2;
	vm1 =	veq.s32 v3, v0;
	v3 =	vmov s30  }
0x30: {  	s23 =	sshll.u32 s20, $0xA;
	s20 =	sadd.s32 s16, s24;
	[tilespmem:s19+$0xA0] =	vst v24;
	s29 =	sshra.s32 s28, $0x1F;
	v27 =	vsel vm1, s22, v2;
	vm1 =	veq.s32 v3, v0;
	v3 =	vmov s31  }
0x31: {  	s21 =	sadd.s32 s23, s20;
	[tilespmem:s19+$0xB0] =	vst v25;
	s23 =	sshrl.u32 s29, $0x19;
	v28 =	vsel vm1, s22, v2;
	vm1 =	veq.s32 v3, v0  }
0x32: {  	[tilespmem:s19+$0xC0] =	vst v26;
	s23 =	sadd.s32 s23, s28;
	v2 =	vsel vm1, s22, v2;
	vm1 =	vcmask $0x70C  }
0x33: {  	p5 =	sgt.s32 s26, $0xFFFFFFFF;
	p4 =	slt.s32 s28, $0x1;
	s30 =	sand.u32 $0xFFFFFF80, s23;
	[tilespmem:s19+$0xF0] =	vst v2;
	v2 =	vsel vm1, $0x0, v1  }
0x34: {  	s21 =	sshrl.u32 s21, $0x3;
	p0 =	por p5, p4;
	[tilespmem:s19+$0xD0] =	vst v27;
	p6 =	sne.s32 s28, s30;
	v2 =	vxor.u32 $0x80000000, v2  }
0x35: {  	s25 =	sadd.s32 $0x80, s19;
	s21 =	sadd.s32 s2, s21;
	[tilespmem:s19+$0xE0] =	vst v28;
	p0 =	por !p0, !p6;
	(xrf0) =	vmax.scan.msk.u32 $0xffff, v2  }
0x36: {  	[hbm4b:s21+s3] =	stream.linear.scatter [tilespmem:s25], [sflag:$0x1], $0x80, $0x38;
	[tilespmem:$0x4080] =	vst v63  }
0x37: {  	s22 =	simm.s32 $0x1;
	p0 =	por !p0, !p0  }
0x38: {  	s23 =	sshra.s32 s23, $0x7;
	s22 =	simm.s32 @!p0 $0x0  }
0x39: {  	s22 =	ssub.s32 s23, s22  }
0x3a: {  	s24 =	simm.s32 $0xFFFFFFFF;
	s21 =	sand.u32 $0x7F, s26;
	s31 =	sand.u32 $0x1FFFFFF, s22  }
0x3b: {  	p0 =	seq.s32 s26, $0x80000000;
	s23 =	simm.f32 $0.0e+00;
	p1 =	sne.s32 s31, $0x0;
	v2, _, _ =	vpop (xrf0)  }
0x3c: {  	s25 =	simm.f32 $0.0e+00;
	s23 =	simm.s32 @!p0 $0x3651BA72;
	s24 =	simm.s32 @!p1 $0x0;
	(v2sf) =	vpush v2, $0xF;
	v2 =	vmov s21  }
0x3d: {  	s25 =	simm.s32 @!p0 $0x3F666666;
	v3 =	vmov s24;
	s24 =	sadd.s32 $0xFFFFFFF0, s21;
	vm1 =	veq.s32 v2, v0;
	v2 =	vmov s23  }
0x3e: {  	s26 =	sadd.s32 $0xFFFFFFE0, s21;
	v29 =	vsel vm1, s25, v2;
	vm1 =	veq.s32 v3, v0;
	v3 =	vmov s24  }
0x3f: {  	s28 =	sadd.s32 $0xFFFFFFD0, s21;
	v4 =	vsel vm1, $0x0, v29;
	vm1 =	veq.s32 v3, v0;
	v3 =	vmov s26  }
0x40: {  	s29 =	sadd.s32 $0xFFFFFFC0, s21;
	v30 =	vsel vm1, s25, v2;
	vm1 =	veq.s32 v3, v0;
	v3 =	vmov s28  }
0x41: {  	s30 =	sadd.s32 $0xFFFFFFB0, s21;
	v31 =	vsel vm1, s25, v2;
	vm1 =	veq.s32 v3, v0;
	v3 =	vmov s29  }
0x42: {  	s31 =	sadd.s32 $0xFFFFFFA0, s21;
	[tilespmem:s19+$0x100] =	vst v4;
	v32 =	vsel vm1, s25, v2;
	vm1 =	veq.s32 v3, v0;
	v3 =	vmov s30  }
0x43: {  	s21 =	sadd.s32 $0xFFFFFF90, s21;
	[tilespmem:s19+$0x110] =	vst v30;
	v33 =	vsel vm1, s25, v2;
	vm1 =	veq.s32 v3, v0;
	v3 =	vmov s31  }
0x44: {  	[tilespmem:s19+$0x120] =	vst v31;
	v34 =	vsel vm1, s25, v2;
	vm1 =	veq.s32 v3, v0;
	v3 =	vmov s21  }
0x45: {  	[tilespmem:s19+$0x130] =	vst v32;
	v35 =	vsel vm1, s25, v2;
	vm1 =	veq.s32 v3, v0  }
0x46: {  	s24 =	sshll.u32 s22, $0xA;
	[tilespmem:s19+$0x140] =	vst v33;
	v2 =	vsel vm1, s25, v2  }
0x47: {  	s21 =	sadd.s32 s24, s20;
	[tilespmem:s19+$0x170] =	vst v2;
	v2 =	vsel vm4, $0x0, v1  }
0x48: {  	[tilespmem:s19+$0x150] =	vst v34;
	s21 =	sshrl.u32 s21, $0x3;
	v2 =	vxor.u32 $0x80000000, v2  }
0x49: {  	[tilespmem:s19+$0x160] =	vst v35;
	s25 =	sadd.s32 $0x100, s19;
	s21 =	sadd.s32 s21, s5;
	(xrf0) =	vmax.scan.msk.u32 $0xffff, v2  }
0x4a: {  	[hbm4b:s21+s3] =	stream.linear.scatter [tilespmem:s25], [sflag:$0x1], $0x80, $0x38;
	[tilespmem:$0x4080] =	vst v63  }
0x4b: {  	s26 =	spop (v2sf)  }
0x4c: {  	s28 =	sxor.u32 $0x80000000, s26  }
0x4d: {  	s29 =	sshra.s32 s28, $0x1F  }
0x4e: {  	s23 =	sshrl.u32 s29, $0x19  }
0x4f: {  	s23 =	sadd.s32 s23, s28;
	v2, _, _ =	vpop (xrf0)  }
0x50: {  	p2 =	sgt.s32 s26, $0xFFFFFFFF;
	p1 =	slt.s32 s28, $0x1;
	s30 =	sand.u32 $0xFFFFFF80, s23;
	(v2sf) =	vpush v2, $0xF  }
0x51: {  	p0 =	por p2, p1;
	p3 =	sne.s32 s28, s30  }
0x52: {  	p0 =	por !p0, !p3  }
0x53: {  	s22 =	simm.s32 $0x1;
	p0 =	por !p0, !p0  }
0x54: {  	s23 =	sshra.s32 s23, $0x7;
	s22 =	simm.s32 @!p0 $0x0  }
0x55: {  	s22 =	ssub.s32 s23, s22  }
0x56: {  	s24 =	simm.s32 $0xFFFFFFFF;
	s21 =	sand.u32 $0x7F, s26;
	s31 =	sand.u32 $0x1FFFFFF, s22  }
0x57: {  	p0 =	seq.s32 s26, $0x80000000;
	s23 =	simm.f32 $0.0e+00;
	p1 =	sne.s32 s31, $0x0  }
0x58: {  	s25 =	simm.f32 $0.0e+00;
	v2 =	vmov s21;
	s23 =	simm.s32 @!p0 $0x3651BA72;
	s24 =	simm.s32 @!p1 $0x0  }
0x59: {  	vm1 =	veq.s32 v2, v0;
	s25 =	simm.s32 @!p0 $0x3F666666;
	v2 =	vmov s23;
	v3 =	vmov s24;
	s24 =	sadd.s32 $0xFFFFFFF0, s21  }
0x5a: {  	s26 =	sadd.s32 $0xFFFFFFE0, s21;
	v36 =	vsel vm1, s25, v2;
	vm1 =	veq.s32 v3, v0;
	v3 =	vmov s24  }
0x5b: {  	s28 =	sadd.s32 $0xFFFFFFD0, s21;
	v4 =	vsel vm1, $0x0, v36;
	vm1 =	veq.s32 v3, v0;
	v3 =	vmov s26  }
0x5c: {  	s29 =	sadd.s32 $0xFFFFFFC0, s21;
	[tilespmem:s19+$0x180] =	vst v4;
	v37 =	vsel vm1, s25, v2;
	vm1 =	veq.s32 v3, v0;
	v3 =	vmov s28  }
0x5d: {  	s30 =	sadd.s32 $0xFFFFFFB0, s21;
	[tilespmem:s19+$0x190] =	vst v37;
	v38 =	vsel vm1, s25, v2;
	vm1 =	veq.s32 v3, v0;
	v3 =	vmov s29  }
0x5e: {  	s31 =	sadd.s32 $0xFFFFFFA0, s21;
	[tilespmem:s19+$0x1A0] =	vst v38;
	v39 =	vsel vm1, s25, v2;
	vm1 =	veq.s32 v3, v0;
	v3 =	vmov s30  }
0x5f: {  	s21 =	sadd.s32 $0xFFFFFF90, s21;
	[tilespmem:s19+$0x1B0] =	vst v39;
	v40 =	vsel vm1, s25, v2;
	vm1 =	veq.s32 v3, v0;
	v3 =	vmov s31;
	s26 =	spop (v2sf)  }
0x60: {  	s24 =	sshll.u32 s22, $0xA;
	[tilespmem:s19+$0x1C0] =	vst v40;
	v41 =	vsel vm1, s25, v2;
	vm1 =	veq.s32 v3, v0;
	v3 =	vmov s21;
	s28 =	sxor.u32 $0x80000000, s26  }
0x61: {  	s21 =	sadd.s32 s24, s20;
	[tilespmem:s19+$0x1D0] =	vst v41;
	v42 =	vsel vm1, s25, v2;
	vm1 =	veq.s32 v3, v0;
	s29 =	sshra.s32 s28, $0x1F  }
0x62: {  	s21 =	sshrl.u32 s21, $0x3;
	[tilespmem:s19+$0x1E0] =	vst v42;
	v2 =	vsel vm1, s25, v2;
	s23 =	sshrl.u32 s29, $0x19  }
0x63: {  	s25 =	sadd.s32 $0x180, s19;
	s21 =	sadd.s32 s21, s6;
	[tilespmem:s19+$0x1F0] =	vst v2;
	s23 =	sadd.s32 s23, s28  }
0x64: {  	v2 =	vsel vm5, $0x0, v1;
	[hbm4b:s21+s3] =	stream.linear.scatter [tilespmem:s25], [sflag:$0x1], $0x80, $0x38;
	[tilespmem:$0x4080] =	vst v63  }
0x65: {  	p5 =	sgt.s32 s26, $0xFFFFFFFF;
	p4 =	slt.s32 s28, $0x1;
	v2 =	vxor.u32 $0x80000000, v2;
	s30 =	sand.u32 $0xFFFFFF80, s23  }
0x66: {  	p0 =	por p5, p4;
	(xrf0) =	vmax.scan.msk.u32 $0xffff, v2;
	p6 =	sne.s32 s28, s30  }
0x67: {  	p0 =	por !p0, !p6  }
0x68: {  	s22 =	simm.s32 $0x1;
	p0 =	por !p0, !p0  }
0x69: {  	s23 =	sshra.s32 s23, $0x7;
	s22 =	simm.s32 @!p0 $0x0  }
0x6a: {  	s22 =	ssub.s32 s23, s22  }
0x6b: {  	s24 =	simm.s32 $0xFFFFFFFF;
	s21 =	sand.u32 $0x7F, s26;
	s31 =	sand.u32 $0x1FFFFFF, s22  }
0x6c: {  	p0 =	seq.s32 s26, $0x80000000;
	s23 =	simm.f32 $0.0e+00;
	v2, _, _ =	vpop (xrf0);
	p1 =	sne.s32 s31, $0x0  }
0x6d: {  	s25 =	simm.f32 $0.0e+00;
	s23 =	simm.s32 @!p0 $0x3651BA72;
	(v2sf) =	vpush v2, $0xF;
	s24 =	simm.s32 @!p1 $0x0;
	v2 =	vmov s21  }
0x6e: {  	s25 =	simm.s32 @!p0 $0x3F666666;
	vm1 =	veq.s32 v2, v0;
	v2 =	vmov s23;
	v3 =	vmov s24;
	s24 =	sadd.s32 $0xFFFFFFF0, s21  }
0x6f: {  	s26 =	sadd.s32 $0xFFFFFFE0, s21;
	v43 =	vsel vm1, s25, v2;
	vm1 =	veq.s32 v3, v0;
	v3 =	vmov s24  }
0x70: {  	s28 =	sadd.s32 $0xFFFFFFD0, s21;
	v4 =	vsel vm1, $0x0, v43;
	vm1 =	veq.s32 v3, v0;
	v3 =	vmov s26  }
0x71: {  	s29 =	sadd.s32 $0xFFFFFFC0, s21;
	v44 =	vsel vm1, s25, v2;
	vm1 =	veq.s32 v3, v0;
	v3 =	vmov s28  }
0x72: {  	s30 =	sadd.s32 $0xFFFFFFB0, s21;
	v45 =	vsel vm1, s25, v2;
	vm1 =	veq.s32 v3, v0;
	v3 =	vmov s29  }
0x73: {  	s31 =	sadd.s32 $0xFFFFFFA0, s21;
	[tilespmem:s19+$0x200] =	vst v4;
	v46 =	vsel vm1, s25, v2;
	vm1 =	veq.s32 v3, v0;
	v3 =	vmov s30  }
0x74: {  	s21 =	sadd.s32 $0xFFFFFF90, s21;
	[tilespmem:s19+$0x210] =	vst v44;
	v47 =	vsel vm1, s25, v2;
	vm1 =	veq.s32 v3, v0;
	v3 =	vmov s31  }
0x75: {  	[tilespmem:s19+$0x220] =	vst v45;
	v48 =	vsel vm1, s25, v2;
	vm1 =	veq.s32 v3, v0;
	v3 =	vmov s21  }
0x76: {  	[tilespmem:s19+$0x230] =	vst v46;
	v49 =	vsel vm1, s25, v2;
	vm1 =	veq.s32 v3, v0  }
0x77: {  	s24 =	sshll.u32 s22, $0xA;
	[tilespmem:s19+$0x240] =	vst v47;
	v2 =	vsel vm1, s25, v2  }
0x78: {  	s21 =	sadd.s32 s24, s20;
	[tilespmem:s19+$0x270] =	vst v2;
	v2 =	vsel vm6, $0x0, v1  }
0x79: {  	[tilespmem:s19+$0x250] =	vst v48;
	s21 =	sshrl.u32 s21, $0x3;
	v2 =	vxor.u32 $0x80000000, v2  }
0x7a: {  	[tilespmem:s19+$0x260] =	vst v49;
	s25 =	sadd.s32 $0x200, s19;
	s21 =	sadd.s32 s21, s7;
	(xrf0) =	vmax.scan.msk.u32 $0xffff, v2  }
0x7b: {  	[hbm4b:s21+s3] =	stream.linear.scatter [tilespmem:s25], [sflag:$0x1], $0x80, $0x38;
	[tilespmem:$0x4080] =	vst v63  }
0x7c: {  	s26 =	spop (v2sf)  }
0x7d: {  	s28 =	sxor.u32 $0x80000000, s26  }
0x7e: {  	s29 =	sshra.s32 s28, $0x1F  }
0x7f: {  	s23 =	sshrl.u32 s29, $0x19  }
0x80: {  	s23 =	sadd.s32 s23, s28;
	v2, _, _ =	vpop (xrf0)  }
0x81: {  	p2 =	sgt.s32 s26, $0xFFFFFFFF;
	p1 =	slt.s32 s28, $0x1;
	s30 =	sand.u32 $0xFFFFFF80, s23;
	(v2sf) =	vpush v2, $0xF  }
0x82: {  	p0 =	por p2, p1;
	p3 =	sne.s32 s28, s30  }
0x83: {  	p0 =	por !p0, !p3  }
0x84: {  	s22 =	simm.s32 $0x1;
	p0 =	por !p0, !p0  }
0x85: {  	s23 =	sshra.s32 s23, $0x7;
	s22 =	simm.s32 @!p0 $0x0  }
0x86: {  	s22 =	ssub.s32 s23, s22  }
0x87: {  	s24 =	simm.s32 $0xFFFFFFFF;
	s21 =	sand.u32 $0x7F, s26;
	s31 =	sand.u32 $0x1FFFFFF, s22  }
0x88: {  	p0 =	seq.s32 s26, $0x80000000;
	s23 =	simm.f32 $0.0e+00;
	p1 =	sne.s32 s31, $0x0  }
0x89: {  	s25 =	simm.f32 $0.0e+00;
	v2 =	vmov s21;
	s23 =	simm.s32 @!p0 $0x3651BA72;
	s24 =	simm.s32 @!p1 $0x0  }
0x8a: {  	vm1 =	veq.s32 v2, v0;
	s25 =	simm.s32 @!p0 $0x3F666666;
	v2 =	vmov s23;
	v3 =	vmov s24;
	s24 =	sadd.s32 $0xFFFFFFF0, s21  }
0x8b: {  	s26 =	sadd.s32 $0xFFFFFFE0, s21;
	v50 =	vsel vm1, s25, v2;
	vm1 =	veq.s32 v3, v0;
	v3 =	vmov s24  }
0x8c: {  	s28 =	sadd.s32 $0xFFFFFFD0, s21;
	v4 =	vsel vm1, $0x0, v50;
	vm1 =	veq.s32 v3, v0;
	v3 =	vmov s26  }
0x8d: {  	s29 =	sadd.s32 $0xFFFFFFC0, s21;
	[tilespmem:s19+$0x280] =	vst v4;
	v51 =	vsel vm1, s25, v2;
	vm1 =	veq.s32 v3, v0;
	v3 =	vmov s28  }
0x8e: {  	s30 =	sadd.s32 $0xFFFFFFB0, s21;
	[tilespmem:s19+$0x290] =	vst v51;
	v52 =	vsel vm1, s25, v2;
	vm1 =	veq.s32 v3, v0;
	v3 =	vmov s29  }
0x8f: {  	s31 =	sadd.s32 $0xFFFFFFA0, s21;
	[tilespmem:s19+$0x2A0] =	vst v52;
	v53 =	vsel vm1, s25, v2;
	vm1 =	veq.s32 v3, v0;
	v3 =	vmov s30  }
0x90: {  	s21 =	sadd.s32 $0xFFFFFF90, s21;
	[tilespmem:s19+$0x2B0] =	vst v53;
	v54 =	vsel vm1, s25, v2;
	vm1 =	veq.s32 v3, v0;
	v3 =	vmov s31;
	s26 =	spop (v2sf)  }
0x91: {  	s24 =	sshll.u32 s22, $0xA;
	[tilespmem:s19+$0x2C0] =	vst v54;
	v55 =	vsel vm1, s25, v2;
	vm1 =	veq.s32 v3, v0;
	v3 =	vmov s21;
	s28 =	sxor.u32 $0x80000000, s26  }
0x92: {  	s21 =	sadd.s32 s24, s20;
	[tilespmem:s19+$0x2D0] =	vst v55;
	v56 =	vsel vm1, s25, v2;
	vm1 =	veq.s32 v3, v0;
	s29 =	sshra.s32 s28, $0x1F  }
0x93: {  	s21 =	sshrl.u32 s21, $0x3;
	[tilespmem:s19+$0x2E0] =	vst v56;
	v2 =	vsel vm1, s25, v2;
	s23 =	sshrl.u32 s29, $0x19  }
0x94: {  	s25 =	sadd.s32 $0x280, s19;
	s21 =	sadd.s32 s21, s8;
	[tilespmem:s19+$0x2F0] =	vst v2;
	v2 =	vsel vm7, $0x0, v1;
	s23 =	sadd.s32 s23, s28  }
0x95: {  	[hbm4b:s21+s3] =	stream.linear.scatter [tilespmem:s25], [sflag:$0x1], $0x80, $0x38;
	v2 =	vxor.u32 $0x80000000, v2;
	[tilespmem:$0x4080] =	vst v63  }
0x96: {  	p5 =	sgt.s32 s26, $0xFFFFFFFF;
	p4 =	slt.s32 s28, $0x1;
	s30 =	sand.u32 $0xFFFFFF80, s23;
	(xrf0) =	vmax.scan.msk.u32 $0xffff, v2  }
0x97: {  	p0 =	por p5, p4;
	p6 =	sne.s32 s28, s30  }
0x98: {  	p0 =	por !p0, !p6  }
0x99: {  	s22 =	simm.s32 $0x1;
	p0 =	por !p0, !p0  }
0x9a: {  	s23 =	sshra.s32 s23, $0x7;
	s22 =	simm.s32 @!p0 $0x0  }
0x9b: {  	s22 =	ssub.s32 s23, s22  }
0x9c: {  	s24 =	simm.s32 $0xFFFFFFFF;
	s21 =	sand.u32 $0x7F, s26;
	s31 =	sand.u32 $0x1FFFFFF, s22;
	v2, _, _ =	vpop (xrf0)  }
0x9d: {  	p0 =	seq.s32 s26, $0x80000000;
	s23 =	simm.f32 $0.0e+00;
	p1 =	sne.s32 s31, $0x0;
	(v2sf) =	vpush v2, $0xF  }
0x9e: {  	s25 =	simm.f32 $0.0e+00;
	s23 =	simm.s32 @!p0 $0x3651BA72;
	s24 =	simm.s32 @!p1 $0x0;
	v2 =	vmov s21  }
0x9f: {  	s25 =	simm.s32 @!p0 $0x3F666666;
	vm1 =	veq.s32 v2, v0;
	v2 =	vmov s23;
	v3 =	vmov s24;
	s24 =	sadd.s32 $0xFFFFFFF0, s21  }
0xa0: {  	s26 =	sadd.s32 $0xFFFFFFE0, s21;
	v57 =	vsel vm1, s25, v2;
	vm1 =	veq.s32 v3, v0;
	v3 =	vmov s24  }
0xa1: {  	s28 =	sadd.s32 $0xFFFFFFD0, s21;
	v4 =	vsel vm1, $0x0, v57;
	vm1 =	veq.s32 v3, v0;
	v3 =	vmov s26  }
0xa2: {  	s29 =	sadd.s32 $0xFFFFFFC0, s21;
	[tilespmem:s19+$0x300] =	vst v4;
	v58 =	vsel vm1, s25, v2;
	vm1 =	veq.s32 v3, v0;
	v3 =	vmov s28  }
0xa3: {  	s30 =	sadd.s32 $0xFFFFFFB0, s21;
	[tilespmem:s19+$0x310] =	vst v58;
	v59 =	vsel vm1, s25, v2;
	vm1 =	veq.s32 v3, v0;
	v3 =	vmov s29  }
0xa4: {  	s31 =	sadd.s32 $0xFFFFFFA0, s21;
	[tilespmem:s19+$0x320] =	vst v59;
	v60 =	vsel vm1, s25, v2;
	vm1 =	veq.s32 v3, v0;
	v3 =	vmov s30  }
0xa5: {  	s21 =	sadd.s32 $0xFFFFFF90, s21;
	[tilespmem:s19+$0x330] =	vst v60;
	v61 =	vsel vm1, s25, v2;
	vm1 =	veq.s32 v3, v0;
	v3 =	vmov s31  }
0xa6: {  	s24 =	sshll.u32 s22, $0xA;
	[tilespmem:s19+$0x340] =	vst v61;
	v62 =	vsel vm1, s25, v2;
	vm1 =	veq.s32 v3, v0;
	v3 =	vmov s21  }
0xa7: {  	s21 =	sadd.s32 s24, s20;
	[tilespmem:s19+$0x350] =	vst v62;
	v63 =	vsel vm1, s25, v2;
	vm1 =	veq.s32 v3, v0  }
0xa8: {  	s21 =	sshrl.u32 s21, $0x3;
	[tilespmem:s19+$0x360] =	vst v63;
	v2 =	vsel vm1, s25, v2  }
0xa9: {  	s25 =	sadd.s32 $0x300, s19;
	s21 =	sadd.s32 s21, s9;
	[tilespmem:s19+$0x370] =	vst v2;
	v2 =	vsel vm8, $0x0, v1  }
0xaa: {  	[hbm4b:s21+s3] =	stream.linear.scatter [tilespmem:s25], [sflag:$0x1], $0x80, $0x38;
	v2 =	vxor.u32 $0x80000000, v2;
	[tilespmem:$0x4080] =	vst v63  }
0xab: {  	(xrf0) =	vmax.scan.msk.u32 $0xffff, v2  }
0xac: {  	s26 =	spop (v2sf)  }
0xad: {  	s28 =	sxor.u32 $0x80000000, s26  }
0xae: {  	s29 =	sshra.s32 s28, $0x1F  }
0xaf: {  	s23 =	sshrl.u32 s29, $0x19  }
0xb0: {  	s23 =	sadd.s32 s23, s28  }
0xb1: {  	p2 =	sgt.s32 s26, $0xFFFFFFFF;
	p1 =	slt.s32 s28, $0x1;
	v2, _, _ =	vpop (xrf0);
	s30 =	sand.u32 $0xFFFFFF80, s23  }
0xb2: {  	p0 =	por p2, p1;
	(v2sf) =	vpush v2, $0xF;
	p3 =	sne.s32 s28, s30  }
0xb3: {  	p0 =	por !p0, !p3  }
0xb4: {  	s22 =	simm.s32 $0x1;
	p0 =	por !p0, !p0  }
0xb5: {  	s23 =	sshra.s32 s23, $0x7;
	s22 =	simm.s32 @!p0 $0x0  }
0xb6: {  	s22 =	ssub.s32 s23, s22  }
0xb7: {  	s24 =	simm.s32 $0xFFFFFFFF;
	s21 =	sand.u32 $0x7F, s26;
	s31 =	sand.u32 $0x1FFFFFF, s22  }
0xb8: {  	p0 =	seq.s32 s26, $0x80000000;
	s23 =	simm.f32 $0.0e+00;
	p1 =	sne.s32 s31, $0x0  }
0xb9: {  	s25 =	simm.f32 $0.0e+00;
	v2 =	vmov s21;
	s23 =	simm.s32 @!p0 $0x3651BA72;
	s24 =	simm.s32 @!p1 $0x0  }
0xba: {  	vm1 =	veq.s32 v2, v0;
	s25 =	simm.s32 @!p0 $0x3F666666;
	v2 =	vmov s23;
	v3 =	vmov s24;
	s24 =	sadd.s32 $0xFFFFFFF0, s21  }
0xbb: {  	s26 =	sadd.s32 $0xFFFFFFE0, s21;
	v8 =	vsel vm1, s25, v2;
	vm1 =	veq.s32 v3, v0;
	v3 =	vmov s24  }
0xbc: {  	s28 =	sadd.s32 $0xFFFFFFD0, s21;
	v4 =	vsel vm1, $0x0, v8;
	vm1 =	veq.s32 v3, v0;
	v3 =	vmov s26  }
0xbd: {  	s29 =	sadd.s32 $0xFFFFFFC0, s21;
	[tilespmem:s19+$0x380] =	vst v4;
	v9 =	vsel vm1, s25, v2;
	vm1 =	veq.s32 v3, v0;
	v3 =	vmov s28  }
0xbe: {  	s30 =	sadd.s32 $0xFFFFFFB0, s21;
	[tilespmem:s19+$0x390] =	vst v9;
	v10 =	vsel vm1, s25, v2;
	vm1 =	veq.s32 v3, v0;
	v3 =	vmov s29  }
0xbf: {  	s31 =	sadd.s32 $0xFFFFFFA0, s21;
	[tilespmem:s19+$0x3A0] =	vst v10;
	v11 =	vsel vm1, s25, v2;
	vm1 =	veq.s32 v3, v0;
	v3 =	vmov s30  }
0xc0: {  	s21 =	sadd.s32 $0xFFFFFF90, s21;
	[tilespmem:s19+$0x3B0] =	vst v11;
	v12 =	vsel vm1, s25, v2;
	vm1 =	veq.s32 v3, v0;
	v3 =	vmov s31  }
0xc1: {  	s24 =	sshll.u32 s22, $0xA;
	s26 =	spop (v2sf);
	[tilespmem:s19+$0x3C0] =	vst v12;
	v13 =	vsel vm1, s25, v2;
	vm1 =	veq.s32 v3, v0;
	v3 =	vmov s21  }
0xc2: {  	s21 =	sadd.s32 s24, s20;
	s28 =	sxor.u32 $0x80000000, s26;
	[tilespmem:s19+$0x3D0] =	vst v13;
	v14 =	vsel vm1, s25, v2;
	vm1 =	veq.s32 v3, v0  }
0xc3: {  	s21 =	sshrl.u32 s21, $0x3;
	s29 =	sshra.s32 s28, $0x1F;
	[tilespmem:s19+$0x3E0] =	vst v14;
	v2 =	vsel vm1, s25, v2  }
0xc4: {  	s25 =	sadd.s32 $0x380, s19;
	s21 =	sadd.s32 s21, s10;
	s23 =	sshrl.u32 s29, $0x19;
	[tilespmem:s19+$0x3F0] =	vst v2;
	v2 =	vsel vm9, $0x0, v1  }
0xc5: {  	[hbm4b:s21+s3] =	stream.linear.scatter [tilespmem:s25], [sflag:$0x1], $0x80, $0x38;
	v2 =	vxor.u32 $0x80000000, v2;
	[tilespmem:$0x4080] =	vst v63  }
0xc6: {  	s23 =	sadd.s32 s23, s28;
	(xrf0) =	vmax.scan.msk.u32 $0xffff, v2  }
0xc7: {  	p5 =	sgt.s32 s26, $0xFFFFFFFF;
	p4 =	slt.s32 s28, $0x1;
	s30 =	sand.u32 $0xFFFFFF80, s23  }
0xc8: {  	p0 =	por p5, p4;
	p6 =	sne.s32 s28, s30  }
0xc9: {  	p0 =	por !p0, !p6  }
0xca: {  	s22 =	simm.s32 $0x1;
	p0 =	por !p0, !p0  }
0xcb: {  	s23 =	sshra.s32 s23, $0x7;
	s22 =	simm.s32 @!p0 $0x0  }
0xcc: {  	s22 =	ssub.s32 s23, s22;
	v2, _, _ =	vpop (xrf0)  }
0xcd: {  	s24 =	simm.s32 $0xFFFFFFFF;
	s21 =	sand.u32 $0x7F, s26;
	s31 =	sand.u32 $0x1FFFFFF, s22;
	(v2sf) =	vpush v2, $0xF  }
0xce: {  	p0 =	seq.s32 s26, $0x80000000;
	s23 =	simm.f32 $0.0e+00;
	p1 =	sne.s32 s31, $0x0  }
0xcf: {  	s25 =	simm.f32 $0.0e+00;
	s23 =	simm.s32 @!p0 $0x3651BA72;
	s24 =	simm.s32 @!p1 $0x0;
	v2 =	vmov s21  }
0xd0: {  	s25 =	simm.s32 @!p0 $0x3F666666;
	vm1 =	veq.s32 v2, v0;
	v2 =	vmov s23;
	v3 =	vmov s24;
	s24 =	sadd.s32 $0xFFFFFFF0, s21  }
0xd1: {  	s26 =	sadd.s32 $0xFFFFFFE0, s21;
	v15 =	vsel vm1, s25, v2;
	vm1 =	veq.s32 v3, v0;
	v3 =	vmov s24  }
0xd2: {  	s28 =	sadd.s32 $0xFFFFFFD0, s21;
	v4 =	vsel vm1, $0x0, v15;
	vm1 =	veq.s32 v3, v0;
	v3 =	vmov s26  }
0xd3: {  	s29 =	sadd.s32 $0xFFFFFFC0, s21;
	[tilespmem:s19+$0x400] =	vst v4;
	v16 =	vsel vm1, s25, v2;
	vm1 =	veq.s32 v3, v0;
	v3 =	vmov s28  }
0xd4: {  	s30 =	sadd.s32 $0xFFFFFFB0, s21;
	[tilespmem:s19+$0x410] =	vst v16;
	v17 =	vsel vm1, s25, v2;
	vm1 =	veq.s32 v3, v0;
	v3 =	vmov s29  }
0xd5: {  	s31 =	sadd.s32 $0xFFFFFFA0, s21;
	[tilespmem:s19+$0x420] =	vst v17;
	v18 =	vsel vm1, s25, v2;
	vm1 =	veq.s32 v3, v0;
	v3 =	vmov s30  }
0xd6: {  	s21 =	sadd.s32 $0xFFFFFF90, s21;
	[tilespmem:s19+$0x430] =	vst v18;
	v19 =	vsel vm1, s25, v2;
	vm1 =	veq.s32 v3, v0;
	v3 =	vmov s31  }
0xd7: {  	s22 =	sshll.u32 s22, $0xA;
	[tilespmem:s19+$0x440] =	vst v19;
	v20 =	vsel vm1, s25, v2;
	vm1 =	veq.s32 v3, v0;
	v3 =	vmov s21  }
0xd8: {  	s20 =	sadd.s32 s22, s20;
	[tilespmem:s19+$0x450] =	vst v20;
	v21 =	vsel vm1, s25, v2;
	vm1 =	veq.s32 v3, v0  }
0xd9: {  	s20 =	sshrl.u32 s20, $0x3;
	[tilespmem:s19+$0x460] =	vst v21;
	v2 =	vsel vm1, s25, v2  }
0xda: {  	s23 =	sadd.s32 $0x400, s19;
	s20 =	sadd.s32 s20, s11;
	[tilespmem:s19+$0x470] =	vst v2;
	v2 =	vsel vm10, $0x0, v1  }
0xdb: {  	[hbm4b:s20+s3] =	stream.linear.scatter [tilespmem:s23], [sflag:$0x1], $0x80, $0x38;
	v2 =	vxor.u32 $0x80000000, v2;
	[tilespmem:$0x4080] =	vst v63  }
0xdc: {  	(xrf0) =	vmax.scan.msk.u32 $0xffff, v2;
	s24 =	spop (v2sf)  }
0xdd: {  	s25 =	sxor.u32 $0x80000000, s24  }
0xde: {  	s26 =	sshra.s32 s25, $0x1F  }
0xdf: {  	s22 =	sshrl.u32 s26, $0x19  }
0xe0: {  	s22 =	sadd.s32 s22, s25  }
0xe1: {  	p2 =	sgt.s32 s24, $0xFFFFFFFF;
	p1 =	slt.s32 s25, $0x1;
	s28 =	sand.u32 $0xFFFFFF80, s22  }
0xe2: {  	p0 =	por p2, p1;
	v2, _, _ =	vpop (xrf0);
	p3 =	sne.s32 s25, s28  }
0xe3: {  	(v2sf) =	vpush v2, $0xF;
	p0 =	por !p0, !p3  }
0xe4: {  	s21 =	simm.s32 $0x1;
	p0 =	por !p0, !p0  }
0xe5: {  	s22 =	sshra.s32 s22, $0x7;
	s21 =	simm.s32 @!p0 $0x0  }
0xe6: {  	s21 =	ssub.s32 s22, s21  }
0xe7: {  	s23 =	simm.s32 $0xFFFFFFFF;
	s20 =	sand.u32 $0x7F, s24;
	s29 =	sand.u32 $0x1FFFFFF, s21  }
0xe8: {  	p0 =	seq.s32 s24, $0x80000000;
	s22 =	simm.f32 $0.0e+00;
	p1 =	sne.s32 s29, $0x0  }
0xe9: {  	v2 =	vmov s20;
	s24 =	simm.f32 $0.0e+00;
	s22 =	simm.s32 @!p0 $0x3651BA72;
	s23 =	simm.s32 @!p1 $0x0  }
0xea: {  	s30 =	sadd.s32 $0xFFFFFFF0, s20;
	vm1 =	veq.s32 v2, v0;
	s24 =	simm.s32 @!p0 $0x3F666666;
	v2 =	vmov s22;
	v3 =	vmov s23  }
0xeb: {  	s31 =	sadd.s32 $0xFFFFFFE0, s20;
	v22 =	vsel vm1, s24, v2;
	vm1 =	veq.s32 v3, v0;
	v3 =	vmov s30  }
0xec: {  	s23 =	sadd.s32 $0xFFFFFFD0, s20;
	v4 =	vsel vm1, $0x0, v22;
	vm1 =	veq.s32 v3, v0;
	v3 =	vmov s31  }
0xed: {  	s25 =	sadd.s32 $0xFFFFFFC0, s20;
	[tilespmem:s19+$0x480] =	vst v4;
	v23 =	vsel vm1, s24, v2;
	vm1 =	veq.s32 v3, v0;
	v3 =	vmov s23  }
0xee: {  	s26 =	sadd.s32 $0xFFFFFFB0, s20;
	[tilespmem:s19+$0x490] =	vst v23;
	v24 =	vsel vm1, s24, v2;
	vm1 =	veq.s32 v3, v0;
	v3 =	vmov s25  }
0xef: {  	s29 =	sadd.s32 $0xFFFFFFA0, s20;
	[tilespmem:s19+$0x4A0] =	vst v24;
	v25 =	vsel vm1, s24, v2;
	vm1 =	veq.s32 v3, v0;
	v3 =	vmov s26  }
0xf0: {  	s28 =	rddreg [dreg:$0x4];
	s20 =	sadd.s32 $0xFFFFFF90, s20;
	[tilespmem:s19+$0x4B0] =	vst v25;
	v26 =	vsel vm1, s24, v2;
	vm1 =	veq.s32 v3, v0;
	v3 =	vmov s29  }
0xf1: {  	s21 =	sshll.u32 s21, $0xA;
	[tilespmem:s19+$0x4C0] =	vst v26;
	v27 =	vsel vm1, s24, v2;
	vm1 =	veq.s32 v3, v0;
	v3 =	vmov s20;
	s20 =	sadd.s32 s16, s28  }
0xf2: {  	s31 =	spop (v2sf);
	[tilespmem:s19+$0x4D0] =	vst v27;
	v28 =	vsel vm1, s24, v2;
	vm1 =	veq.s32 v3, v0;
	s21 =	sadd.s32 s21, s20  }
0xf3: {  	[tilespmem:s19+$0x4E0] =	vst v28;
	v2 =	vsel vm1, s24, v2;
	s21 =	sshrl.u32 s21, $0x3;
	s24 =	sxor.u32 $0x80000000, s31  }
0xf4: {  	s30 =	sadd.s32 $0x480, s19;
	[tilespmem:s19+$0x4F0] =	vst v2;
	s21 =	sadd.s32 s2, s21;
	s25 =	sshra.s32 s24, $0x1F  }
0xf5: {  	v2 =	vsel vm11, $0x0, v1;
	[hbm4b:s21+s3] =	stream.linear.scatter [tilespmem:s30], [sflag:$0x1], $0x80, $0x38;
	[tilespmem:$0x4080] =	vst v63  }
0xf6: {  	s23 =	sshrl.u32 s25, $0x19;
	v2 =	vxor.u32 $0x80000000, v2  }
0xf7: {  	s23 =	sadd.s32 s23, s24;
	(xrf0) =	vmax.scan.msk.u32 $0xffff, v2  }
0xf8: {  	p5 =	sgt.s32 s31, $0xFFFFFFFF;
	p4 =	slt.s32 s24, $0x1;
	s26 =	sand.u32 $0xFFFFFF80, s23  }
0xf9: {  	p0 =	por p5, p4;
	p6 =	sne.s32 s24, s26  }
0xfa: {  	p0 =	por !p0, !p6  }
0xfb: {  	s22 =	simm.s32 $0x1;
	p0 =	por !p0, !p0  }
0xfc: {  	s23 =	sshra.s32 s23, $0x7;
	s22 =	simm.s32 @!p0 $0x0  }
0xfd: {  	s22 =	ssub.s32 s23, s22;
	v2, _, _ =	vpop (xrf0)  }
0xfe: {  	s21 =	sand.u32 $0x7F, s31;
	s24 =	simm.s32 $0xFFFFFFFF;
	s28 =	sand.u32 $0x1FFFFFF, s22;
	(v2sf) =	vpush v2, $0xF  }
0xff: {  	p0 =	seq.s32 s31, $0x80000000;
	s23 =	simm.f32 $0.0e+00;
	p1 =	sne.s32 s28, $0x0  }
0x100: {  	s25 =	simm.f32 $0.0e+00;
	s23 =	simm.s32 @!p0 $0x3651BA72;
	v2 =	vmov s21;
	s24 =	simm.s32 @!p1 $0x0  }
0x101: {  	s29 =	sadd.s32 $0xFFFFFFF0, s21;
	s25 =	simm.s32 @!p0 $0x3F666666;
	vm1 =	veq.s32 v2, v0;
	v2 =	vmov s23;
	v3 =	vmov s24  }
0x102: {  	s30 =	sadd.s32 $0xFFFFFFE0, s21;
	v29 =	vsel vm1, s25, v2;
	vm1 =	veq.s32 v3, v0;
	v3 =	vmov s29  }
0x103: {  	s31 =	sadd.s32 $0xFFFFFFD0, s21;
	v4 =	vsel vm1, $0x0, v29;
	vm1 =	veq.s32 v3, v0;
	v3 =	vmov s30  }
0x104: {  	s24 =	sadd.s32 $0xFFFFFFC0, s21;
	[tilespmem:s19+$0x500] =	vst v4;
	v30 =	vsel vm1, s25, v2;
	vm1 =	veq.s32 v3, v0;
	v3 =	vmov s31  }
0x105: {  	s26 =	sadd.s32 $0xFFFFFFB0, s21;
	[tilespmem:s19+$0x510] =	vst v30;
	v31 =	vsel vm1, s25, v2;
	vm1 =	veq.s32 v3, v0;
	v3 =	vmov s24  }
0x106: {  	s28 =	sadd.s32 $0xFFFFFFA0, s21;
	[tilespmem:s19+$0x520] =	vst v31;
	v32 =	vsel vm1, s25, v2;
	vm1 =	veq.s32 v3, v0;
	v3 =	vmov s26  }
0x107: {  	s21 =	sadd.s32 $0xFFFFFF90, s21;
	[tilespmem:s19+$0x530] =	vst v32;
	v33 =	vsel vm1, s25, v2;
	vm1 =	veq.s32 v3, v0;
	v3 =	vmov s28  }
0x108: {  	s29 =	sshll.u32 s22, $0xA;
	[tilespmem:s19+$0x540] =	vst v33;
	v34 =	vsel vm1, s25, v2;
	vm1 =	veq.s32 v3, v0;
	v3 =	vmov s21  }
0x109: {  	s21 =	sadd.s32 s29, s20;
	[tilespmem:s19+$0x550] =	vst v34;
	v35 =	vsel vm1, s25, v2;
	vm1 =	veq.s32 v3, v0  }
0x10a: {  	s21 =	sshrl.u32 s21, $0x3;
	[tilespmem:s19+$0x560] =	vst v35;
	v2 =	vsel vm1, s25, v2  }
0x10b: {  	s30 =	sadd.s32 $0x500, s19;
	s21 =	sadd.s32 s21, s5;
	[tilespmem:s19+$0x570] =	vst v2;
	v2 =	vsel vm12, $0x0, v1  }
0x10c: {  	[hbm4b:s21+s3] =	stream.linear.scatter [tilespmem:s30], [sflag:$0x1], $0x80, $0x38;
	v2 =	vxor.u32 $0x80000000, v2;
	[tilespmem:$0x4080] =	vst v63  }
0x10d: {  	s31 =	spop (v2sf);
	(xrf0) =	vmax.scan.msk.u32 $0xffff, v2  }
0x10e: {  	s24 =	sxor.u32 $0x80000000, s31  }
0x10f: {  	s25 =	sshra.s32 s24, $0x1F  }
0x110: {  	s23 =	sshrl.u32 s25, $0x19  }
0x111: {  	s23 =	sadd.s32 s23, s24  }
0x112: {  	p2 =	sgt.s32 s31, $0xFFFFFFFF;
	p1 =	slt.s32 s24, $0x1;
	s26 =	sand.u32 $0xFFFFFF80, s23  }
0x113: {  	p0 =	por p2, p1;
	p3 =	sne.s32 s24, s26;
	v2, _, _ =	vpop (xrf0)  }
0x114: {  	p0 =	por !p0, !p3;
	(v2sf) =	vpush v2, $0xF  }
0x115: {  	s22 =	simm.s32 $0x1;
	p0 =	por !p0, !p0  }
0x116: {  	s23 =	sshra.s32 s23, $0x7;
	s22 =	simm.s32 @!p0 $0x0  }
0x117: {  	s22 =	ssub.s32 s23, s22  }
0x118: {  	s21 =	sand.u32 $0x7F, s31;
	s24 =	simm.s32 $0xFFFFFFFF;
	s28 =	sand.u32 $0x1FFFFFF, s22  }
0x119: {  	p0 =	seq.s32 s31, $0x80000000;
	s23 =	simm.f32 $0.0e+00;
	p1 =	sne.s32 s28, $0x0  }
0x11a: {  	s25 =	simm.f32 $0.0e+00;
	v2 =	vmov s21;
	s23 =	simm.s32 @!p0 $0x3651BA72;
	s24 =	simm.s32 @!p1 $0x0  }
0x11b: {  	s29 =	sadd.s32 $0xFFFFFFF0, s21;
	vm1 =	veq.s32 v2, v0;
	s25 =	simm.s32 @!p0 $0x3F666666;
	v2 =	vmov s23;
	v3 =	vmov s24  }
0x11c: {  	s30 =	sadd.s32 $0xFFFFFFE0, s21;
	v36 =	vsel vm1, s25, v2;
	vm1 =	veq.s32 v3, v0;
	v3 =	vmov s29  }
0x11d: {  	s31 =	sadd.s32 $0xFFFFFFD0, s21;
	v4 =	vsel vm1, $0x0, v36;
	vm1 =	veq.s32 v3, v0;
	v3 =	vmov s30  }
0x11e: {  	s24 =	sadd.s32 $0xFFFFFFC0, s21;
	[tilespmem:s19+$0x580] =	vst v4;
	v37 =	vsel vm1, s25, v2;
	vm1 =	veq.s32 v3, v0;
	v3 =	vmov s31  }
0x11f: {  	s26 =	sadd.s32 $0xFFFFFFB0, s21;
	[tilespmem:s19+$0x590] =	vst v37;
	v38 =	vsel vm1, s25, v2;
	vm1 =	veq.s32 v3, v0;
	v3 =	vmov s24  }
0x120: {  	s28 =	sadd.s32 $0xFFFFFFA0, s21;
	[tilespmem:s19+$0x5A0] =	vst v38;
	v39 =	vsel vm1, s25, v2;
	vm1 =	veq.s32 v3, v0;
	v3 =	vmov s26  }
0x121: {  	s21 =	sadd.s32 $0xFFFFFF90, s21;
	[tilespmem:s19+$0x5B0] =	vst v39;
	v40 =	vsel vm1, s25, v2;
	vm1 =	veq.s32 v3, v0;
	v3 =	vmov s28  }
0x122: {  	s29 =	sshll.u32 s22, $0xA;
	[tilespmem:s19+$0x5C0] =	vst v40;
	v41 =	vsel vm1, s25, v2;
	vm1 =	veq.s32 v3, v0;
	v3 =	vmov s21  }
0x123: {  	s21 =	sadd.s32 s29, s20;
	[tilespmem:s19+$0x5D0] =	vst v41;
	v42 =	vsel vm1, s25, v2;
	vm1 =	veq.s32 v3, v0;
	s31 =	spop (v2sf)  }
0x124: {  	s21 =	sshrl.u32 s21, $0x3;
	[tilespmem:s19+$0x5E0] =	vst v42;
	v2 =	vsel vm1, s25, v2;
	s24 =	sxor.u32 $0x80000000, s31  }
0x125: {  	s30 =	sadd.s32 $0x580, s19;
	s21 =	sadd.s32 s21, s6;
	[tilespmem:s19+$0x5F0] =	vst v2;
	s25 =	sshra.s32 s24, $0x1F  }
0x126: {  	v2 =	vsel vm13, $0x0, v1;
	[hbm4b:s21+s3] =	stream.linear.scatter [tilespmem:s30], [sflag:$0x1], $0x80, $0x38;
	[tilespmem:$0x4080] =	vst v63  }
0x127: {  	s23 =	sshrl.u32 s25, $0x19;
	v2 =	vxor.u32 $0x80000000, v2  }
0x128: {  	s23 =	sadd.s32 s23, s24;
	(xrf0) =	vmax.scan.msk.u32 $0xffff, v2  }
0x129: {  	p5 =	sgt.s32 s31, $0xFFFFFFFF;
	p4 =	slt.s32 s24, $0x1;
	s26 =	sand.u32 $0xFFFFFF80, s23  }
0x12a: {  	p0 =	por p5, p4;
	p6 =	sne.s32 s24, s26  }
0x12b: {  	p0 =	por !p0, !p6  }
0x12c: {  	s22 =	simm.s32 $0x1;
	p0 =	por !p0, !p0  }
0x12d: {  	s23 =	sshra.s32 s23, $0x7;
	s22 =	simm.s32 @!p0 $0x0  }
0x12e: {  	s22 =	ssub.s32 s23, s22;
	v2, _, _ =	vpop (xrf0)  }
0x12f: {  	s21 =	sand.u32 $0x7F, s31;
	s24 =	simm.s32 $0xFFFFFFFF;
	s28 =	sand.u32 $0x1FFFFFF, s22;
	(v2sf) =	vpush v2, $0xF  }
0x130: {  	p0 =	seq.s32 s31, $0x80000000;
	s23 =	simm.f32 $0.0e+00;
	p1 =	sne.s32 s28, $0x0  }
0x131: {  	s25 =	simm.f32 $0.0e+00;
	s23 =	simm.s32 @!p0 $0x3651BA72;
	v2 =	vmov s21;
	s24 =	simm.s32 @!p1 $0x0  }
0x132: {  	s29 =	sadd.s32 $0xFFFFFFF0, s21;
	s25 =	simm.s32 @!p0 $0x3F666666;
	vm1 =	veq.s32 v2, v0;
	v2 =	vmov s23;
	v3 =	vmov s24  }
0x133: {  	s30 =	sadd.s32 $0xFFFFFFE0, s21;
	v43 =	vsel vm1, s25, v2;
	vm1 =	veq.s32 v3, v0;
	v3 =	vmov s29  }
0x134: {  	s31 =	sadd.s32 $0xFFFFFFD0, s21;
	v4 =	vsel vm1, $0x0, v43;
	vm1 =	veq.s32 v3, v0;
	v3 =	vmov s30  }
0x135: {  	s24 =	sadd.s32 $0xFFFFFFC0, s21;
	[tilespmem:s19+$0x600] =	vst v4;
	v44 =	vsel vm1, s25, v2;
	vm1 =	veq.s32 v3, v0;
	v3 =	vmov s31  }
0x136: {  	s26 =	sadd.s32 $0xFFFFFFB0, s21;
	[tilespmem:s19+$0x610] =	vst v44;
	v45 =	vsel vm1, s25, v2;
	vm1 =	veq.s32 v3, v0;
	v3 =	vmov s24  }
0x137: {  	s28 =	sadd.s32 $0xFFFFFFA0, s21;
	[tilespmem:s19+$0x620] =	vst v45;
	v46 =	vsel vm1, s25, v2;
	vm1 =	veq.s32 v3, v0;
	v3 =	vmov s26  }
0x138: {  	s21 =	sadd.s32 $0xFFFFFF90, s21;
	[tilespmem:s19+$0x630] =	vst v46;
	v47 =	vsel vm1, s25, v2;
	vm1 =	veq.s32 v3, v0;
	v3 =	vmov s28  }
0x139: {  	s29 =	sshll.u32 s22, $0xA;
	[tilespmem:s19+$0x640] =	vst v47;
	v48 =	vsel vm1, s25, v2;
	vm1 =	veq.s32 v3, v0;
	v3 =	vmov s21  }
0x13a: {  	s21 =	sadd.s32 s29, s20;
	[tilespmem:s19+$0x650] =	vst v48;
	v49 =	vsel vm1, s25, v2;
	vm1 =	veq.s32 v3, v0  }
0x13b: {  	s21 =	sshrl.u32 s21, $0x3;
	[tilespmem:s19+$0x660] =	vst v49;
	v2 =	vsel vm1, s25, v2  }
0x13c: {  	s30 =	sadd.s32 $0x600, s19;
	s21 =	sadd.s32 s21, s7;
	[tilespmem:s19+$0x670] =	vst v2;
	v2 =	vsel vm14, $0x0, v1  }
0x13d: {  	[hbm4b:s21+s3] =	stream.linear.scatter [tilespmem:s30], [sflag:$0x1], $0x80, $0x38;
	v2 =	vxor.u32 $0x80000000, v2;
	[tilespmem:$0x4080] =	vst v63  }
0x13e: {  	s31 =	spop (v2sf);
	(xrf0) =	vmax.scan.msk.u32 $0xffff, v2  }
0x13f: {  	s24 =	sxor.u32 $0x80000000, s31  }
0x140: {  	s25 =	sshra.s32 s24, $0x1F  }
0x141: {  	s23 =	sshrl.u32 s25, $0x19  }
0x142: {  	s23 =	sadd.s32 s23, s24  }
0x143: {  	p2 =	sgt.s32 s31, $0xFFFFFFFF;
	p1 =	slt.s32 s24, $0x1;
	s26 =	sand.u32 $0xFFFFFF80, s23  }
0x144: {  	p0 =	por p2, p1;
	p3 =	sne.s32 s24, s26;
	v2, _, _ =	vpop (xrf0)  }
0x145: {  	p0 =	por !p0, !p3;
	(v2sf) =	vpush v2, $0xF  }
0x146: {  	s22 =	simm.s32 $0x1;
	p0 =	por !p0, !p0  }
0x147: {  	s23 =	sshra.s32 s23, $0x7;
	s22 =	simm.s32 @!p0 $0x0  }
0x148: {  	s22 =	ssub.s32 s23, s22  }
0x149: {  	s21 =	sand.u32 $0x7F, s31;
	s24 =	simm.s32 $0xFFFFFFFF;
	s28 =	sand.u32 $0x1FFFFFF, s22  }
0x14a: {  	p0 =	seq.s32 s31, $0x80000000;
	s23 =	simm.f32 $0.0e+00;
	p1 =	sne.s32 s28, $0x0  }
0x14b: {  	s25 =	simm.f32 $0.0e+00;
	v2 =	vmov s21;
	s23 =	simm.s32 @!p0 $0x3651BA72;
	s24 =	simm.s32 @!p1 $0x0  }
0x14c: {  	s29 =	sadd.s32 $0xFFFFFFF0, s21;
	vm1 =	veq.s32 v2, v0;
	s25 =	simm.s32 @!p0 $0x3F666666;
	v2 =	vmov s23;
	v3 =	vmov s24  }
0x14d: {  	s30 =	sadd.s32 $0xFFFFFFE0, s21;
	v50 =	vsel vm1, s25, v2;
	vm1 =	veq.s32 v3, v0;
	v3 =	vmov s29  }
0x14e: {  	s31 =	sadd.s32 $0xFFFFFFD0, s21;
	v4 =	vsel vm1, $0x0, v50;
	vm1 =	veq.s32 v3, v0;
	v3 =	vmov s30  }
0x14f: {  	s24 =	sadd.s32 $0xFFFFFFC0, s21;
	[tilespmem:s19+$0x680] =	vst v4;
	v51 =	vsel vm1, s25, v2;
	vm1 =	veq.s32 v3, v0;
	v3 =	vmov s31  }
0x150: {  	s26 =	sadd.s32 $0xFFFFFFB0, s21;
	[tilespmem:s19+$0x690] =	vst v51;
	v52 =	vsel vm1, s25, v2;
	vm1 =	veq.s32 v3, v0;
	v3 =	vmov s24  }
0x151: {  	s28 =	sadd.s32 $0xFFFFFFA0, s21;
	[tilespmem:s19+$0x6A0] =	vst v52;
	v53 =	vsel vm1, s25, v2;
	vm1 =	veq.s32 v3, v0;
	v3 =	vmov s26  }
0x152: {  	s21 =	sadd.s32 $0xFFFFFF90, s21;
	[tilespmem:s19+$0x6B0] =	vst v53;
	v54 =	vsel vm1, s25, v2;
	vm1 =	veq.s32 v3, v0;
	v3 =	vmov s28  }
0x153: {  	s29 =	sshll.u32 s22, $0xA;
	[tilespmem:s19+$0x6C0] =	vst v54;
	v55 =	vsel vm1, s25, v2;
	vm1 =	veq.s32 v3, v0;
	v3 =	vmov s21  }
0x154: {  	s21 =	sadd.s32 s29, s20;
	[tilespmem:s19+$0x6D0] =	vst v55;
	v56 =	vsel vm1, s25, v2;
	vm1 =	veq.s32 v3, v0;
	s31 =	spop (v2sf)  }
0x155: {  	s21 =	sshrl.u32 s21, $0x3;
	[tilespmem:s19+$0x6E0] =	vst v56;
	v2 =	vsel vm1, s25, v2;
	s24 =	sxor.u32 $0x80000000, s31  }
0x156: {  	s30 =	sadd.s32 $0x680, s19;
	s21 =	sadd.s32 s21, s8;
	[tilespmem:s19+$0x6F0] =	vst v2;
	s25 =	sshra.s32 s24, $0x1F  }
0x157: {  	v2 =	vsel vm3, $0x0, v1;
	[hbm4b:s21+s3] =	stream.linear.scatter [tilespmem:s30], [sflag:$0x1], $0x80, $0x38;
	[tilespmem:$0x4080] =	vst v63  }
0x158: {  	s23 =	sshrl.u32 s25, $0x19;
	v2 =	vxor.u32 $0x80000000, v2  }
0x159: {  	s23 =	sadd.s32 s23, s24;
	(xrf0) =	vmax.scan.msk.u32 $0xffff, v2  }
0x15a: {  	p5 =	sgt.s32 s31, $0xFFFFFFFF;
	p4 =	slt.s32 s24, $0x1;
	s26 =	sand.u32 $0xFFFFFF80, s23  }
0x15b: {  	p0 =	por p5, p4;
	p6 =	sne.s32 s24, s26  }
0x15c: {  	p0 =	por !p0, !p6  }
0x15d: {  	s22 =	simm.s32 $0x1;
	p0 =	por !p0, !p0  }
0x15e: {  	s23 =	sshra.s32 s23, $0x7;
	s22 =	simm.s32 @!p0 $0x0  }
0x15f: {  	s22 =	ssub.s32 s23, s22;
	v2, _, _ =	vpop (xrf0)  }
0x160: {  	s21 =	sand.u32 $0x7F, s31;
	s24 =	simm.s32 $0xFFFFFFFF;
	s28 =	sand.u32 $0x1FFFFFF, s22;
	(v2sf) =	vpush v2, $0xF  }
0x161: {  	p0 =	seq.s32 s31, $0x80000000;
	s23 =	simm.f32 $0.0e+00;
	p1 =	sne.s32 s28, $0x0  }
0x162: {  	s25 =	simm.f32 $0.0e+00;
	s23 =	simm.s32 @!p0 $0x3651BA72;
	v2 =	vmov s21;
	s24 =	simm.s32 @!p1 $0x0  }
0x163: {  	s29 =	sadd.s32 $0xFFFFFFF0, s21;
	s25 =	simm.s32 @!p0 $0x3F666666;
	vm1 =	veq.s32 v2, v0;
	v2 =	vmov s23;
	v3 =	vmov s24  }
0x164: {  	s30 =	sadd.s32 $0xFFFFFFE0, s21;
	v57 =	vsel vm1, s25, v2;
	vm1 =	veq.s32 v3, v0;
	v3 =	vmov s29  }
0x165: {  	s31 =	sadd.s32 $0xFFFFFFD0, s21;
	v4 =	vsel vm1, $0x0, v57;
	vm1 =	veq.s32 v3, v0;
	v3 =	vmov s30  }
0x166: {  	s24 =	sadd.s32 $0xFFFFFFC0, s21;
	[tilespmem:s19+$0x700] =	vst v4;
	v58 =	vsel vm1, s25, v2;
	vm1 =	veq.s32 v3, v0;
	v3 =	vmov s31  }
0x167: {  	s26 =	sadd.s32 $0xFFFFFFB0, s21;
	[tilespmem:s19+$0x710] =	vst v58;
	v59 =	vsel vm1, s25, v2;
	vm1 =	veq.s32 v3, v0;
	v3 =	vmov s24  }
0x168: {  	s28 =	sadd.s32 $0xFFFFFFA0, s21;
	[tilespmem:s19+$0x720] =	vst v59;
	v60 =	vsel vm1, s25, v2;
	vm1 =	veq.s32 v3, v0;
	v3 =	vmov s26  }
0x169: {  	s21 =	sadd.s32 $0xFFFFFF90, s21;
	[tilespmem:s19+$0x730] =	vst v60;
	v61 =	vsel vm1, s25, v2;
	vm1 =	veq.s32 v3, v0;
	v3 =	vmov s28  }
0x16a: {  	s29 =	sshll.u32 s22, $0xA;
	[tilespmem:s19+$0x740] =	vst v61;
	v62 =	vsel vm1, s25, v2;
	vm1 =	veq.s32 v3, v0;
	v3 =	vmov s21  }
0x16b: {  	v1 =	vsel vm15, $0x0, v1;
	s21 =	sadd.s32 s29, s20;
	[tilespmem:s19+$0x750] =	vst v62;
	v63 =	vsel vm1, s25, v2;
	vm1 =	veq.s32 v3, v0  }
0x16c: {  	v1 =	vxor.u32 $0x80000000, v1;
	s21 =	sshrl.u32 s21, $0x3;
	[tilespmem:s19+$0x760] =	vst v63;
	v2 =	vsel vm1, s25, v2  }
0x16d: {  	(xrf0) =	vmax.scan.msk.u32 $0xffff, v1;
	s30 =	sadd.s32 $0x700, s19;
	s21 =	sadd.s32 s21, s9;
	[tilespmem:s19+$0x770] =	vst v2  }
0x16e: {  	[hbm4b:s21+s3] =	stream.linear.scatter [tilespmem:s30], [sflag:$0x1], $0x80, $0x38;
	[tilespmem:$0x4080] =	vst v63  }
0x16f: {  	s31 =	spop (v2sf)  }
0x170: {  	s24 =	sxor.u32 $0x80000000, s31  }
0x171: {  	s25 =	sshra.s32 s24, $0x1F  }
0x172: {  	s23 =	sshrl.u32 s25, $0x19  }
0x173: {  	s23 =	sadd.s32 s23, s24  }
0x174: {  	v1, _, _ =	vpop (xrf0);
	p2 =	sgt.s32 s31, $0xFFFFFFFF;
	p1 =	slt.s32 s24, $0x1;
	s26 =	sand.u32 $0xFFFFFF80, s23  }
0x175: {  	(v2sf) =	vpush v1, $0xF;
	p0 =	por p2, p1;
	p3 =	sne.s32 s24, s26  }
0x176: {  	p0 =	por !p0, !p3  }
0x177: {  	s22 =	simm.s32 $0x1;
	p0 =	por !p0, !p0  }
0x178: {  	s23 =	sshra.s32 s23, $0x7;
	s22 =	simm.s32 @!p0 $0x0  }
0x179: {  	s22 =	ssub.s32 s23, s22  }
0x17a: {  	s21 =	sand.u32 $0x7F, s31;
	s24 =	simm.s32 $0xFFFFFFFF;
	s28 =	sand.u32 $0x1FFFFFF, s22  }
0x17b: {  	p0 =	seq.s32 s31, $0x80000000;
	s23 =	simm.f32 $0.0e+00;
	p1 =	sne.s32 s28, $0x0  }
0x17c: {  	v1 =	vmov s21;
	s25 =	simm.f32 $0.0e+00;
	s23 =	simm.s32 @!p0 $0x3651BA72;
	s24 =	simm.s32 @!p1 $0x0  }
0x17d: {  	s29 =	sadd.s32 $0xFFFFFFF0, s21;
	vm1 =	veq.s32 v1, v0;
	s25 =	simm.s32 @!p0 $0x3F666666;
	v1 =	vmov s23;
	v2 =	vmov s24  }
0x17e: {  	s30 =	sadd.s32 $0xFFFFFFE0, s21;
	v3 =	vsel vm1, s25, v1;
	vm1 =	veq.s32 v2, v0;
	v2 =	vmov s29  }
0x17f: {  	s31 =	sadd.s32 $0xFFFFFFD0, s21;
	v3 =	vsel vm1, $0x0, v3;
	vm1 =	veq.s32 v2, v0;
	v2 =	vmov s30  }
0x180: {  	s24 =	sadd.s32 $0xFFFFFFC0, s21;
	[tilespmem:s19+$0x780] =	vst v3;
	v3 =	vsel vm1, s25, v1;
	vm1 =	veq.s32 v2, v0;
	v2 =	vmov s31  }
0x181: {  	s26 =	sadd.s32 $0xFFFFFFB0, s21;
	[tilespmem:s19+$0x790] =	vst v3;
	v3 =	vsel vm1, s25, v1;
	vm1 =	veq.s32 v2, v0;
	v2 =	vmov s24  }
0x182: {  	s28 =	sadd.s32 $0xFFFFFFA0, s21;
	[tilespmem:s19+$0x7A0] =	vst v3;
	v3 =	vsel vm1, s25, v1;
	vm1 =	veq.s32 v2, v0;
	v2 =	vmov s26  }
0x183: {  	s21 =	sadd.s32 $0xFFFFFF90, s21;
	[tilespmem:s19+$0x7B0] =	vst v3;
	v3 =	vsel vm1, s25, v1;
	vm1 =	veq.s32 v2, v0;
	v2 =	vmov s28  }
0x184: {  	s29 =	sshll.u32 s22, $0xA;
	s31 =	spop (v2sf);
	[tilespmem:s19+$0x7C0] =	vst v3;
	v3 =	vsel vm1, s25, v1;
	vm1 =	veq.s32 v2, v0;
	v2 =	vmov s21  }
0x185: {  	s24 =	sxor.u32 $0x80000000, s31;
	s21 =	sadd.s32 s29, s20;
	[tilespmem:s19+$0x7D0] =	vst v3;
	v3 =	vsel vm1, s25, v1;
	vm1 =	veq.s32 v2, v0  }
0x186: {  	s21 =	sshrl.u32 s21, $0x3;
	[tilespmem:s19+$0x7E0] =	vst v3;
	v1 =	vsel vm1, s25, v1;
	s25 =	sshra.s32 s24, $0x1F  }
0x187: {  	s30 =	sadd.s32 $0x780, s19;
	s21 =	sadd.s32 s21, s10;
	[tilespmem:s19+$0x7F0] =	vst v1;
	s23 =	sshrl.u32 s25, $0x19  }
0x188: {  	[hbm4b:s21+s3] =	stream.linear.scatter [tilespmem:s30], [sflag:$0x1], $0x80, $0x38;
	[tilespmem:$0x4080] =	vst v63  }
0x189: {  	s23 =	sadd.s32 s23, s24  }
0x18a: {  	p5 =	sgt.s32 s31, $0xFFFFFFFF;
	p4 =	slt.s32 s24, $0x1;
	s26 =	sand.u32 $0xFFFFFF80, s23  }
0x18b: {  	p0 =	por p5, p4;
	p6 =	sne.s32 s24, s26  }
0x18c: {  	p0 =	por !p0, !p6  }
0x18d: {  	s22 =	simm.s32 $0x1;
	p0 =	por !p0, !p0  }
0x18e: {  	s23 =	sshra.s32 s23, $0x7;
	s22 =	simm.s32 @!p0 $0x0  }
0x18f: {  	s22 =	ssub.s32 s23, s22  }
0x190: {  	s21 =	sand.u32 $0x7F, s31;
	s24 =	simm.s32 $0xFFFFFFFF;
	s28 =	sand.u32 $0x1FFFFFF, s22  }
0x191: {  	p0 =	seq.s32 s31, $0x80000000;
	s23 =	simm.f32 $0.0e+00;
	p1 =	sne.s32 s28, $0x0  }
0x192: {  	s25 =	simm.f32 $0.0e+00;
	v1 =	vmov s21;
	s23 =	simm.s32 @!p0 $0x3651BA72;
	s24 =	simm.s32 @!p1 $0x0  }
0x193: {  	s29 =	sadd.s32 $0xFFFFFFF0, s21;
	vm1 =	veq.s32 v1, v0;
	s25 =	simm.s32 @!p0 $0x3F666666;
	v1 =	vmov s23;
	v2 =	vmov s24  }
0x194: {  	s30 =	sadd.s32 $0xFFFFFFE0, s21;
	v3 =	vsel vm1, s25, v1;
	vm1 =	veq.s32 v2, v0;
	v2 =	vmov s29  }
0x195: {  	s31 =	sadd.s32 $0xFFFFFFD0, s21;
	v3 =	vsel vm1, $0x0, v3;
	vm1 =	veq.s32 v2, v0;
	v2 =	vmov s30  }
0x196: {  	s24 =	sadd.s32 $0xFFFFFFC0, s21;
	[tilespmem:s19+$0x800] =	vst v3;
	v3 =	vsel vm1, s25, v1;
	vm1 =	veq.s32 v2, v0;
	v2 =	vmov s31  }
0x197: {  	s26 =	sadd.s32 $0xFFFFFFB0, s21;
	[tilespmem:s19+$0x810] =	vst v3;
	v3 =	vsel vm1, s25, v1;
	vm1 =	veq.s32 v2, v0;
	v2 =	vmov s24  }
0x198: {  	s28 =	sadd.s32 $0xFFFFFFA0, s21;
	[tilespmem:s19+$0x820] =	vst v3;
	v3 =	vsel vm1, s25, v1;
	vm1 =	veq.s32 v2, v0;
	v2 =	vmov s26  }
0x199: {  	p0 =	sne.s32 s17, $0xE000;
	s21 =	sadd.s32 $0xFFFFFF90, s21;
	[tilespmem:s19+$0x830] =	vst v3;
	v3 =	vsel vm1, s25, v1;
	vm1 =	veq.s32 v2, v0;
	v2 =	vmov s28  }
.Ltmp0:
0x19a: {  	s29 =	sshll.u32 s22, $0xA;
	[tilespmem:s19+$0x840] =	vst v3;
	v3 =	vsel vm1, s25, v1;
	vm1 =	veq.s32 v2, v0;
	v2 =	vmov s21;
	(pc) =	sbr.rel @p0 .LBB2_2-.Ltmp0, $4  }
0x19b: {  	s20 =	sadd.s32 s29, s20;
	[tilespmem:s19+$0x850] =	vst v3;
	v3 =	vsel vm1, s25, v1;
	vm1 =	veq.s32 v2, v0  }
0x19c: {  	s18 =	sadd.s32 $0x10, s18;
	s16 =	sadd.s32 $0x7D000, s16;
	s20 =	sshrl.u32 s20, $0x3;
	v1 =	vsel vm1, s25, v1;
	[tilespmem:s19+$0x860] =	vst v3  }
0x19d: {  	s17 =	sadd.s32 $0x2000, s17;
	s30 =	sadd.s32 $0x800, s19;
	s31 =	sadd.s32 s20, s11;
	[tilespmem:s19+$0x870] =	vst v1  }
0x19e: {  	[hbm4b:s31+s3] =	stream.linear.scatter [tilespmem:s30], [sflag:$0x1], $0x80, $0x38;
	[tilespmem:$0x4080] =	vst v63  }
0x19f: {  	s15 =	sadd.s32 $0x1, s15  }
0x1a0: {  	p0 =	sne.s32 s15, s12  }
.Ltmp1:
0x1a1: {  	_ = 	snop;
	(pc) =	sbr.rel @p0 .LBB2_1-.Ltmp1, $4  }
0x1a2: {  	_ = 	snop  }
0x1a3: {  	_ =	swait.ge [sflag:s14], $0x4000  }
0x1a4: {  	[sflag:s14] =	ssyncset.done $0x0  }
0x1a5: {  	[sflag:s14] =	ssyncadd.s32 $0xFFFFC000  }
0x1a6: {  	_ =	sfence.sel $0x180000  }
0x1a7: {  	[bflag:$0x0] =	sbarrier.arrive $0xFFFF  }
0x1a8: {  	p0 =	sne.s32 s1, $0x0;
	_ =	strace $0x90000047  }
0x1a9: {  	s0 =	sadd.s32 @!p0 $0x100000, s0;
	[bflag:$0x2] =	sbarrier.arrive $0xFFFF  }
0x1aa: {  	[sflag:s0] =	ssyncadd.tile.s32 @!p0 $0x1;
	_ =	shalt  }
.Lfunc_end2:
_tile_overlayer_lowered:
.L_overlay_start_2:
0x1ab: {  	(tag) =	ssettag $0x2  }
0x1ac: {  	s0 =	rddreg [dreg:$0x0];
	s2 =	stileid.u32  }
0x1ad: {  	s1 =	rddreg [dreg:$0x1];
	p0 =	sne.s32 s2, $0x0  }
0x1ae: {  	s3 =	rddreg [dreg:$0x2];
	[bflag:$0x3] =	sbarrier.arrive $0xFFFF;
	s2 =	simm.s32 @!p0 $0x1C02  }
0x1af: {  	[timem:s3], [sflag:s2] =	dma.local @!p0 [hbm:s0], s1  }
0x1b0: {  	s0 =	simm.s32 @!p0 $0x2  }
0x1b1: {  	_ =	swait.ge @!p0 [sflag:s0], s1  }
0x1b2: {  	s1 =	ssub.s32 @!p0 $0x0, s1;
	[sflag:s0] =	ssyncset.done @!p0 $0x0  }
0x1b3: {  	[sflag:s0] =	ssyncadd.s32 @!p0 s1  }
0x1b4: {  	[bflag:$0x3] =	sbarrier.arrive $0xFFFF  }
0x1b5: {  	_ =	shalt  }

</sc_bundles>
